<compile_context>
chip_gen: v7x
topology: tpu7x:2x2x1
jax: 0.10.2.dev20260603
libtpu: 0.0.44.dev20260713+nightly
codegen_flags: <defaults>
</compile_context>

<pallas_src>
import functools

import jax
import jax.numpy as jnp
from jax import lax
from jax.experimental import pallas as pl
from jax.experimental.pallas import tpu as pltpu
from jax.experimental.pallas import tpu_sc as plsc

BATCH = 4096
EMB_DIM = 128
MAX_NORM = 1.0

NUM_CORES = 2
NUM_SUBCORES = 16
LANES = 16
NUM_WORKERS = NUM_CORES * NUM_SUBCORES
B_PER_W = BATCH // NUM_WORKERS
CHUNKS = EMB_DIM // LANES
GROUP = LANES
N_GROUPS = B_PER_W // GROUP


def _tree_sum(vals):
  vals = list(vals)
  while len(vals) > 1:
    nxt = [a + b for a, b in zip(vals[::2], vals[1::2])]
    if len(vals) % 2:
      nxt.append(vals[-1])
    vals = nxt
  return vals[0]


def _sc_lookup(idx, table):
  mesh = plsc.VectorSubcoreMesh(core_axis_name="c", subcore_axis_name="s")

  @functools.partial(
      pl.kernel,
      mesh=mesh,
      out_type=jax.ShapeDtypeStruct((BATCH, EMB_DIM), jnp.float32),
      scratch_types=[
          pltpu.VMEM((B_PER_W,), jnp.int32),
          pltpu.VMEM((B_PER_W, EMB_DIM), jnp.float32),
          pltpu.VMEM((B_PER_W, EMB_DIM), jnp.float32),
          [pltpu.SemaphoreType.DMA] * N_GROUPS,
          pltpu.SemaphoreType.DMA,
      ],
      compiler_params=pltpu.CompilerParams(needs_layout_passes=False),
  )
  def body(idx_hbm, table_hbm, out_hbm, idx_v, rows_v, out_v, gsems, wsem):
    wid = lax.axis_index("s") * NUM_CORES + lax.axis_index("c")
    base = wid * B_PER_W
    pltpu.sync_copy(idx_hbm.at[pl.ds(base, B_PER_W)], idx_v)
    gathers = []
    for g in range(N_GROUPS):
      r0 = g * GROUP
      gathers.append(
          pltpu.async_copy(table_hbm.at[idx_v.at[pl.ds(r0, GROUP)]],
                           rows_v.at[pl.ds(r0, GROUP)], gsems[g]))

    def group_fn(g, carry):
      r0 = g * GROUP
      for k in range(N_GROUPS):
        @pl.when(g == k)
        def _(k=k):
          gathers[k].wait()

      for j in range(GROUP):
        vs = [rows_v[r0 + j, pl.ds(c * LANES, LANES)] for c in range(CHUNKS)]
        sq = _tree_sum([v * v for v in vs])
        s = lax.reduce_sum_p.bind(sq, axes=(0,))
        s = jnp.maximum(s, jnp.float32(1e-30))
        i = lax.bitcast_convert_type(s, jnp.int32)
        i = 0x5F3759DF - lax.shift_right_logical(i, 1)
        y = lax.bitcast_convert_type(i, jnp.float32)
        half = 0.5 * s
        for _ in range(3):
          y = y * (1.5 - half * y * y)
        sc = jnp.where(s * y > MAX_NORM, y, jnp.float32(1.0))
        splat = jnp.full((LANES,), sc, jnp.float32)
        for c in range(CHUNKS):
          out_v[r0 + j, pl.ds(c * LANES, LANES)] = vs[c] * splat
      pltpu.async_copy(out_v.at[pl.ds(r0, GROUP)],
                       out_hbm.at[pl.ds(base + r0, GROUP)], wsem)
      return carry

    lax.fori_loop(0, N_GROUPS, group_fn, 0)
    pltpu.make_async_copy(out_v, out_hbm.at[pl.ds(base, B_PER_W)],
                          wsem).wait()

  return body(idx, table)


def kernel(batch_radicalindices, rademb_weight):
  idx = batch_radicalindices.reshape(-1).astype(jnp.int32)
  out = _sc_lookup(idx, rademb_weight)
  return out.reshape(BATCH, 1, EMB_DIM)

# --- scband reference (transcript-rebuilt; emitter-appended) ---
"""Pipeline reference for scband-nonpositional-radicallist-encoder-3590592660105 (READ-ONLY COPY).

The authoritative reference and input builder live on the scoring server;
editing this copy changes nothing except your own understanding.
"""

import jax, jax.numpy as jnp
import numpy as np

NUM_RADICALS = 100000
EMB_DIM = 128
BATCH = 4096
MAX_NORM = 1.0
EPS = 1e-7


def setup_inputs(seed: int = 0) -> dict:
    key = jax.random.key(seed)
    k_idx, k_tab = jax.random.split(key)
    batch_radicalindices = jax.random.randint(k_idx, (BATCH, 1), 0, NUM_RADICALS, dtype=jnp.int64 if jax.config.jax_enable_x64 else jnp.int32)
    rademb_weight = jax.random.normal(k_tab, (NUM_RADICALS, EMB_DIM), dtype=jnp.float32)
    return {"batch_radicalindices": batch_radicalindices, "rademb_weight": rademb_weight}


def reference(batch_radicalindices, rademb_weight):
    # nn.Embedding(num_radicals, emb_dim, max_norm=1):
    # rows whose L2 norm exceeds max_norm are renormalized before lookup.
    gathered = jnp.take(rademb_weight, batch_radicalindices, axis=0)  # [B, 1, D]
    norm = jnp.linalg.norm(gathered, ord=2, axis=-1, keepdims=True)
    scale = jnp.where(norm > MAX_NORM, MAX_NORM / (norm + EPS), 1.0)
    batch_embedding = gathered * scale
    return batch_embedding

if __name__ == "__main__":
    import jax
    _d = setup_inputs()
    print(jax.jit(kernel)(*tuple(_d.values())))

</pallas_src>

<mosaic_0001>
#map = affine_map<(d0, d1) -> (0)>
#map1 = affine_map<(d0, d1) -> (0, 0)>
module attributes {stable_mosaic.version = 14 : i64} {
  func.func @body(%arg0: i32, %arg1: i32, %arg2: memref<4096xi32, #tpu.memory_space<hbm>>, %arg3: memref<100000x128xf32, #tpu.memory_space<hbm>>, %arg4: memref<4096x128xf32, #tpu.memory_space<hbm>>, %arg5: memref<128xi32, #tpu.memory_space<vmem>>, %arg6: memref<128x128xf32, #tpu.memory_space<vmem>>, %arg7: memref<128x128xf32, #tpu.memory_space<vmem>>, %arg8: memref<!tpu.dma_semaphore, #tpu.memory_space<semaphore_mem>>, %arg9: memref<!tpu.dma_semaphore, #tpu.memory_space<semaphore_mem>>, %arg10: memref<!tpu.dma_semaphore, #tpu.memory_space<semaphore_mem>>, %arg11: memref<!tpu.dma_semaphore, #tpu.memory_space<semaphore_mem>>, %arg12: memref<!tpu.dma_semaphore, #tpu.memory_space<semaphore_mem>>, %arg13: memref<!tpu.dma_semaphore, #tpu.memory_space<semaphore_mem>>, %arg14: memref<!tpu.dma_semaphore, #tpu.memory_space<semaphore_mem>>, %arg15: memref<!tpu.dma_semaphore, #tpu.memory_space<semaphore_mem>>, %arg16: memref<!tpu.dma_semaphore, #tpu.memory_space<semaphore_mem>>) attributes {dimension_semantics = [#tpu.dimension_semantics<core_parallel>, #tpu.dimension_semantics<subcore_parallel>], iteration_bounds = array<i64: 2, 16>, scalar_prefetch = 0 : i64, scratch_operands = 12 : i64, tpu.core_type = #tpu.core_type<sc_vector_subcore>, window_params = [{transform_indices = #map}, {transform_indices = #map1}, {transform_indices = #map1}]} {
    %mul3A = arith.constant 2 : i32
    %mul3A_0 = arith.muli %arg1, %mul3A : i32
    %add3A = arith.addi %mul3A_0, %arg0 : i32
    %mul3A_1 = arith.constant 128 : i32
    %mul3A_2 = arith.muli %add3A, %mul3A_1 : i32
    "tpu.region"() ({
      %run_scoped3A = tpu.sem_alloc : memref<!tpu.dma_semaphore, #tpu.memory_space<semaphore_mem>>
      %dma_start3A_74 = tpu.memref_slice %arg2[%mul3A_2] : memref<4096xi32, #tpu.memory_space<hbm>> -> memref<128xi32, #tpu.memory_space<hbm>>
      %dma_start3A_75 = tpu.memref_slice %arg2[%mul3A_2] : memref<4096xi32, #tpu.memory_space<hbm>> -> memref<128xi32, #tpu.memory_space<hbm>>
      tpu.enqueue_dma source(%dma_start3A_75 : memref<128xi32, #tpu.memory_space<hbm>>) target(%arg5 : memref<128xi32, #tpu.memory_space<vmem>>) target_semaphore(%run_scoped3A : memref<!tpu.dma_semaphore, #tpu.memory_space<semaphore_mem>>)
      %dma_wait3A_76 = tpu.memref_slice %arg2[%mul3A_2] : memref<4096xi32, #tpu.memory_space<hbm>> -> memref<128xi32, #tpu.memory_space<hbm>>
      %dma_wait3A_77 = tpu.memref_slice %arg2[%mul3A_2] : memref<4096xi32, #tpu.memory_space<hbm>> -> memref<128xi32, #tpu.memory_space<hbm>>
      tpu.wait_dma2 semaphore(%run_scoped3A : memref<!tpu.dma_semaphore, #tpu.memory_space<semaphore_mem>>) src(%dma_wait3A_77 : memref<128xi32, #tpu.memory_space<hbm>>) dst(%arg5 : memref<128xi32, #tpu.memory_space<vmem>>)
      tpu.yield
    }) : () -> ()
    %dma_start3A = arith.constant 0 : i32
    %dma_start3A_3 = arith.constant 0 : i32
    %dma_start3A_4 = tpu.memref_slice %arg6[%dma_start3A, %dma_start3A_3] : memref<128x128xf32, #tpu.memory_space<vmem>> -> memref<16x128xf32, #tpu.memory_space<vmem>>
    %dma_start3A_5 = arith.constant 0 : i32
    %dma_start3A_6 = tpu.memref_slice %arg5[%dma_start3A_5] : memref<128xi32, #tpu.memory_space<vmem>> -> memref<16xi32, #tpu.memory_space<vmem>>
    %dma_start3A_7 = arith.constant 0 : i32
    %dma_start3A_8 = arith.constant 0 : i32
    %dma_start3A_9 = tpu.memref_slice %arg3[%dma_start3A_7, %dma_start3A_8] : memref<100000x128xf32, #tpu.memory_space<hbm>> -> memref<100000x128xf32, #tpu.memory_space<hbm>>
    tpu.enqueue_indirect_dma source(%dma_start3A_9 : memref<100000x128xf32, #tpu.memory_space<hbm>>) target(%dma_start3A_4 : memref<16x128xf32, #tpu.memory_space<vmem>>) offsets(%dma_start3A_6 : memref<16xi32, #tpu.memory_space<vmem>>) semaphore(%arg8 : memref<!tpu.dma_semaphore, #tpu.memory_space<semaphore_mem>>)
    %dma_start3A_10 = arith.constant 16 : i32
    %dma_start3A_11 = arith.constant 0 : i32
    %dma_start3A_12 = tpu.memref_slice %arg6[%dma_start3A_10, %dma_start3A_11] : memref<128x128xf32, #tpu.memory_space<vmem>> -> memref<16x128xf32, #tpu.memory_space<vmem>>
    %dma_start3A_13 = arith.constant 16 : i32
    %dma_start3A_14 = tpu.memref_slice %arg5[%dma_start3A_13] : memref<128xi32, #tpu.memory_space<vmem>> -> memref<16xi32, #tpu.memory_space<vmem>>
    %dma_start3A_15 = arith.constant 0 : i32
    %dma_start3A_16 = arith.constant 0 : i32
    %dma_start3A_17 = tpu.memref_slice %arg3[%dma_start3A_15, %dma_start3A_16] : memref<100000x128xf32, #tpu.memory_space<hbm>> -> memref<100000x128xf32, #tpu.memory_space<hbm>>
    tpu.enqueue_indirect_dma source(%dma_start3A_17 : memref<100000x128xf32, #tpu.memory_space<hbm>>) target(%dma_start3A_12 : memref<16x128xf32, #tpu.memory_space<vmem>>) offsets(%dma_start3A_14 : memref<16xi32, #tpu.memory_space<vmem>>) semaphore(%arg9 : memref<!tpu.dma_semaphore, #tpu.memory_space<semaphore_mem>>)
    %dma_start3A_18 = arith.constant 32 : i32
    %dma_start3A_19 = arith.constant 0 : i32
    %dma_start3A_20 = tpu.memref_slice %arg6[%dma_start3A_18, %dma_start3A_19] : memref<128x128xf32, #tpu.memory_space<vmem>> -> memref<16x128xf32, #tpu.memory_space<vmem>>
    %dma_start3A_21 = arith.constant 32 : i32
    %dma_start3A_22 = tpu.memref_slice %arg5[%dma_start3A_21] : memref<128xi32, #tpu.memory_space<vmem>> -> memref<16xi32, #tpu.memory_space<vmem>>
    %dma_start3A_23 = arith.constant 0 : i32
    %dma_start3A_24 = arith.constant 0 : i32
    %dma_start3A_25 = tpu.memref_slice %arg3[%dma_start3A_23, %dma_start3A_24] : memref<100000x128xf32, #tpu.memory_space<hbm>> -> memref<100000x128xf32, #tpu.memory_space<hbm>>
    tpu.enqueue_indirect_dma source(%dma_start3A_25 : memref<100000x128xf32, #tpu.memory_space<hbm>>) target(%dma_start3A_20 : memref<16x128xf32, #tpu.memory_space<vmem>>) offsets(%dma_start3A_22 : memref<16xi32, #tpu.memory_space<vmem>>) semaphore(%arg10 : memref<!tpu.dma_semaphore, #tpu.memory_space<semaphore_mem>>)
    %dma_start3A_26 = arith.constant 48 : i32
    %dma_start3A_27 = arith.constant 0 : i32
    %dma_start3A_28 = tpu.memref_slice %arg6[%dma_start3A_26, %dma_start3A_27] : memref<128x128xf32, #tpu.memory_space<vmem>> -> memref<16x128xf32, #tpu.memory_space<vmem>>
    %dma_start3A_29 = arith.constant 48 : i32
    %dma_start3A_30 = tpu.memref_slice %arg5[%dma_start3A_29] : memref<128xi32, #tpu.memory_space<vmem>> -> memref<16xi32, #tpu.memory_space<vmem>>
    %dma_start3A_31 = arith.constant 0 : i32
    %dma_start3A_32 = arith.constant 0 : i32
    %dma_start3A_33 = tpu.memref_slice %arg3[%dma_start3A_31, %dma_start3A_32] : memref<100000x128xf32, #tpu.memory_space<hbm>> -> memref<100000x128xf32, #tpu.memory_space<hbm>>
    tpu.enqueue_indirect_dma source(%dma_start3A_33 : memref<100000x128xf32, #tpu.memory_space<hbm>>) target(%dma_start3A_28 : memref<16x128xf32, #tpu.memory_space<vmem>>) offsets(%dma_start3A_30 : memref<16xi32, #tpu.memory_space<vmem>>) semaphore(%arg11 : memref<!tpu.dma_semaphore, #tpu.memory_space<semaphore_mem>>)
    %dma_start3A_34 = arith.constant 64 : i32
    %dma_start3A_35 = arith.constant 0 : i32
    %dma_start3A_36 = tpu.memref_slice %arg6[%dma_start3A_34, %dma_start3A_35] : memref<128x128xf32, #tpu.memory_space<vmem>> -> memref<16x128xf32, #tpu.memory_space<vmem>>
    %dma_start3A_37 = arith.constant 64 : i32
    %dma_start3A_38 = tpu.memref_slice %arg5[%dma_start3A_37] : memref<128xi32, #tpu.memory_space<vmem>> -> memref<16xi32, #tpu.memory_space<vmem>>
    %dma_start3A_39 = arith.constant 0 : i32
    %dma_start3A_40 = arith.constant 0 : i32
    %dma_start3A_41 = tpu.memref_slice %arg3[%dma_start3A_39, %dma_start3A_40] : memref<100000x128xf32, #tpu.memory_space<hbm>> -> memref<100000x128xf32, #tpu.memory_space<hbm>>
    tpu.enqueue_indirect_dma source(%dma_start3A_41 : memref<100000x128xf32, #tpu.memory_space<hbm>>) target(%dma_start3A_36 : memref<16x128xf32, #tpu.memory_space<vmem>>) offsets(%dma_start3A_38 : memref<16xi32, #tpu.memory_space<vmem>>) semaphore(%arg12 : memref<!tpu.dma_semaphore, #tpu.memory_space<semaphore_mem>>)
    %dma_start3A_42 = arith.constant 80 : i32
    %dma_start3A_43 = arith.constant 0 : i32
    %dma_start3A_44 = tpu.memref_slice %arg6[%dma_start3A_42, %dma_start3A_43] : memref<128x128xf32, #tpu.memory_space<vmem>> -> memref<16x128xf32, #tpu.memory_space<vmem>>
    %dma_start3A_45 = arith.constant 80 : i32
    %dma_start3A_46 = tpu.memref_slice %arg5[%dma_start3A_45] : memref<128xi32, #tpu.memory_space<vmem>> -> memref<16xi32, #tpu.memory_space<vmem>>
    %dma_start3A_47 = arith.constant 0 : i32
    %dma_start3A_48 = arith.constant 0 : i32
    %dma_start3A_49 = tpu.memref_slice %arg3[%dma_start3A_47, %dma_start3A_48] : memref<100000x128xf32, #tpu.memory_space<hbm>> -> memref<100000x128xf32, #tpu.memory_space<hbm>>
    tpu.enqueue_indirect_dma source(%dma_start3A_49 : memref<100000x128xf32, #tpu.memory_space<hbm>>) target(%dma_start3A_44 : memref<16x128xf32, #tpu.memory_space<vmem>>) offsets(%dma_start3A_46 : memref<16xi32, #tpu.memory_space<vmem>>) semaphore(%arg13 : memref<!tpu.dma_semaphore, #tpu.memory_space<semaphore_mem>>)
    %dma_start3A_50 = arith.constant 96 : i32
    %dma_start3A_51 = arith.constant 0 : i32
    %dma_start3A_52 = tpu.memref_slice %arg6[%dma_start3A_50, %dma_start3A_51] : memref<128x128xf32, #tpu.memory_space<vmem>> -> memref<16x128xf32, #tpu.memory_space<vmem>>
    %dma_start3A_53 = arith.constant 96 : i32
    %dma_start3A_54 = tpu.memref_slice %arg5[%dma_start3A_53] : memref<128xi32, #tpu.memory_space<vmem>> -> memref<16xi32, #tpu.memory_space<vmem>>
    %dma_start3A_55 = arith.constant 0 : i32
    %dma_start3A_56 = arith.constant 0 : i32
    %dma_start3A_57 = tpu.memref_slice %arg3[%dma_start3A_55, %dma_start3A_56] : memref<100000x128xf32, #tpu.memory_space<hbm>> -> memref<100000x128xf32, #tpu.memory_space<hbm>>
    tpu.enqueue_indirect_dma source(%dma_start3A_57 : memref<100000x128xf32, #tpu.memory_space<hbm>>) target(%dma_start3A_52 : memref<16x128xf32, #tpu.memory_space<vmem>>) offsets(%dma_start3A_54 : memref<16xi32, #tpu.memory_space<vmem>>) semaphore(%arg14 : memref<!tpu.dma_semaphore, #tpu.memory_space<semaphore_mem>>)
    %dma_start3A_58 = arith.constant 112 : i32
    %dma_start3A_59 = arith.constant 0 : i32
    %dma_start3A_60 = tpu.memref_slice %arg6[%dma_start3A_58, %dma_start3A_59] : memref<128x128xf32, #tpu.memory_space<vmem>> -> memref<16x128xf32, #tpu.memory_space<vmem>>
    %dma_start3A_61 = arith.constant 112 : i32
    %dma_start3A_62 = tpu.memref_slice %arg5[%dma_start3A_61] : memref<128xi32, #tpu.memory_space<vmem>> -> memref<16xi32, #tpu.memory_space<vmem>>
    %dma_start3A_63 = arith.constant 0 : i32
    %dma_start3A_64 = arith.constant 0 : i32
    %dma_start3A_65 = tpu.memref_slice %arg3[%dma_start3A_63, %dma_start3A_64] : memref<100000x128xf32, #tpu.memory_space<hbm>> -> memref<100000x128xf32, #tpu.memory_space<hbm>>
    tpu.enqueue_indirect_dma source(%dma_start3A_65 : memref<100000x128xf32, #tpu.memory_space<hbm>>) target(%dma_start3A_60 : memref<16x128xf32, #tpu.memory_space<vmem>>) offsets(%dma_start3A_62 : memref<16xi32, #tpu.memory_space<vmem>>) semaphore(%arg15 : memref<!tpu.dma_semaphore, #tpu.memory_space<semaphore_mem>>)
    %scan3A = arith.constant 0 : i32
    %scan3A_66 = arith.constant 0 : i32
    %scan3A_67 = arith.constant 8 : i32
    %scan3A_68 = arith.addi %scan3A_66, %scan3A_67 : i32
    %scan3A_69 = arith.constant 1 : i32
    scf.for %scan3A_74 = %scan3A_66 to %scan3A_68 step %scan3A_69  : i32 {
      %mul3A_75 = arith.constant 16 : i32
      %mul3A_76 = arith.muli %scan3A_74, %mul3A_75 : i32
      %eq3A = arith.constant 0 : i32
      %eq3A_77 = arith.cmpi eq, %scan3A_74, %eq3A : i32
      %convert_element_type3A = arith.extui %eq3A_77 : i1 to i32
      %cond3A = arith.constant 0 : i32
      %cond3A_78 = arith.cmpi ne, %convert_element_type3A, %cond3A : i32
      scf.if %cond3A_78 {
        %dma_wait3A_2320 = arith.constant 0 : i32
        %dma_wait3A_2321 = arith.constant 0 : i32
        %dma_wait3A_2322 = tpu.memref_slice %arg6[%dma_wait3A_2320, %dma_wait3A_2321] : memref<128x128xf32, #tpu.memory_space<vmem>> -> memref<16x128xf32, #tpu.memory_space<vmem>>
        %dma_wait3A_2323 = arith.constant 0 : i32
        %dma_wait3A_2324 = tpu.memref_slice %arg5[%dma_wait3A_2323] : memref<128xi32, #tpu.memory_space<vmem>> -> memref<16xi32, #tpu.memory_space<vmem>>
        %dma_wait3A_2325 = arith.constant 0 : i32
        %dma_wait3A_2326 = arith.constant 0 : i32
        %dma_wait3A_2327 = tpu.memref_slice %arg3[%dma_wait3A_2325, %dma_wait3A_2326] : memref<100000x128xf32, #tpu.memory_space<hbm>> -> memref<100000x128xf32, #tpu.memory_space<hbm>>
        tpu.wait_indirect_dma semaphore(%arg8 : memref<!tpu.dma_semaphore, #tpu.memory_space<semaphore_mem>>) src(%dma_wait3A_2327 : memref<100000x128xf32, #tpu.memory_space<hbm>>) dst(%dma_wait3A_2322 : memref<16x128xf32, #tpu.memory_space<vmem>>)
      } else {
      }
      %eq3A_79 = arith.constant 1 : i32
      %eq3A_80 = arith.cmpi eq, %scan3A_74, %eq3A_79 : i32
      %convert_element_type3A_81 = arith.extui %eq3A_80 : i1 to i32
      %cond3A_82 = arith.constant 0 : i32
      %cond3A_83 = arith.cmpi ne, %convert_element_type3A_81, %cond3A_82 : i32
      scf.if %cond3A_83 {
        %dma_wait3A_2320 = arith.constant 16 : i32
        %dma_wait3A_2321 = arith.constant 0 : i32
        %dma_wait3A_2322 = tpu.memref_slice %arg6[%dma_wait3A_2320, %dma_wait3A_2321] : memref<128x128xf32, #tpu.memory_space<vmem>> -> memref<16x128xf32, #tpu.memory_space<vmem>>
        %dma_wait3A_2323 = arith.constant 16 : i32
        %dma_wait3A_2324 = tpu.memref_slice %arg5[%dma_wait3A_2323] : memref<128xi32, #tpu.memory_space<vmem>> -> memref<16xi32, #tpu.memory_space<vmem>>
        %dma_wait3A_2325 = arith.constant 0 : i32
        %dma_wait3A_2326 = arith.constant 0 : i32
        %dma_wait3A_2327 = tpu.memref_slice %arg3[%dma_wait3A_2325, %dma_wait3A_2326] : memref<100000x128xf32, #tpu.memory_space<hbm>> -> memref<100000x128xf32, #tpu.memory_space<hbm>>
        tpu.wait_indirect_dma semaphore(%arg9 : memref<!tpu.dma_semaphore, #tpu.memory_space<semaphore_mem>>) src(%dma_wait3A_2327 : memref<100000x128xf32, #tpu.memory_space<hbm>>) dst(%dma_wait3A_2322 : memref<16x128xf32, #tpu.memory_space<vmem>>)
      } else {
      }
      %eq3A_84 = arith.constant 2 : i32
      %eq3A_85 = arith.cmpi eq, %scan3A_74, %eq3A_84 : i32
      %convert_element_type3A_86 = arith.extui %eq3A_85 : i1 to i32
      %cond3A_87 = arith.constant 0 : i32
      %cond3A_88 = arith.cmpi ne, %convert_element_type3A_86, %cond3A_87 : i32
      scf.if %cond3A_88 {
        %dma_wait3A_2320 = arith.constant 32 : i32
        %dma_wait3A_2321 = arith.constant 0 : i32
        %dma_wait3A_2322 = tpu.memref_slice %arg6[%dma_wait3A_2320, %dma_wait3A_2321] : memref<128x128xf32, #tpu.memory_space<vmem>> -> memref<16x128xf32, #tpu.memory_space<vmem>>
        %dma_wait3A_2323 = arith.constant 32 : i32
        %dma_wait3A_2324 = tpu.memref_slice %arg5[%dma_wait3A_2323] : memref<128xi32, #tpu.memory_space<vmem>> -> memref<16xi32, #tpu.memory_space<vmem>>
        %dma_wait3A_2325 = arith.constant 0 : i32
        %dma_wait3A_2326 = arith.constant 0 : i32
        %dma_wait3A_2327 = tpu.memref_slice %arg3[%dma_wait3A_2325, %dma_wait3A_2326] : memref<100000x128xf32, #tpu.memory_space<hbm>> -> memref<100000x128xf32, #tpu.memory_space<hbm>>
        tpu.wait_indirect_dma semaphore(%arg10 : memref<!tpu.dma_semaphore, #tpu.memory_space<semaphore_mem>>) src(%dma_wait3A_2327 : memref<100000x128xf32, #tpu.memory_space<hbm>>) dst(%dma_wait3A_2322 : memref<16x128xf32, #tpu.memory_space<vmem>>)
      } else {
      }
      %eq3A_89 = arith.constant 3 : i32
      %eq3A_90 = arith.cmpi eq, %scan3A_74, %eq3A_89 : i32
      %convert_element_type3A_91 = arith.extui %eq3A_90 : i1 to i32
      %cond3A_92 = arith.constant 0 : i32
      %cond3A_93 = arith.cmpi ne, %convert_element_type3A_91, %cond3A_92 : i32
      scf.if %cond3A_93 {
        %dma_wait3A_2320 = arith.constant 48 : i32
        %dma_wait3A_2321 = arith.constant 0 : i32
        %dma_wait3A_2322 = tpu.memref_slice %arg6[%dma_wait3A_2320, %dma_wait3A_2321] : memref<128x128xf32, #tpu.memory_space<vmem>> -> memref<16x128xf32, #tpu.memory_space<vmem>>
        %dma_wait3A_2323 = arith.constant 48 : i32
        %dma_wait3A_2324 = tpu.memref_slice %arg5[%dma_wait3A_2323] : memref<128xi32, #tpu.memory_space<vmem>> -> memref<16xi32, #tpu.memory_space<vmem>>
        %dma_wait3A_2325 = arith.constant 0 : i32
        %dma_wait3A_2326 = arith.constant 0 : i32
        %dma_wait3A_2327 = tpu.memref_slice %arg3[%dma_wait3A_2325, %dma_wait3A_2326] : memref<100000x128xf32, #tpu.memory_space<hbm>> -> memref<100000x128xf32, #tpu.memory_space<hbm>>
        tpu.wait_indirect_dma semaphore(%arg11 : memref<!tpu.dma_semaphore, #tpu.memory_space<semaphore_mem>>) src(%dma_wait3A_2327 : memref<100000x128xf32, #tpu.memory_space<hbm>>) dst(%dma_wait3A_2322 : memref<16x128xf32, #tpu.memory_space<vmem>>)
      } else {
      }
      %eq3A_94 = arith.constant 4 : i32
      %eq3A_95 = arith.cmpi eq, %scan3A_74, %eq3A_94 : i32
      %convert_element_type3A_96 = arith.extui %eq3A_95 : i1 to i32
      %cond3A_97 = arith.constant 0 : i32
      %cond3A_98 = arith.cmpi ne, %convert_element_type3A_96, %cond3A_97 : i32
      scf.if %cond3A_98 {
        %dma_wait3A_2320 = arith.constant 64 : i32
        %dma_wait3A_2321 = arith.constant 0 : i32
        %dma_wait3A_2322 = tpu.memref_slice %arg6[%dma_wait3A_2320, %dma_wait3A_2321] : memref<128x128xf32, #tpu.memory_space<vmem>> -> memref<16x128xf32, #tpu.memory_space<vmem>>
        %dma_wait3A_2323 = arith.constant 64 : i32
        %dma_wait3A_2324 = tpu.memref_slice %arg5[%dma_wait3A_2323] : memref<128xi32, #tpu.memory_space<vmem>> -> memref<16xi32, #tpu.memory_space<vmem>>
        %dma_wait3A_2325 = arith.constant 0 : i32
        %dma_wait3A_2326 = arith.constant 0 : i32
        %dma_wait3A_2327 = tpu.memref_slice %arg3[%dma_wait3A_2325, %dma_wait3A_2326] : memref<100000x128xf32, #tpu.memory_space<hbm>> -> memref<100000x128xf32, #tpu.memory_space<hbm>>
        tpu.wait_indirect_dma semaphore(%arg12 : memref<!tpu.dma_semaphore, #tpu.memory_space<semaphore_mem>>) src(%dma_wait3A_2327 : memref<100000x128xf32, #tpu.memory_space<hbm>>) dst(%dma_wait3A_2322 : memref<16x128xf32, #tpu.memory_space<vmem>>)
      } else {
      }
      %eq3A_99 = arith.constant 5 : i32
      %eq3A_100 = arith.cmpi eq, %scan3A_74, %eq3A_99 : i32
      %convert_element_type3A_101 = arith.extui %eq3A_100 : i1 to i32
      %cond3A_102 = arith.constant 0 : i32
      %cond3A_103 = arith.cmpi ne, %convert_element_type3A_101, %cond3A_102 : i32
      scf.if %cond3A_103 {
        %dma_wait3A_2320 = arith.constant 80 : i32
        %dma_wait3A_2321 = arith.constant 0 : i32
        %dma_wait3A_2322 = tpu.memref_slice %arg6[%dma_wait3A_2320, %dma_wait3A_2321] : memref<128x128xf32, #tpu.memory_space<vmem>> -> memref<16x128xf32, #tpu.memory_space<vmem>>
        %dma_wait3A_2323 = arith.constant 80 : i32
        %dma_wait3A_2324 = tpu.memref_slice %arg5[%dma_wait3A_2323] : memref<128xi32, #tpu.memory_space<vmem>> -> memref<16xi32, #tpu.memory_space<vmem>>
        %dma_wait3A_2325 = arith.constant 0 : i32
        %dma_wait3A_2326 = arith.constant 0 : i32
        %dma_wait3A_2327 = tpu.memref_slice %arg3[%dma_wait3A_2325, %dma_wait3A_2326] : memref<100000x128xf32, #tpu.memory_space<hbm>> -> memref<100000x128xf32, #tpu.memory_space<hbm>>
        tpu.wait_indirect_dma semaphore(%arg13 : memref<!tpu.dma_semaphore, #tpu.memory_space<semaphore_mem>>) src(%dma_wait3A_2327 : memref<100000x128xf32, #tpu.memory_space<hbm>>) dst(%dma_wait3A_2322 : memref<16x128xf32, #tpu.memory_space<vmem>>)
      } else {
      }
      %eq3A_104 = arith.constant 6 : i32
      %eq3A_105 = arith.cmpi eq, %scan3A_74, %eq3A_104 : i32
      %convert_element_type3A_106 = arith.extui %eq3A_105 : i1 to i32
      %cond3A_107 = arith.constant 0 : i32
      %cond3A_108 = arith.cmpi ne, %convert_element_type3A_106, %cond3A_107 : i32
      scf.if %cond3A_108 {
        %dma_wait3A_2320 = arith.constant 96 : i32
        %dma_wait3A_2321 = arith.constant 0 : i32
        %dma_wait3A_2322 = tpu.memref_slice %arg6[%dma_wait3A_2320, %dma_wait3A_2321] : memref<128x128xf32, #tpu.memory_space<vmem>> -> memref<16x128xf32, #tpu.memory_space<vmem>>
        %dma_wait3A_2323 = arith.constant 96 : i32
        %dma_wait3A_2324 = tpu.memref_slice %arg5[%dma_wait3A_2323] : memref<128xi32, #tpu.memory_space<vmem>> -> memref<16xi32, #tpu.memory_space<vmem>>
        %dma_wait3A_2325 = arith.constant 0 : i32
        %dma_wait3A_2326 = arith.constant 0 : i32
        %dma_wait3A_2327 = tpu.memref_slice %arg3[%dma_wait3A_2325, %dma_wait3A_2326] : memref<100000x128xf32, #tpu.memory_space<hbm>> -> memref<100000x128xf32, #tpu.memory_space<hbm>>
        tpu.wait_indirect_dma semaphore(%arg14 : memref<!tpu.dma_semaphore, #tpu.memory_space<semaphore_mem>>) src(%dma_wait3A_2327 : memref<100000x128xf32, #tpu.memory_space<hbm>>) dst(%dma_wait3A_2322 : memref<16x128xf32, #tpu.memory_space<vmem>>)
      } else {
      }
      %eq3A_109 = arith.constant 7 : i32
      %eq3A_110 = arith.cmpi eq, %scan3A_74, %eq3A_109 : i32
      %convert_element_type3A_111 = arith.extui %eq3A_110 : i1 to i32
      %cond3A_112 = arith.constant 0 : i32
      %cond3A_113 = arith.cmpi ne, %convert_element_type3A_111, %cond3A_112 : i32
      scf.if %cond3A_113 {
        %dma_wait3A_2320 = arith.constant 112 : i32
        %dma_wait3A_2321 = arith.constant 0 : i32
        %dma_wait3A_2322 = tpu.memref_slice %arg6[%dma_wait3A_2320, %dma_wait3A_2321] : memref<128x128xf32, #tpu.memory_space<vmem>> -> memref<16x128xf32, #tpu.memory_space<vmem>>
        %dma_wait3A_2323 = arith.constant 112 : i32
        %dma_wait3A_2324 = tpu.memref_slice %arg5[%dma_wait3A_2323] : memref<128xi32, #tpu.memory_space<vmem>> -> memref<16xi32, #tpu.memory_space<vmem>>
        %dma_wait3A_2325 = arith.constant 0 : i32
        %dma_wait3A_2326 = arith.constant 0 : i32
        %dma_wait3A_2327 = tpu.memref_slice %arg3[%dma_wait3A_2325, %dma_wait3A_2326] : memref<100000x128xf32, #tpu.memory_space<hbm>> -> memref<100000x128xf32, #tpu.memory_space<hbm>>
        tpu.wait_indirect_dma semaphore(%arg15 : memref<!tpu.dma_semaphore, #tpu.memory_space<semaphore_mem>>) src(%dma_wait3A_2327 : memref<100000x128xf32, #tpu.memory_space<hbm>>) dst(%dma_wait3A_2322 : memref<16x128xf32, #tpu.memory_space<vmem>>)
      } else {
      }
      %add3A_114 = arith.constant 0 : i32
      %add3A_115 = arith.addi %mul3A_76, %add3A_114 : i32
      %get3A = arith.index_cast %add3A_115 : i32 to index
      %get3A_116 = arith.constant 0 : index
      %get3A_117 = tpu.vector_load %arg6[%get3A, %get3A_116] {strides = array<i32>} : memref<128x128xf32, #tpu.memory_space<vmem>>, vector<16xf32>,
      %add3A_118 = arith.constant 0 : i32
      %add3A_119 = arith.addi %mul3A_76, %add3A_118 : i32
      %get3A_120 = arith.index_cast %add3A_119 : i32 to index
      %get3A_121 = arith.constant 16 : index
      %get3A_122 = tpu.vector_load %arg6[%get3A_120, %get3A_121] {strides = array<i32>} : memref<128x128xf32, #tpu.memory_space<vmem>>, vector<16xf32>,
      %add3A_123 = arith.constant 0 : i32
      %add3A_124 = arith.addi %mul3A_76, %add3A_123 : i32
      %get3A_125 = arith.index_cast %add3A_124 : i32 to index
      %get3A_126 = arith.constant 32 : index
      %get3A_127 = tpu.vector_load %arg6[%get3A_125, %get3A_126] {strides = array<i32>} : memref<128x128xf32, #tpu.memory_space<vmem>>, vector<16xf32>,
      %add3A_128 = arith.constant 0 : i32
      %add3A_129 = arith.addi %mul3A_76, %add3A_128 : i32
      %get3A_130 = arith.index_cast %add3A_129 : i32 to index
      %get3A_131 = arith.constant 48 : index
      %get3A_132 = tpu.vector_load %arg6[%get3A_130, %get3A_131] {strides = array<i32>} : memref<128x128xf32, #tpu.memory_space<vmem>>, vector<16xf32>,
      %add3A_133 = arith.constant 0 : i32
      %add3A_134 = arith.addi %mul3A_76, %add3A_133 : i32
      %get3A_135 = arith.index_cast %add3A_134 : i32 to index
      %get3A_136 = arith.constant 64 : index
      %get3A_137 = tpu.vector_load %arg6[%get3A_135, %get3A_136] {strides = array<i32>} : memref<128x128xf32, #tpu.memory_space<vmem>>, vector<16xf32>,
      %add3A_138 = arith.constant 0 : i32
      %add3A_139 = arith.addi %mul3A_76, %add3A_138 : i32
      %get3A_140 = arith.index_cast %add3A_139 : i32 to index
      %get3A_141 = arith.constant 80 : index
      %get3A_142 = tpu.vector_load %arg6[%get3A_140, %get3A_141] {strides = array<i32>} : memref<128x128xf32, #tpu.memory_space<vmem>>, vector<16xf32>,
      %add3A_143 = arith.constant 0 : i32
      %add3A_144 = arith.addi %mul3A_76, %add3A_143 : i32
      %get3A_145 = arith.index_cast %add3A_144 : i32 to index
      %get3A_146 = arith.constant 96 : index
      %get3A_147 = tpu.vector_load %arg6[%get3A_145, %get3A_146] {strides = array<i32>} : memref<128x128xf32, #tpu.memory_space<vmem>>, vector<16xf32>,
      %add3A_148 = arith.constant 0 : i32
      %add3A_149 = arith.addi %mul3A_76, %add3A_148 : i32
      %get3A_150 = arith.index_cast %add3A_149 : i32 to index
      %get3A_151 = arith.constant 112 : index
      %get3A_152 = tpu.vector_load %arg6[%get3A_150, %get3A_151] {strides = array<i32>} : memref<128x128xf32, #tpu.memory_space<vmem>>, vector<16xf32>,
      %mul3A_153 = arith.mulf %get3A_117, %get3A_117 : vector<16xf32>
      %mul3A_154 = arith.mulf %get3A_122, %get3A_122 : vector<16xf32>
      %mul3A_155 = arith.mulf %get3A_127, %get3A_127 : vector<16xf32>
      %mul3A_156 = arith.mulf %get3A_132, %get3A_132 : vector<16xf32>
      %mul3A_157 = arith.mulf %get3A_137, %get3A_137 : vector<16xf32>
      %mul3A_158 = arith.mulf %get3A_142, %get3A_142 : vector<16xf32>
      %mul3A_159 = arith.mulf %get3A_147, %get3A_147 : vector<16xf32>
      %mul3A_160 = arith.mulf %get3A_152, %get3A_152 : vector<16xf32>
      %add3A_161 = arith.addf %mul3A_153, %mul3A_154 : vector<16xf32>
      %add3A_162 = arith.addf %mul3A_155, %mul3A_156 : vector<16xf32>
      %add3A_163 = arith.addf %mul3A_157, %mul3A_158 : vector<16xf32>
      %add3A_164 = arith.addf %mul3A_159, %mul3A_160 : vector<16xf32>
      %add3A_165 = arith.addf %add3A_161, %add3A_162 : vector<16xf32>
      %add3A_166 = arith.addf %add3A_163, %add3A_164 : vector<16xf32>
      %add3A_167 = arith.addf %add3A_165, %add3A_166 : vector<16xf32>
      %reduce_sum3A = arith.constant true
      %reduce_sum3A_168 = vector.broadcast %reduce_sum3A : i1 to vector<16xi1>
      %reduce_sum3A_169 = tpu.scan <sum>, %add3A_167 masked %reduce_sum3A_168 : vector<16xf32>, vector<16xi1> -> vector<16xf32>
      %reduce_sum3A_170 = vector.extract %reduce_sum3A_169[15] : f32 from vector<16xf32>
      %max3A = arith.constant 1.000000e-30 : f32
      %max3A_171 = arith.maximumf %reduce_sum3A_170, %max3A : f32
      %bitcast_convert_type3A = arith.bitcast %max3A_171 : f32 to i32
      %shift_right_logical3A = arith.constant 1 : i32
      %shift_right_logical3A_172 = arith.shrui %bitcast_convert_type3A, %shift_right_logical3A : i32
      %sub3A = arith.constant 1597463007 : i32
      %sub3A_173 = arith.subi %sub3A, %shift_right_logical3A_172 : i32
      %bitcast_convert_type3A_174 = arith.bitcast %sub3A_173 : i32 to f32
      %mul3A_175 = arith.constant 5.000000e-01 : f32
      %mul3A_176 = arith.mulf %mul3A_175, %max3A_171 : f32
      %mul3A_177 = arith.mulf %mul3A_176, %bitcast_convert_type3A_174 : f32
      %mul3A_178 = arith.mulf %mul3A_177, %bitcast_convert_type3A_174 : f32
      %sub3A_179 = arith.constant 1.500000e+00 : f32
      %sub3A_180 = arith.subf %sub3A_179, %mul3A_178 : f32
      %mul3A_181 = arith.mulf %bitcast_convert_type3A_174, %sub3A_180 : f32
      %mul3A_182 = arith.mulf %mul3A_176, %mul3A_181 : f32
      %mul3A_183 = arith.mulf %mul3A_182, %mul3A_181 : f32
      %sub3A_184 = arith.constant 1.500000e+00 : f32
      %sub3A_185 = arith.subf %sub3A_184, %mul3A_183 : f32
      %mul3A_186 = arith.mulf %mul3A_181, %sub3A_185 : f32
      %mul3A_187 = arith.mulf %mul3A_176, %mul3A_186 : f32
      %mul3A_188 = arith.mulf %mul3A_187, %mul3A_186 : f32
      %sub3A_189 = arith.constant 1.500000e+00 : f32
      %sub3A_190 = arith.subf %sub3A_189, %mul3A_188 : f32
      %mul3A_191 = arith.mulf %mul3A_186, %sub3A_190 : f32
      %mul3A_192 = arith.mulf %max3A_171, %mul3A_191 : f32
      %gt3A = arith.constant 1.000000e+00 : f32
      %gt3A_193 = arith.cmpf ogt, %mul3A_192, %gt3A : f32
      %jit3A = arith.constant 1.000000e+00 : f32
      %select_n3A = arith.select %gt3A_193, %mul3A_191, %jit3A : f32
      %broadcast_in_dim3A = vector.broadcast %select_n3A : f32 to vector<16xf32>
      %mul3A_194 = arith.mulf %get3A_117, %broadcast_in_dim3A : vector<16xf32>
      %add3A_195 = arith.constant 0 : i32
      %add3A_196 = arith.addi %mul3A_76, %add3A_195 : i32
      %swap3A = arith.index_cast %add3A_196 : i32 to index
      %swap3A_197 = arith.constant 0 : index
      %swap3A_198 = tpu.vector_load %arg7[%swap3A, %swap3A_197] {strides = array<i32>} : memref<128x128xf32, #tpu.memory_space<vmem>>, vector<16xf32>,
      tpu.vector_store %arg7[%swap3A, %swap3A_197], %mul3A_194 {strides = array<i32>} : memref<128x128xf32, #tpu.memory_space<vmem>>, vector<16xf32>,
      %mul3A_199 = arith.mulf %get3A_122, %broadcast_in_dim3A : vector<16xf32>
      %add3A_200 = arith.constant 0 : i32
      %add3A_201 = arith.addi %mul3A_76, %add3A_200 : i32
      %swap3A_202 = arith.index_cast %add3A_201 : i32 to index
      %swap3A_203 = arith.constant 16 : index
      %swap3A_204 = tpu.vector_load %arg7[%swap3A_202, %swap3A_203] {strides = array<i32>} : memref<128x128xf32, #tpu.memory_space<vmem>>, vector<16xf32>,
      tpu.vector_store %arg7[%swap3A_202, %swap3A_203], %mul3A_199 {strides = array<i32>} : memref<128x128xf32, #tpu.memory_space<vmem>>, vector<16xf32>,
      %mul3A_205 = arith.mulf %get3A_127, %broadcast_in_dim3A : vector<16xf32>
      %add3A_206 = arith.constant 0 : i32
      %add3A_207 = arith.addi %mul3A_76, %add3A_206 : i32
      %swap3A_208 = arith.index_cast %add3A_207 : i32 to index
      %swap3A_209 = arith.constant 32 : index
      %swap3A_210 = tpu.vector_load %arg7[%swap3A_208, %swap3A_209] {strides = array<i32>} : memref<128x128xf32, #tpu.memory_space<vmem>>, vector<16xf32>,
      tpu.vector_store %arg7[%swap3A_208, %swap3A_209], %mul3A_205 {strides = array<i32>} : memref<128x128xf32, #tpu.memory_space<vmem>>, vector<16xf32>,
      %mul3A_211 = arith.mulf %get3A_132, %broadcast_in_dim3A : vector<16xf32>
      %add3A_212 = arith.constant 0 : i32
      %add3A_213 = arith.addi %mul3A_76, %add3A_212 : i32
      %swap3A_214 = arith.index_cast %add3A_213 : i32 to index
      %swap3A_215 = arith.constant 48 : index
      %swap3A_216 = tpu.vector_load %arg7[%swap3A_214, %swap3A_215] {strides = array<i32>} : memref<128x128xf32, #tpu.memory_space<vmem>>, vector<16xf32>,
      tpu.vector_store %arg7[%swap3A_214, %swap3A_215], %mul3A_211 {strides = array<i32>} : memref<128x128xf32, #tpu.memory_space<vmem>>, vector<16xf32>,
      %mul3A_217 = arith.mulf %get3A_137, %broadcast_in_dim3A : vector<16xf32>
      %add3A_218 = arith.constant 0 : i32
      %add3A_219 = arith.addi %mul3A_76, %add3A_218 : i32
      %swap3A_220 = arith.index_cast %add3A_219 : i32 to index
      %swap3A_221 = arith.constant 64 : index
      %swap3A_222 = tpu.vector_load %arg7[%swap3A_220, %swap3A_221] {strides = array<i32>} : memref<128x128xf32, #tpu.memory_space<vmem>>, vector<16xf32>,
      tpu.vector_store %arg7[%swap3A_220, %swap3A_221], %mul3A_217 {strides = array<i32>} : memref<128x128xf32, #tpu.memory_space<vmem>>, vector<16xf32>,
      %mul3A_223 = arith.mulf %get3A_142, %broadcast_in_dim3A : vector<16xf32>
      %add3A_224 = arith.constant 0 : i32
      %add3A_225 = arith.addi %mul3A_76, %add3A_224 : i32
      %swap3A_226 = arith.index_cast %add3A_225 : i32 to index
      %swap3A_227 = arith.constant 80 : index
      %swap3A_228 = tpu.vector_load %arg7[%swap3A_226, %swap3A_227] {strides = array<i32>} : memref<128x128xf32, #tpu.memory_space<vmem>>, vector<16xf32>,
      tpu.vector_store %arg7[%swap3A_226, %swap3A_227], %mul3A_223 {strides = array<i32>} : memref<128x128xf32, #tpu.memory_space<vmem>>, vector<16xf32>,
      %mul3A_229 = arith.mulf %get3A_147, %broadcast_in_dim3A : vector<16xf32>
      %add3A_230 = arith.constant 0 : i32
      %add3A_231 = arith.addi %mul3A_76, %add3A_230 : i32
      %swap3A_232 = arith.index_cast %add3A_231 : i32 to index
      %swap3A_233 = arith.constant 96 : index
      %swap3A_234 = tpu.vector_load %arg7[%swap3A_232, %swap3A_233] {strides = array<i32>} : memref<128x128xf32, #tpu.memory_space<vmem>>, vector<16xf32>,
      tpu.vector_store %arg7[%swap3A_232, %swap3A_233], %mul3A_229 {strides = array<i32>} : memref<128x128xf32, #tpu.memory_space<vmem>>, vector<16xf32>,
      %mul3A_235 = arith.mulf %get3A_152, %broadcast_in_dim3A : vector<16xf32>
      %add3A_236 = arith.constant 0 : i32
      %add3A_237 = arith.addi %mul3A_76, %add3A_236 : i32
      %swap3A_238 = arith.index_cast %add3A_237 : i32 to index
      %swap3A_239 = arith.constant 112 : index
      %swap3A_240 = tpu.vector_load %arg7[%swap3A_238, %swap3A_239] {strides = array<i32>} : memref<128x128xf32, #tpu.memory_space<vmem>>, vector<16xf32>,
      tpu.vector_store %arg7[%swap3A_238, %swap3A_239], %mul3A_235 {strides = array<i32>} : memref<128x128xf32, #tpu.memory_space<vmem>>, vector<16xf32>,
      %add3A_241 = arith.constant 1 : i32
      %add3A_242 = arith.addi %mul3A_76, %add3A_241 : i32
      %get3A_243 = arith.index_cast %add3A_242 : i32 to index
      %get3A_244 = arith.constant 0 : index
      %get3A_245 = tpu.vector_load %arg6[%get3A_243, %get3A_244] {strides = array<i32>} : memref<128x128xf32, #tpu.memory_space<vmem>>, vector<16xf32>,
      %add3A_246 = arith.constant 1 : i32
      %add3A_247 = arith.addi %mul3A_76, %add3A_246 : i32
      %get3A_248 = arith.index_cast %add3A_247 : i32 to index
      %get3A_249 = arith.constant 16 : index
      %get3A_250 = tpu.vector_load %arg6[%get3A_248, %get3A_249] {strides = array<i32>} : memref<128x128xf32, #tpu.memory_space<vmem>>, vector<16xf32>,
      %add3A_251 = arith.constant 1 : i32
      %add3A_252 = arith.addi %mul3A_76, %add3A_251 : i32
      %get3A_253 = arith.index_cast %add3A_252 : i32 to index
      %get3A_254 = arith.constant 32 : index
      %get3A_255 = tpu.vector_load %arg6[%get3A_253, %get3A_254] {strides = array<i32>} : memref<128x128xf32, #tpu.memory_space<vmem>>, vector<16xf32>,
      %add3A_256 = arith.constant 1 : i32
      %add3A_257 = arith.addi %mul3A_76, %add3A_256 : i32
      %get3A_258 = arith.index_cast %add3A_257 : i32 to index
      %get3A_259 = arith.constant 48 : index
      %get3A_260 = tpu.vector_load %arg6[%get3A_258, %get3A_259] {strides = array<i32>} : memref<128x128xf32, #tpu.memory_space<vmem>>, vector<16xf32>,
      %add3A_261 = arith.constant 1 : i32
      %add3A_262 = arith.addi %mul3A_76, %add3A_261 : i32
      %get3A_263 = arith.index_cast %add3A_262 : i32 to index
      %get3A_264 = arith.constant 64 : index
      %get3A_265 = tpu.vector_load %arg6[%get3A_263, %get3A_264] {strides = array<i32>} : memref<128x128xf32, #tpu.memory_space<vmem>>, vector<16xf32>,
      %add3A_266 = arith.constant 1 : i32
      %add3A_267 = arith.addi %mul3A_76, %add3A_266 : i32
      %get3A_268 = arith.index_cast %add3A_267 : i32 to index
      %get3A_269 = arith.constant 80 : index
      %get3A_270 = tpu.vector_load %arg6[%get3A_268, %get3A_269] {strides = array<i32>} : memref<128x128xf32, #tpu.memory_space<vmem>>, vector<16xf32>,
      %add3A_271 = arith.constant 1 : i32
      %add3A_272 = arith.addi %mul3A_76, %add3A_271 : i32
      %get3A_273 = arith.index_cast %add3A_272 : i32 to index
      %get3A_274 = arith.constant 96 : index
      %get3A_275 = tpu.vector_load %arg6[%get3A_273, %get3A_274] {strides = array<i32>} : memref<128x128xf32, #tpu.memory_space<vmem>>, vector<16xf32>,
      %add3A_276 = arith.constant 1 : i32
      %add3A_277 = arith.addi %mul3A_76, %add3A_276 : i32
      %get3A_278 = arith.index_cast %add3A_277 : i32 to index
      %get3A_279 = arith.constant 112 : index
      %get3A_280 = tpu.vector_load %arg6[%get3A_278, %get3A_279] {strides = array<i32>} : memref<128x128xf32, #tpu.memory_space<vmem>>, vector<16xf32>,
      %mul3A_281 = arith.mulf %get3A_245, %get3A_245 : vector<16xf32>
      %mul3A_282 = arith.mulf %get3A_250, %get3A_250 : vector<16xf32>
      %mul3A_283 = arith.mulf %get3A_255, %get3A_255 : vector<16xf32>
      %mul3A_284 = arith.mulf %get3A_260, %get3A_260 : vector<16xf32>
      %mul3A_285 = arith.mulf %get3A_265, %get3A_265 : vector<16xf32>
      %mul3A_286 = arith.mulf %get3A_270, %get3A_270 : vector<16xf32>
      %mul3A_287 = arith.mulf %get3A_275, %get3A_275 : vector<16xf32>
      %mul3A_288 = arith.mulf %get3A_280, %get3A_280 : vector<16xf32>
      %add3A_289 = arith.addf %mul3A_281, %mul3A_282 : vector<16xf32>
      %add3A_290 = arith.addf %mul3A_283, %mul3A_284 : vector<16xf32>
      %add3A_291 = arith.addf %mul3A_285, %mul3A_286 : vector<16xf32>
      %add3A_292 = arith.addf %mul3A_287, %mul3A_288 : vector<16xf32>
      %add3A_293 = arith.addf %add3A_289, %add3A_290 : vector<16xf32>
      %add3A_294 = arith.addf %add3A_291, %add3A_292 : vector<16xf32>
      %add3A_295 = arith.addf %add3A_293, %add3A_294 : vector<16xf32>
      %reduce_sum3A_296 = arith.constant true
      %reduce_sum3A_297 = vector.broadcast %reduce_sum3A_296 : i1 to vector<16xi1>
      %reduce_sum3A_298 = tpu.scan <sum>, %add3A_295 masked %reduce_sum3A_297 : vector<16xf32>, vector<16xi1> -> vector<16xf32>
      %reduce_sum3A_299 = vector.extract %reduce_sum3A_298[15] : f32 from vector<16xf32>
      %max3A_300 = arith.constant 1.000000e-30 : f32
      %max3A_301 = arith.maximumf %reduce_sum3A_299, %max3A_300 : f32
      %bitcast_convert_type3A_302 = arith.bitcast %max3A_301 : f32 to i32
      %shift_right_logical3A_303 = arith.constant 1 : i32
      %shift_right_logical3A_304 = arith.shrui %bitcast_convert_type3A_302, %shift_right_logical3A_303 : i32
      %sub3A_305 = arith.constant 1597463007 : i32
      %sub3A_306 = arith.subi %sub3A_305, %shift_right_logical3A_304 : i32
      %bitcast_convert_type3A_307 = arith.bitcast %sub3A_306 : i32 to f32
      %mul3A_308 = arith.constant 5.000000e-01 : f32
      %mul3A_309 = arith.mulf %mul3A_308, %max3A_301 : f32
      %mul3A_310 = arith.mulf %mul3A_309, %bitcast_convert_type3A_307 : f32
      %mul3A_311 = arith.mulf %mul3A_310, %bitcast_convert_type3A_307 : f32
      %sub3A_312 = arith.constant 1.500000e+00 : f32
      %sub3A_313 = arith.subf %sub3A_312, %mul3A_311 : f32
      %mul3A_314 = arith.mulf %bitcast_convert_type3A_307, %sub3A_313 : f32
      %mul3A_315 = arith.mulf %mul3A_309, %mul3A_314 : f32
      %mul3A_316 = arith.mulf %mul3A_315, %mul3A_314 : f32
      %sub3A_317 = arith.constant 1.500000e+00 : f32
      %sub3A_318 = arith.subf %sub3A_317, %mul3A_316 : f32
      %mul3A_319 = arith.mulf %mul3A_314, %sub3A_318 : f32
      %mul3A_320 = arith.mulf %mul3A_309, %mul3A_319 : f32
      %mul3A_321 = arith.mulf %mul3A_320, %mul3A_319 : f32
      %sub3A_322 = arith.constant 1.500000e+00 : f32
      %sub3A_323 = arith.subf %sub3A_322, %mul3A_321 : f32
      %mul3A_324 = arith.mulf %mul3A_319, %sub3A_323 : f32
      %mul3A_325 = arith.mulf %max3A_301, %mul3A_324 : f32
      %gt3A_326 = arith.constant 1.000000e+00 : f32
      %gt3A_327 = arith.cmpf ogt, %mul3A_325, %gt3A_326 : f32
      %jit3A_328 = arith.constant 1.000000e+00 : f32
      %select_n3A_329 = arith.select %gt3A_327, %mul3A_324, %jit3A_328 : f32
      %broadcast_in_dim3A_330 = vector.broadcast %select_n3A_329 : f32 to vector<16xf32>
      %mul3A_331 = arith.mulf %get3A_245, %broadcast_in_dim3A_330 : vector<16xf32>
      %add3A_332 = arith.constant 1 : i32
      %add3A_333 = arith.addi %mul3A_76, %add3A_332 : i32
      %swap3A_334 = arith.index_cast %add3A_333 : i32 to index
      %swap3A_335 = arith.constant 0 : index
      %swap3A_336 = tpu.vector_load %arg7[%swap3A_334, %swap3A_335] {strides = array<i32>} : memref<128x128xf32, #tpu.memory_space<vmem>>, vector<16xf32>,
      tpu.vector_store %arg7[%swap3A_334, %swap3A_335], %mul3A_331 {strides = array<i32>} : memref<128x128xf32, #tpu.memory_space<vmem>>, vector<16xf32>,
      %mul3A_337 = arith.mulf %get3A_250, %broadcast_in_dim3A_330 : vector<16xf32>
      %add3A_338 = arith.constant 1 : i32
      %add3A_339 = arith.addi %mul3A_76, %add3A_338 : i32
      %swap3A_340 = arith.index_cast %add3A_339 : i32 to index
      %swap3A_341 = arith.constant 16 : index
      %swap3A_342 = tpu.vector_load %arg7[%swap3A_340, %swap3A_341] {strides = array<i32>} : memref<128x128xf32, #tpu.memory_space<vmem>>, vector<16xf32>,
      tpu.vector_store %arg7[%swap3A_340, %swap3A_341], %mul3A_337 {strides = array<i32>} : memref<128x128xf32, #tpu.memory_space<vmem>>, vector<16xf32>,
      %mul3A_343 = arith.mulf %get3A_255, %broadcast_in_dim3A_330 : vector<16xf32>
      %add3A_344 = arith.constant 1 : i32
      %add3A_345 = arith.addi %mul3A_76, %add3A_344 : i32
      %swap3A_346 = arith.index_cast %add3A_345 : i32 to index
      %swap3A_347 = arith.constant 32 : index
      %swap3A_348 = tpu.vector_load %arg7[%swap3A_346, %swap3A_347] {strides = array<i32>} : memref<128x128xf32, #tpu.memory_space<vmem>>, vector<16xf32>,
      tpu.vector_store %arg7[%swap3A_346, %swap3A_347], %mul3A_343 {strides = array<i32>} : memref<128x128xf32, #tpu.memory_space<vmem>>, vector<16xf32>,
      %mul3A_349 = arith.mulf %get3A_260, %broadcast_in_dim3A_330 : vector<16xf32>
      %add3A_350 = arith.constant 1 : i32
      %add3A_351 = arith.addi %mul3A_76, %add3A_350 : i32
      %swap3A_352 = arith.index_cast %add3A_351 : i32 to index
      %swap3A_353 = arith.constant 48 : index
      %swap3A_354 = tpu.vector_load %arg7[%swap3A_352, %swap3A_353] {strides = array<i32>} : memref<128x128xf32, #tpu.memory_space<vmem>>, vector<16xf32>,
      tpu.vector_store %arg7[%swap3A_352, %swap3A_353], %mul3A_349 {strides = array<i32>} : memref<128x128xf32, #tpu.memory_space<vmem>>, vector<16xf32>,
      %mul3A_355 = arith.mulf %get3A_265, %broadcast_in_dim3A_330 : vector<16xf32>
      %add3A_356 = arith.constant 1 : i32
      %add3A_357 = arith.addi %mul3A_76, %add3A_356 : i32
      %swap3A_358 = arith.index_cast %add3A_357 : i32 to index
      %swap3A_359 = arith.constant 64 : index
      %swap3A_360 = tpu.vector_load %arg7[%swap3A_358, %swap3A_359] {strides = array<i32>} : memref<128x128xf32, #tpu.memory_space<vmem>>, vector<16xf32>,
      tpu.vector_store %arg7[%swap3A_358, %swap3A_359], %mul3A_355 {strides = array<i32>} : memref<128x128xf32, #tpu.memory_space<vmem>>, vector<16xf32>,
      %mul3A_361 = arith.mulf %get3A_270, %broadcast_in_dim3A_330 : vector<16xf32>
      %add3A_362 = arith.constant 1 : i32
      %add3A_363 = arith.addi %mul3A_76, %add3A_362 : i32
      %swap3A_364 = arith.index_cast %add3A_363 : i32 to index
      %swap3A_365 = arith.constant 80 : index
      %swap3A_366 = tpu.vector_load %arg7[%swap3A_364, %swap3A_365] {strides = array<i32>} : memref<128x128xf32, #tpu.memory_space<vmem>>, vector<16xf32>,
      tpu.vector_store %arg7[%swap3A_364, %swap3A_365], %mul3A_361 {strides = array<i32>} : memref<128x128xf32, #tpu.memory_space<vmem>>, vector<16xf32>,
      %mul3A_367 = arith.mulf %get3A_275, %broadcast_in_dim3A_330 : vector<16xf32>
      %add3A_368 = arith.constant 1 : i32
      %add3A_369 = arith.addi %mul3A_76, %add3A_368 : i32
      %swap3A_370 = arith.index_cast %add3A_369 : i32 to index
      %swap3A_371 = arith.constant 96 : index
      %swap3A_372 = tpu.vector_load %arg7[%swap3A_370, %swap3A_371] {strides = array<i32>} : memref<128x128xf32, #tpu.memory_space<vmem>>, vector<16xf32>,
      tpu.vector_store %arg7[%swap3A_370, %swap3A_371], %mul3A_367 {strides = array<i32>} : memref<128x128xf32, #tpu.memory_space<vmem>>, vector<16xf32>,
      %mul3A_373 = arith.mulf %get3A_280, %broadcast_in_dim3A_330 : vector<16xf32>
      %add3A_374 = arith.constant 1 : i32
      %add3A_375 = arith.addi %mul3A_76, %add3A_374 : i32
      %swap3A_376 = arith.index_cast %add3A_375 : i32 to index
      %swap3A_377 = arith.constant 112 : index
      %swap3A_378 = tpu.vector_load %arg7[%swap3A_376, %swap3A_377] {strides = array<i32>} : memref<128x128xf32, #tpu.memory_space<vmem>>, vector<16xf32>,
      tpu.vector_store %arg7[%swap3A_376, %swap3A_377], %mul3A_373 {strides = array<i32>} : memref<128x128xf32, #tpu.memory_space<vmem>>, vector<16xf32>,
      %add3A_379 = arith.constant 2 : i32
      %add3A_380 = arith.addi %mul3A_76, %add3A_379 : i32
      %get3A_381 = arith.index_cast %add3A_380 : i32 to index
      %get3A_382 = arith.constant 0 : index
      %get3A_383 = tpu.vector_load %arg6[%get3A_381, %get3A_382] {strides = array<i32>} : memref<128x128xf32, #tpu.memory_space<vmem>>, vector<16xf32>,
      %add3A_384 = arith.constant 2 : i32
      %add3A_385 = arith.addi %mul3A_76, %add3A_384 : i32
      %get3A_386 = arith.index_cast %add3A_385 : i32 to index
      %get3A_387 = arith.constant 16 : index
      %get3A_388 = tpu.vector_load %arg6[%get3A_386, %get3A_387] {strides = array<i32>} : memref<128x128xf32, #tpu.memory_space<vmem>>, vector<16xf32>,
      %add3A_389 = arith.constant 2 : i32
      %add3A_390 = arith.addi %mul3A_76, %add3A_389 : i32
      %get3A_391 = arith.index_cast %add3A_390 : i32 to index
      %get3A_392 = arith.constant 32 : index
      %get3A_393 = tpu.vector_load %arg6[%get3A_391, %get3A_392] {strides = array<i32>} : memref<128x128xf32, #tpu.memory_space<vmem>>, vector<16xf32>,
      %add3A_394 = arith.constant 2 : i32
      %add3A_395 = arith.addi %mul3A_76, %add3A_394 : i32
      %get3A_396 = arith.index_cast %add3A_395 : i32 to index
      %get3A_397 = arith.constant 48 : index
      %get3A_398 = tpu.vector_load %arg6[%get3A_396, %get3A_397] {strides = array<i32>} : memref<128x128xf32, #tpu.memory_space<vmem>>, vector<16xf32>,
      %add3A_399 = arith.constant 2 : i32
      %add3A_400 = arith.addi %mul3A_76, %add3A_399 : i32
      %get3A_401 = arith.index_cast %add3A_400 : i32 to index
      %get3A_402 = arith.constant 64 : index
      %get3A_403 = tpu.vector_load %arg6[%get3A_401, %get3A_402] {strides = array<i32>} : memref<128x128xf32, #tpu.memory_space<vmem>>, vector<16xf32>,
      %add3A_404 = arith.constant 2 : i32
      %add3A_405 = arith.addi %mul3A_76, %add3A_404 : i32
      %get3A_406 = arith.index_cast %add3A_405 : i32 to index
      %get3A_407 = arith.constant 80 : index
      %get3A_408 = tpu.vector_load %arg6[%get3A_406, %get3A_407] {strides = array<i32>} : memref<128x128xf32, #tpu.memory_space<vmem>>, vector<16xf32>,
      %add3A_409 = arith.constant 2 : i32
      %add3A_410 = arith.addi %mul3A_76, %add3A_409 : i32
      %get3A_411 = arith.index_cast %add3A_410 : i32 to index
      %get3A_412 = arith.constant 96 : index
      %get3A_413 = tpu.vector_load %arg6[%get3A_411, %get3A_412] {strides = array<i32>} : memref<128x128xf32, #tpu.memory_space<vmem>>, vector<16xf32>,
      %add3A_414 = arith.constant 2 : i32
      %add3A_415 = arith.addi %mul3A_76, %add3A_414 : i32
      %get3A_416 = arith.index_cast %add3A_415 : i32 to index
      %get3A_417 = arith.constant 112 : index
      %get3A_418 = tpu.vector_load %arg6[%get3A_416, %get3A_417] {strides = array<i32>} : memref<128x128xf32, #tpu.memory_space<vmem>>, vector<16xf32>,
      %mul3A_419 = arith.mulf %get3A_383, %get3A_383 : vector<16xf32>
      %mul3A_420 = arith.mulf %get3A_388, %get3A_388 : vector<16xf32>
      %mul3A_421 = arith.mulf %get3A_393, %get3A_393 : vector<16xf32>
      %mul3A_422 = arith.mulf %get3A_398, %get3A_398 : vector<16xf32>
      %mul3A_423 = arith.mulf %get3A_403, %get3A_403 : vector<16xf32>
      %mul3A_424 = arith.mulf %get3A_408, %get3A_408 : vector<16xf32>
      %mul3A_425 = arith.mulf %get3A_413, %get3A_413 : vector<16xf32>
      %mul3A_426 = arith.mulf %get3A_418, %get3A_418 : vector<16xf32>
      %add3A_427 = arith.addf %mul3A_419, %mul3A_420 : vector<16xf32>
      %add3A_428 = arith.addf %mul3A_421, %mul3A_422 : vector<16xf32>
      %add3A_429 = arith.addf %mul3A_423, %mul3A_424 : vector<16xf32>
      %add3A_430 = arith.addf %mul3A_425, %mul3A_426 : vector<16xf32>
      %add3A_431 = arith.addf %add3A_427, %add3A_428 : vector<16xf32>
      %add3A_432 = arith.addf %add3A_429, %add3A_430 : vector<16xf32>
      %add3A_433 = arith.addf %add3A_431, %add3A_432 : vector<16xf32>
      %reduce_sum3A_434 = arith.constant true
      %reduce_sum3A_435 = vector.broadcast %reduce_sum3A_434 : i1 to vector<16xi1>
      %reduce_sum3A_436 = tpu.scan <sum>, %add3A_433 masked %reduce_sum3A_435 : vector<16xf32>, vector<16xi1> -> vector<16xf32>
      %reduce_sum3A_437 = vector.extract %reduce_sum3A_436[15] : f32 from vector<16xf32>
      %max3A_438 = arith.constant 1.000000e-30 : f32
      %max3A_439 = arith.maximumf %reduce_sum3A_437, %max3A_438 : f32
      %bitcast_convert_type3A_440 = arith.bitcast %max3A_439 : f32 to i32
      %shift_right_logical3A_441 = arith.constant 1 : i32
      %shift_right_logical3A_442 = arith.shrui %bitcast_convert_type3A_440, %shift_right_logical3A_441 : i32
      %sub3A_443 = arith.constant 1597463007 : i32
      %sub3A_444 = arith.subi %sub3A_443, %shift_right_logical3A_442 : i32
      %bitcast_convert_type3A_445 = arith.bitcast %sub3A_444 : i32 to f32
      %mul3A_446 = arith.constant 5.000000e-01 : f32
      %mul3A_447 = arith.mulf %mul3A_446, %max3A_439 : f32
      %mul3A_448 = arith.mulf %mul3A_447, %bitcast_convert_type3A_445 : f32
      %mul3A_449 = arith.mulf %mul3A_448, %bitcast_convert_type3A_445 : f32
      %sub3A_450 = arith.constant 1.500000e+00 : f32
      %sub3A_451 = arith.subf %sub3A_450, %mul3A_449 : f32
      %mul3A_452 = arith.mulf %bitcast_convert_type3A_445, %sub3A_451 : f32
      %mul3A_453 = arith.mulf %mul3A_447, %mul3A_452 : f32
      %mul3A_454 = arith.mulf %mul3A_453, %mul3A_452 : f32
      %sub3A_455 = arith.constant 1.500000e+00 : f32
      %sub3A_456 = arith.subf %sub3A_455, %mul3A_454 : f32
      %mul3A_457 = arith.mulf %mul3A_452, %sub3A_456 : f32
      %mul3A_458 = arith.mulf %mul3A_447, %mul3A_457 : f32
      %mul3A_459 = arith.mulf %mul3A_458, %mul3A_457 : f32
      %sub3A_460 = arith.constant 1.500000e+00 : f32
      %sub3A_461 = arith.subf %sub3A_460, %mul3A_459 : f32
      %mul3A_462 = arith.mulf %mul3A_457, %sub3A_461 : f32
      %mul3A_463 = arith.mulf %max3A_439, %mul3A_462 : f32
      %gt3A_464 = arith.constant 1.000000e+00 : f32
      %gt3A_465 = arith.cmpf ogt, %mul3A_463, %gt3A_464 : f32
      %jit3A_466 = arith.constant 1.000000e+00 : f32
      %select_n3A_467 = arith.select %gt3A_465, %mul3A_462, %jit3A_466 : f32
      %broadcast_in_dim3A_468 = vector.broadcast %select_n3A_467 : f32 to vector<16xf32>
      %mul3A_469 = arith.mulf %get3A_383, %broadcast_in_dim3A_468 : vector<16xf32>
      %add3A_470 = arith.constant 2 : i32
      %add3A_471 = arith.addi %mul3A_76, %add3A_470 : i32
      %swap3A_472 = arith.index_cast %add3A_471 : i32 to index
      %swap3A_473 = arith.constant 0 : index
      %swap3A_474 = tpu.vector_load %arg7[%swap3A_472, %swap3A_473] {strides = array<i32>} : memref<128x128xf32, #tpu.memory_space<vmem>>, vector<16xf32>,
      tpu.vector_store %arg7[%swap3A_472, %swap3A_473], %mul3A_469 {strides = array<i32>} : memref<128x128xf32, #tpu.memory_space<vmem>>, vector<16xf32>,
      %mul3A_475 = arith.mulf %get3A_388, %broadcast_in_dim3A_468 : vector<16xf32>
      %add3A_476 = arith.constant 2 : i32
      %add3A_477 = arith.addi %mul3A_76, %add3A_476 : i32
      %swap3A_478 = arith.index_cast %add3A_477 : i32 to index
      %swap3A_479 = arith.constant 16 : index
      %swap3A_480 = tpu.vector_load %arg7[%swap3A_478, %swap3A_479] {strides = array<i32>} : memref<128x128xf32, #tpu.memory_space<vmem>>, vector<16xf32>,
      tpu.vector_store %arg7[%swap3A_478, %swap3A_479], %mul3A_475 {strides = array<i32>} : memref<128x128xf32, #tpu.memory_space<vmem>>, vector<16xf32>,
      %mul3A_481 = arith.mulf %get3A_393, %broadcast_in_dim3A_468 : vector<16xf32>
      %add3A_482 = arith.constant 2 : i32
      %add3A_483 = arith.addi %mul3A_76, %add3A_482 : i32
      %swap3A_484 = arith.index_cast %add3A_483 : i32 to index
      %swap3A_485 = arith.constant 32 : index
      %swap3A_486 = tpu.vector_load %arg7[%swap3A_484, %swap3A_485] {strides = array<i32>} : memref<128x128xf32, #tpu.memory_space<vmem>>, vector<16xf32>,
      tpu.vector_store %arg7[%swap3A_484, %swap3A_485], %mul3A_481 {strides = array<i32>} : memref<128x128xf32, #tpu.memory_space<vmem>>, vector<16xf32>,
      %mul3A_487 = arith.mulf %get3A_398, %broadcast_in_dim3A_468 : vector<16xf32>
      %add3A_488 = arith.constant 2 : i32
      %add3A_489 = arith.addi %mul3A_76, %add3A_488 : i32
      %swap3A_490 = arith.index_cast %add3A_489 : i32 to index
      %swap3A_491 = arith.constant 48 : index
      %swap3A_492 = tpu.vector_load %arg7[%swap3A_490, %swap3A_491] {strides = array<i32>} : memref<128x128xf32, #tpu.memory_space<vmem>>, vector<16xf32>,
      tpu.vector_store %arg7[%swap3A_490, %swap3A_491], %mul3A_487 {strides = array<i32>} : memref<128x128xf32, #tpu.memory_space<vmem>>, vector<16xf32>,
      %mul3A_493 = arith.mulf %get3A_403, %broadcast_in_dim3A_468 : vector<16xf32>
      %add3A_494 = arith.constant 2 : i32
      %add3A_495 = arith.addi %mul3A_76, %add3A_494 : i32
      %swap3A_496 = arith.index_cast %add3A_495 : i32 to index
      %swap3A_497 = arith.constant 64 : index
      %swap3A_498 = tpu.vector_load %arg7[%swap3A_496, %swap3A_497] {strides = array<i32>} : memref<128x128xf32, #tpu.memory_space<vmem>>, vector<16xf32>,
      tpu.vector_store %arg7[%swap3A_496, %swap3A_497], %mul3A_493 {strides = array<i32>} : memref<128x128xf32, #tpu.memory_space<vmem>>, vector<16xf32>,
      %mul3A_499 = arith.mulf %get3A_408, %broadcast_in_dim3A_468 : vector<16xf32>
      %add3A_500 = arith.constant 2 : i32
      %add3A_501 = arith.addi %mul3A_76, %add3A_500 : i32
      %swap3A_502 = arith.index_cast %add3A_501 : i32 to index
      %swap3A_503 = arith.constant 80 : index
      %swap3A_504 = tpu.vector_load %arg7[%swap3A_502, %swap3A_503] {strides = array<i32>} : memref<128x128xf32, #tpu.memory_space<vmem>>, vector<16xf32>,
      tpu.vector_store %arg7[%swap3A_502, %swap3A_503], %mul3A_499 {strides = array<i32>} : memref<128x128xf32, #tpu.memory_space<vmem>>, vector<16xf32>,
      %mul3A_505 = arith.mulf %get3A_413, %broadcast_in_dim3A_468 : vector<16xf32>
      %add3A_506 = arith.constant 2 : i32
      %add3A_507 = arith.addi %mul3A_76, %add3A_506 : i32
      %swap3A_508 = arith.index_cast %add3A_507 : i32 to index
      %swap3A_509 = arith.constant 96 : index
      %swap3A_510 = tpu.vector_load %arg7[%swap3A_508, %swap3A_509] {strides = array<i32>} : memref<128x128xf32, #tpu.memory_space<vmem>>, vector<16xf32>,
      tpu.vector_store %arg7[%swap3A_508, %swap3A_509], %mul3A_505 {strides = array<i32>} : memref<128x128xf32, #tpu.memory_space<vmem>>, vector<16xf32>,
      %mul3A_511 = arith.mulf %get3A_418, %broadcast_in_dim3A_468 : vector<16xf32>
      %add3A_512 = arith.constant 2 : i32
      %add3A_513 = arith.addi %mul3A_76, %add3A_512 : i32
      %swap3A_514 = arith.index_cast %add3A_513 : i32 to index
      %swap3A_515 = arith.constant 112 : index
      %swap3A_516 = tpu.vector_load %arg7[%swap3A_514, %swap3A_515] {strides = array<i32>} : memref<128x128xf32, #tpu.memory_space<vmem>>, vector<16xf32>,
      tpu.vector_store %arg7[%swap3A_514, %swap3A_515], %mul3A_511 {strides = array<i32>} : memref<128x128xf32, #tpu.memory_space<vmem>>, vector<16xf32>,
      %add3A_517 = arith.constant 3 : i32
      %add3A_518 = arith.addi %mul3A_76, %add3A_517 : i32
      %get3A_519 = arith.index_cast %add3A_518 : i32 to index
      %get3A_520 = arith.constant 0 : index
      %get3A_521 = tpu.vector_load %arg6[%get3A_519, %get3A_520] {strides = array<i32>} : memref<128x128xf32, #tpu.memory_space<vmem>>, vector<16xf32>,
      %add3A_522 = arith.constant 3 : i32
      %add3A_523 = arith.addi %mul3A_76, %add3A_522 : i32
      %get3A_524 = arith.index_cast %add3A_523 : i32 to index
      %get3A_525 = arith.constant 16 : index
      %get3A_526 = tpu.vector_load %arg6[%get3A_524, %get3A_525] {strides = array<i32>} : memref<128x128xf32, #tpu.memory_space<vmem>>, vector<16xf32>,
      %add3A_527 = arith.constant 3 : i32
      %add3A_528 = arith.addi %mul3A_76, %add3A_527 : i32
      %get3A_529 = arith.index_cast %add3A_528 : i32 to index
      %get3A_530 = arith.constant 32 : index
      %get3A_531 = tpu.vector_load %arg6[%get3A_529, %get3A_530] {strides = array<i32>} : memref<128x128xf32, #tpu.memory_space<vmem>>, vector<16xf32>,
      %add3A_532 = arith.constant 3 : i32
      %add3A_533 = arith.addi %mul3A_76, %add3A_532 : i32
      %get3A_534 = arith.index_cast %add3A_533 : i32 to index
      %get3A_535 = arith.constant 48 : index
      %get3A_536 = tpu.vector_load %arg6[%get3A_534, %get3A_535] {strides = array<i32>} : memref<128x128xf32, #tpu.memory_space<vmem>>, vector<16xf32>,
      %add3A_537 = arith.constant 3 : i32
      %add3A_538 = arith.addi %mul3A_76, %add3A_537 : i32
      %get3A_539 = arith.index_cast %add3A_538 : i32 to index
      %get3A_540 = arith.constant 64 : index
      %get3A_541 = tpu.vector_load %arg6[%get3A_539, %get3A_540] {strides = array<i32>} : memref<128x128xf32, #tpu.memory_space<vmem>>, vector<16xf32>,
      %add3A_542 = arith.constant 3 : i32
      %add3A_543 = arith.addi %mul3A_76, %add3A_542 : i32
      %get3A_544 = arith.index_cast %add3A_543 : i32 to index
      %get3A_545 = arith.constant 80 : index
      %get3A_546 = tpu.vector_load %arg6[%get3A_544, %get3A_545] {strides = array<i32>} : memref<128x128xf32, #tpu.memory_space<vmem>>, vector<16xf32>,
      %add3A_547 = arith.constant 3 : i32
      %add3A_548 = arith.addi %mul3A_76, %add3A_547 : i32
      %get3A_549 = arith.index_cast %add3A_548 : i32 to index
      %get3A_550 = arith.constant 96 : index
      %get3A_551 = tpu.vector_load %arg6[%get3A_549, %get3A_550] {strides = array<i32>} : memref<128x128xf32, #tpu.memory_space<vmem>>, vector<16xf32>,
      %add3A_552 = arith.constant 3 : i32
      %add3A_553 = arith.addi %mul3A_76, %add3A_552 : i32
      %get3A_554 = arith.index_cast %add3A_553 : i32 to index
      %get3A_555 = arith.constant 112 : index
      %get3A_556 = tpu.vector_load %arg6[%get3A_554, %get3A_555] {strides = array<i32>} : memref<128x128xf32, #tpu.memory_space<vmem>>, vector<16xf32>,
      %mul3A_557 = arith.mulf %get3A_521, %get3A_521 : vector<16xf32>
      %mul3A_558 = arith.mulf %get3A_526, %get3A_526 : vector<16xf32>
      %mul3A_559 = arith.mulf %get3A_531, %get3A_531 : vector<16xf32>
      %mul3A_560 = arith.mulf %get3A_536, %get3A_536 : vector<16xf32>
      %mul3A_561 = arith.mulf %get3A_541, %get3A_541 : vector<16xf32>
      %mul3A_562 = arith.mulf %get3A_546, %get3A_546 : vector<16xf32>
      %mul3A_563 = arith.mulf %get3A_551, %get3A_551 : vector<16xf32>
      %mul3A_564 = arith.mulf %get3A_556, %get3A_556 : vector<16xf32>
      %add3A_565 = arith.addf %mul3A_557, %mul3A_558 : vector<16xf32>
      %add3A_566 = arith.addf %mul3A_559, %mul3A_560 : vector<16xf32>
      %add3A_567 = arith.addf %mul3A_561, %mul3A_562 : vector<16xf32>
      %add3A_568 = arith.addf %mul3A_563, %mul3A_564 : vector<16xf32>
      %add3A_569 = arith.addf %add3A_565, %add3A_566 : vector<16xf32>
      %add3A_570 = arith.addf %add3A_567, %add3A_568 : vector<16xf32>
      %add3A_571 = arith.addf %add3A_569, %add3A_570 : vector<16xf32>
      %reduce_sum3A_572 = arith.constant true
      %reduce_sum3A_573 = vector.broadcast %reduce_sum3A_572 : i1 to vector<16xi1>
      %reduce_sum3A_574 = tpu.scan <sum>, %add3A_571 masked %reduce_sum3A_573 : vector<16xf32>, vector<16xi1> -> vector<16xf32>
      %reduce_sum3A_575 = vector.extract %reduce_sum3A_574[15] : f32 from vector<16xf32>
      %max3A_576 = arith.constant 1.000000e-30 : f32
      %max3A_577 = arith.maximumf %reduce_sum3A_575, %max3A_576 : f32
      %bitcast_convert_type3A_578 = arith.bitcast %max3A_577 : f32 to i32
      %shift_right_logical3A_579 = arith.constant 1 : i32
      %shift_right_logical3A_580 = arith.shrui %bitcast_convert_type3A_578, %shift_right_logical3A_579 : i32
      %sub3A_581 = arith.constant 1597463007 : i32
      %sub3A_582 = arith.subi %sub3A_581, %shift_right_logical3A_580 : i32
      %bitcast_convert_type3A_583 = arith.bitcast %sub3A_582 : i32 to f32
      %mul3A_584 = arith.constant 5.000000e-01 : f32
      %mul3A_585 = arith.mulf %mul3A_584, %max3A_577 : f32
      %mul3A_586 = arith.mulf %mul3A_585, %bitcast_convert_type3A_583 : f32
      %mul3A_587 = arith.mulf %mul3A_586, %bitcast_convert_type3A_583 : f32
      %sub3A_588 = arith.constant 1.500000e+00 : f32
      %sub3A_589 = arith.subf %sub3A_588, %mul3A_587 : f32
      %mul3A_590 = arith.mulf %bitcast_convert_type3A_583, %sub3A_589 : f32
      %mul3A_591 = arith.mulf %mul3A_585, %mul3A_590 : f32
      %mul3A_592 = arith.mulf %mul3A_591, %mul3A_590 : f32
      %sub3A_593 = arith.constant 1.500000e+00 : f32
      %sub3A_594 = arith.subf %sub3A_593, %mul3A_592 : f32
      %mul3A_595 = arith.mulf %mul3A_590, %sub3A_594 : f32
      %mul3A_596 = arith.mulf %mul3A_585, %mul3A_595 : f32
      %mul3A_597 = arith.mulf %mul3A_596, %mul3A_595 : f32
      %sub3A_598 = arith.constant 1.500000e+00 : f32
      %sub3A_599 = arith.subf %sub3A_598, %mul3A_597 : f32
      %mul3A_600 = arith.mulf %mul3A_595, %sub3A_599 : f32
      %mul3A_601 = arith.mulf %max3A_577, %mul3A_600 : f32
      %gt3A_602 = arith.constant 1.000000e+00 : f32
      %gt3A_603 = arith.cmpf ogt, %mul3A_601, %gt3A_602 : f32
      %jit3A_604 = arith.constant 1.000000e+00 : f32
      %select_n3A_605 = arith.select %gt3A_603, %mul3A_600, %jit3A_604 : f32
      %broadcast_in_dim3A_606 = vector.broadcast %select_n3A_605 : f32 to vector<16xf32>
      %mul3A_607 = arith.mulf %get3A_521, %broadcast_in_dim3A_606 : vector<16xf32>
      %add3A_608 = arith.constant 3 : i32
      %add3A_609 = arith.addi %mul3A_76, %add3A_608 : i32
      %swap3A_610 = arith.index_cast %add3A_609 : i32 to index
      %swap3A_611 = arith.constant 0 : index
      %swap3A_612 = tpu.vector_load %arg7[%swap3A_610, %swap3A_611] {strides = array<i32>} : memref<128x128xf32, #tpu.memory_space<vmem>>, vector<16xf32>,
      tpu.vector_store %arg7[%swap3A_610, %swap3A_611], %mul3A_607 {strides = array<i32>} : memref<128x128xf32, #tpu.memory_space<vmem>>, vector<16xf32>,
      %mul3A_613 = arith.mulf %get3A_526, %broadcast_in_dim3A_606 : vector<16xf32>
      %add3A_614 = arith.constant 3 : i32
      %add3A_615 = arith.addi %mul3A_76, %add3A_614 : i32
      %swap3A_616 = arith.index_cast %add3A_615 : i32 to index
      %swap3A_617 = arith.constant 16 : index
      %swap3A_618 = tpu.vector_load %arg7[%swap3A_616, %swap3A_617] {strides = array<i32>} : memref<128x128xf32, #tpu.memory_space<vmem>>, vector<16xf32>,
      tpu.vector_store %arg7[%swap3A_616, %swap3A_617], %mul3A_613 {strides = array<i32>} : memref<128x128xf32, #tpu.memory_space<vmem>>, vector<16xf32>,
      %mul3A_619 = arith.mulf %get3A_531, %broadcast_in_dim3A_606 : vector<16xf32>
      %add3A_620 = arith.constant 3 : i32
      %add3A_621 = arith.addi %mul3A_76, %add3A_620 : i32
      %swap3A_622 = arith.index_cast %add3A_621 : i32 to index
      %swap3A_623 = arith.constant 32 : index
      %swap3A_624 = tpu.vector_load %arg7[%swap3A_622, %swap3A_623] {strides = array<i32>} : memref<128x128xf32, #tpu.memory_space<vmem>>, vector<16xf32>,
      tpu.vector_store %arg7[%swap3A_622, %swap3A_623], %mul3A_619 {strides = array<i32>} : memref<128x128xf32, #tpu.memory_space<vmem>>, vector<16xf32>,
      %mul3A_625 = arith.mulf %get3A_536, %broadcast_in_dim3A_606 : vector<16xf32>
      %add3A_626 = arith.constant 3 : i32
      %add3A_627 = arith.addi %mul3A_76, %add3A_626 : i32
      %swap3A_628 = arith.index_cast %add3A_627 : i32 to index
      %swap3A_629 = arith.constant 48 : index
      %swap3A_630 = tpu.vector_load %arg7[%swap3A_628, %swap3A_629] {strides = array<i32>} : memref<128x128xf32, #tpu.memory_space<vmem>>, vector<16xf32>,
      tpu.vector_store %arg7[%swap3A_628, %swap3A_629], %mul3A_625 {strides = array<i32>} : memref<128x128xf32, #tpu.memory_space<vmem>>, vector<16xf32>,
      %mul3A_631 = arith.mulf %get3A_541, %broadcast_in_dim3A_606 : vector<16xf32>
      %add3A_632 = arith.constant 3 : i32
      %add3A_633 = arith.addi %mul3A_76, %add3A_632 : i32
      %swap3A_634 = arith.index_cast %add3A_633 : i32 to index
      %swap3A_635 = arith.constant 64 : index
      %swap3A_636 = tpu.vector_load %arg7[%swap3A_634, %swap3A_635] {strides = array<i32>} : memref<128x128xf32, #tpu.memory_space<vmem>>, vector<16xf32>,
      tpu.vector_store %arg7[%swap3A_634, %swap3A_635], %mul3A_631 {strides = array<i32>} : memref<128x128xf32, #tpu.memory_space<vmem>>, vector<16xf32>,
      %mul3A_637 = arith.mulf %get3A_546, %broadcast_in_dim3A_606 : vector<16xf32>
      %add3A_638 = arith.constant 3 : i32
      %add3A_639 = arith.addi %mul3A_76, %add3A_638 : i32
      %swap3A_640 = arith.index_cast %add3A_639 : i32 to index
      %swap3A_641 = arith.constant 80 : index
      %swap3A_642 = tpu.vector_load %arg7[%swap3A_640, %swap3A_641] {strides = array<i32>} : memref<128x128xf32, #tpu.memory_space<vmem>>, vector<16xf32>,
      tpu.vector_store %arg7[%swap3A_640, %swap3A_641], %mul3A_637 {strides = array<i32>} : memref<128x128xf32, #tpu.memory_space<vmem>>, vector<16xf32>,
      %mul3A_643 = arith.mulf %get3A_551, %broadcast_in_dim3A_606 : vector<16xf32>
      %add3A_644 = arith.constant 3 : i32
      %add3A_645 = arith.addi %mul3A_76, %add3A_644 : i32
      %swap3A_646 = arith.index_cast %add3A_645 : i32 to index
      %swap3A_647 = arith.constant 96 : index
      %swap3A_648 = tpu.vector_load %arg7[%swap3A_646, %swap3A_647] {strides = array<i32>} : memref<128x128xf32, #tpu.memory_space<vmem>>, vector<16xf32>,
      tpu.vector_store %arg7[%swap3A_646, %swap3A_647], %mul3A_643 {strides = array<i32>} : memref<128x128xf32, #tpu.memory_space<vmem>>, vector<16xf32>,
      %mul3A_649 = arith.mulf %get3A_556, %broadcast_in_dim3A_606 : vector<16xf32>
      %add3A_650 = arith.constant 3 : i32
      %add3A_651 = arith.addi %mul3A_76, %add3A_650 : i32
      %swap3A_652 = arith.index_cast %add3A_651 : i32 to index
      %swap3A_653 = arith.constant 112 : index
      %swap3A_654 = tpu.vector_load %arg7[%swap3A_652, %swap3A_653] {strides = array<i32>} : memref<128x128xf32, #tpu.memory_space<vmem>>, vector<16xf32>,
      tpu.vector_store %arg7[%swap3A_652, %swap3A_653], %mul3A_649 {strides = array<i32>} : memref<128x128xf32, #tpu.memory_space<vmem>>, vector<16xf32>,
      %add3A_655 = arith.constant 4 : i32
      %add3A_656 = arith.addi %mul3A_76, %add3A_655 : i32
      %get3A_657 = arith.index_cast %add3A_656 : i32 to index
      %get3A_658 = arith.constant 0 : index
      %get3A_659 = tpu.vector_load %arg6[%get3A_657, %get3A_658] {strides = array<i32>} : memref<128x128xf32, #tpu.memory_space<vmem>>, vector<16xf32>,
      %add3A_660 = arith.constant 4 : i32
      %add3A_661 = arith.addi %mul3A_76, %add3A_660 : i32
      %get3A_662 = arith.index_cast %add3A_661 : i32 to index
      %get3A_663 = arith.constant 16 : index
      %get3A_664 = tpu.vector_load %arg6[%get3A_662, %get3A_663] {strides = array<i32>} : memref<128x128xf32, #tpu.memory_space<vmem>>, vector<16xf32>,
      %add3A_665 = arith.constant 4 : i32
      %add3A_666 = arith.addi %mul3A_76, %add3A_665 : i32
      %get3A_667 = arith.index_cast %add3A_666 : i32 to index
      %get3A_668 = arith.constant 32 : index
      %get3A_669 = tpu.vector_load %arg6[%get3A_667, %get3A_668] {strides = array<i32>} : memref<128x128xf32, #tpu.memory_space<vmem>>, vector<16xf32>,
      %add3A_670 = arith.constant 4 : i32
      %add3A_671 = arith.addi %mul3A_76, %add3A_670 : i32
      %get3A_672 = arith.index_cast %add3A_671 : i32 to index
      %get3A_673 = arith.constant 48 : index
      %get3A_674 = tpu.vector_load %arg6[%get3A_672, %get3A_673] {strides = array<i32>} : memref<128x128xf32, #tpu.memory_space<vmem>>, vector<16xf32>,
      %add3A_675 = arith.constant 4 : i32
      %add3A_676 = arith.addi %mul3A_76, %add3A_675 : i32
      %get3A_677 = arith.index_cast %add3A_676 : i32 to index
      %get3A_678 = arith.constant 64 : index
      %get3A_679 = tpu.vector_load %arg6[%get3A_677, %get3A_678] {strides = array<i32>} : memref<128x128xf32, #tpu.memory_space<vmem>>, vector<16xf32>,
      %add3A_680 = arith.constant 4 : i32
      %add3A_681 = arith.addi %mul3A_76, %add3A_680 : i32
      %get3A_682 = arith.index_cast %add3A_681 : i32 to index
      %get3A_683 = arith.constant 80 : index
      %get3A_684 = tpu.vector_load %arg6[%get3A_682, %get3A_683] {strides = array<i32>} : memref<128x128xf32, #tpu.memory_space<vmem>>, vector<16xf32>,
      %add3A_685 = arith.constant 4 : i32
      %add3A_686 = arith.addi %mul3A_76, %add3A_685 : i32
      %get3A_687 = arith.index_cast %add3A_686 : i32 to index
      %get3A_688 = arith.constant 96 : index
      %get3A_689 = tpu.vector_load %arg6[%get3A_687, %get3A_688] {strides = array<i32>} : memref<128x128xf32, #tpu.memory_space<vmem>>, vector<16xf32>,
      %add3A_690 = arith.constant 4 : i32
      %add3A_691 = arith.addi %mul3A_76, %add3A_690 : i32
      %get3A_692 = arith.index_cast %add3A_691 : i32 to index
      %get3A_693 = arith.constant 112 : index
      %get3A_694 = tpu.vector_load %arg6[%get3A_692, %get3A_693] {strides = array<i32>} : memref<128x128xf32, #tpu.memory_space<vmem>>, vector<16xf32>,
      %mul3A_695 = arith.mulf %get3A_659, %get3A_659 : vector<16xf32>
      %mul3A_696 = arith.mulf %get3A_664, %get3A_664 : vector<16xf32>
      %mul3A_697 = arith.mulf %get3A_669, %get3A_669 : vector<16xf32>
      %mul3A_698 = arith.mulf %get3A_674, %get3A_674 : vector<16xf32>
      %mul3A_699 = arith.mulf %get3A_679, %get3A_679 : vector<16xf32>
      %mul3A_700 = arith.mulf %get3A_684, %get3A_684 : vector<16xf32>
      %mul3A_701 = arith.mulf %get3A_689, %get3A_689 : vector<16xf32>
      %mul3A_702 = arith.mulf %get3A_694, %get3A_694 : vector<16xf32>
      %add3A_703 = arith.addf %mul3A_695, %mul3A_696 : vector<16xf32>
      %add3A_704 = arith.addf %mul3A_697, %mul3A_698 : vector<16xf32>
      %add3A_705 = arith.addf %mul3A_699, %mul3A_700 : vector<16xf32>
      %add3A_706 = arith.addf %mul3A_701, %mul3A_702 : vector<16xf32>
      %add3A_707 = arith.addf %add3A_703, %add3A_704 : vector<16xf32>
      %add3A_708 = arith.addf %add3A_705, %add3A_706 : vector<16xf32>
      %add3A_709 = arith.addf %add3A_707, %add3A_708 : vector<16xf32>
      %reduce_sum3A_710 = arith.constant true
      %reduce_sum3A_711 = vector.broadcast %reduce_sum3A_710 : i1 to vector<16xi1>
      %reduce_sum3A_712 = tpu.scan <sum>, %add3A_709 masked %reduce_sum3A_711 : vector<16xf32>, vector<16xi1> -> vector<16xf32>
      %reduce_sum3A_713 = vector.extract %reduce_sum3A_712[15] : f32 from vector<16xf32>
      %max3A_714 = arith.constant 1.000000e-30 : f32
      %max3A_715 = arith.maximumf %reduce_sum3A_713, %max3A_714 : f32
      %bitcast_convert_type3A_716 = arith.bitcast %max3A_715 : f32 to i32
      %shift_right_logical3A_717 = arith.constant 1 : i32
      %shift_right_logical3A_718 = arith.shrui %bitcast_convert_type3A_716, %shift_right_logical3A_717 : i32
      %sub3A_719 = arith.constant 1597463007 : i32
      %sub3A_720 = arith.subi %sub3A_719, %shift_right_logical3A_718 : i32
      %bitcast_convert_type3A_721 = arith.bitcast %sub3A_720 : i32 to f32
      %mul3A_722 = arith.constant 5.000000e-01 : f32
      %mul3A_723 = arith.mulf %mul3A_722, %max3A_715 : f32
      %mul3A_724 = arith.mulf %mul3A_723, %bitcast_convert_type3A_721 : f32
      %mul3A_725 = arith.mulf %mul3A_724, %bitcast_convert_type3A_721 : f32
      %sub3A_726 = arith.constant 1.500000e+00 : f32
      %sub3A_727 = arith.subf %sub3A_726, %mul3A_725 : f32
      %mul3A_728 = arith.mulf %bitcast_convert_type3A_721, %sub3A_727 : f32
      %mul3A_729 = arith.mulf %mul3A_723, %mul3A_728 : f32
      %mul3A_730 = arith.mulf %mul3A_729, %mul3A_728 : f32
      %sub3A_731 = arith.constant 1.500000e+00 : f32
      %sub3A_732 = arith.subf %sub3A_731, %mul3A_730 : f32
      %mul3A_733 = arith.mulf %mul3A_728, %sub3A_732 : f32
      %mul3A_734 = arith.mulf %mul3A_723, %mul3A_733 : f32
      %mul3A_735 = arith.mulf %mul3A_734, %mul3A_733 : f32
      %sub3A_736 = arith.constant 1.500000e+00 : f32
      %sub3A_737 = arith.subf %sub3A_736, %mul3A_735 : f32
      %mul3A_738 = arith.mulf %mul3A_733, %sub3A_737 : f32
      %mul3A_739 = arith.mulf %max3A_715, %mul3A_738 : f32
      %gt3A_740 = arith.constant 1.000000e+00 : f32
      %gt3A_741 = arith.cmpf ogt, %mul3A_739, %gt3A_740 : f32
      %jit3A_742 = arith.constant 1.000000e+00 : f32
      %select_n3A_743 = arith.select %gt3A_741, %mul3A_738, %jit3A_742 : f32
      %broadcast_in_dim3A_744 = vector.broadcast %select_n3A_743 : f32 to vector<16xf32>
      %mul3A_745 = arith.mulf %get3A_659, %broadcast_in_dim3A_744 : vector<16xf32>
      %add3A_746 = arith.constant 4 : i32
      %add3A_747 = arith.addi %mul3A_76, %add3A_746 : i32
      %swap3A_748 = arith.index_cast %add3A_747 : i32 to index
      %swap3A_749 = arith.constant 0 : index
      %swap3A_750 = tpu.vector_load %arg7[%swap3A_748, %swap3A_749] {strides = array<i32>} : memref<128x128xf32, #tpu.memory_space<vmem>>, vector<16xf32>,
      tpu.vector_store %arg7[%swap3A_748, %swap3A_749], %mul3A_745 {strides = array<i32>} : memref<128x128xf32, #tpu.memory_space<vmem>>, vector<16xf32>,
      %mul3A_751 = arith.mulf %get3A_664, %broadcast_in_dim3A_744 : vector<16xf32>
      %add3A_752 = arith.constant 4 : i32
      %add3A_753 = arith.addi %mul3A_76, %add3A_752 : i32
      %swap3A_754 = arith.index_cast %add3A_753 : i32 to index
      %swap3A_755 = arith.constant 16 : index
      %swap3A_756 = tpu.vector_load %arg7[%swap3A_754, %swap3A_755] {strides = array<i32>} : memref<128x128xf32, #tpu.memory_space<vmem>>, vector<16xf32>,
      tpu.vector_store %arg7[%swap3A_754, %swap3A_755], %mul3A_751 {strides = array<i32>} : memref<128x128xf32, #tpu.memory_space<vmem>>, vector<16xf32>,
      %mul3A_757 = arith.mulf %get3A_669, %broadcast_in_dim3A_744 : vector<16xf32>
      %add3A_758 = arith.constant 4 : i32
      %add3A_759 = arith.addi %mul3A_76, %add3A_758 : i32
      %swap3A_760 = arith.index_cast %add3A_759 : i32 to index
      %swap3A_761 = arith.constant 32 : index
      %swap3A_762 = tpu.vector_load %arg7[%swap3A_760, %swap3A_761] {strides = array<i32>} : memref<128x128xf32, #tpu.memory_space<vmem>>, vector<16xf32>,
      tpu.vector_store %arg7[%swap3A_760, %swap3A_761], %mul3A_757 {strides = array<i32>} : memref<128x128xf32, #tpu.memory_space<vmem>>, vector<16xf32>,
      %mul3A_763 = arith.mulf %get3A_674, %broadcast_in_dim3A_744 : vector<16xf32>
      %add3A_764 = arith.constant 4 : i32
      %add3A_765 = arith.addi %mul3A_76, %add3A_764 : i32
      %swap3A_766 = arith.index_cast %add3A_765 : i32 to index
      %swap3A_767 = arith.constant 48 : index
      %swap3A_768 = tpu.vector_load %arg7[%swap3A_766, %swap3A_767] {strides = array<i32>} : memref<128x128xf32, #tpu.memory_space<vmem>>, vector<16xf32>,
      tpu.vector_store %arg7[%swap3A_766, %swap3A_767], %mul3A_763 {strides = array<i32>} : memref<128x128xf32, #tpu.memory_space<vmem>>, vector<16xf32>,
      %mul3A_769 = arith.mulf %get3A_679, %broadcast_in_dim3A_744 : vector<16xf32>
      %add3A_770 = arith.constant 4 : i32
      %add3A_771 = arith.addi %mul3A_76, %add3A_770 : i32
      %swap3A_772 = arith.index_cast %add3A_771 : i32 to index
      %swap3A_773 = arith.constant 64 : index
      %swap3A_774 = tpu.vector_load %arg7[%swap3A_772, %swap3A_773] {strides = array<i32>} : memref<128x128xf32, #tpu.memory_space<vmem>>, vector<16xf32>,
      tpu.vector_store %arg7[%swap3A_772, %swap3A_773], %mul3A_769 {strides = array<i32>} : memref<128x128xf32, #tpu.memory_space<vmem>>, vector<16xf32>,
      %mul3A_775 = arith.mulf %get3A_684, %broadcast_in_dim3A_744 : vector<16xf32>
      %add3A_776 = arith.constant 4 : i32
      %add3A_777 = arith.addi %mul3A_76, %add3A_776 : i32
      %swap3A_778 = arith.index_cast %add3A_777 : i32 to index
      %swap3A_779 = arith.constant 80 : index
      %swap3A_780 = tpu.vector_load %arg7[%swap3A_778, %swap3A_779] {strides = array<i32>} : memref<128x128xf32, #tpu.memory_space<vmem>>, vector<16xf32>,
      tpu.vector_store %arg7[%swap3A_778, %swap3A_779], %mul3A_775 {strides = array<i32>} : memref<128x128xf32, #tpu.memory_space<vmem>>, vector<16xf32>,
      %mul3A_781 = arith.mulf %get3A_689, %broadcast_in_dim3A_744 : vector<16xf32>
      %add3A_782 = arith.constant 4 : i32
      %add3A_783 = arith.addi %mul3A_76, %add3A_782 : i32
      %swap3A_784 = arith.index_cast %add3A_783 : i32 to index
      %swap3A_785 = arith.constant 96 : index
      %swap3A_786 = tpu.vector_load %arg7[%swap3A_784, %swap3A_785] {strides = array<i32>} : memref<128x128xf32, #tpu.memory_space<vmem>>, vector<16xf32>,
      tpu.vector_store %arg7[%swap3A_784, %swap3A_785], %mul3A_781 {strides = array<i32>} : memref<128x128xf32, #tpu.memory_space<vmem>>, vector<16xf32>,
      %mul3A_787 = arith.mulf %get3A_694, %broadcast_in_dim3A_744 : vector<16xf32>
      %add3A_788 = arith.constant 4 : i32
      %add3A_789 = arith.addi %mul3A_76, %add3A_788 : i32
      %swap3A_790 = arith.index_cast %add3A_789 : i32 to index
      %swap3A_791 = arith.constant 112 : index
      %swap3A_792 = tpu.vector_load %arg7[%swap3A_790, %swap3A_791] {strides = array<i32>} : memref<128x128xf32, #tpu.memory_space<vmem>>, vector<16xf32>,
      tpu.vector_store %arg7[%swap3A_790, %swap3A_791], %mul3A_787 {strides = array<i32>} : memref<128x128xf32, #tpu.memory_space<vmem>>, vector<16xf32>,
      %add3A_793 = arith.constant 5 : i32
      %add3A_794 = arith.addi %mul3A_76, %add3A_793 : i32
      %get3A_795 = arith.index_cast %add3A_794 : i32 to index
      %get3A_796 = arith.constant 0 : index
      %get3A_797 = tpu.vector_load %arg6[%get3A_795, %get3A_796] {strides = array<i32>} : memref<128x128xf32, #tpu.memory_space<vmem>>, vector<16xf32>,
      %add3A_798 = arith.constant 5 : i32
      %add3A_799 = arith.addi %mul3A_76, %add3A_798 : i32
      %get3A_800 = arith.index_cast %add3A_799 : i32 to index
      %get3A_801 = arith.constant 16 : index
      %get3A_802 = tpu.vector_load %arg6[%get3A_800, %get3A_801] {strides = array<i32>} : memref<128x128xf32, #tpu.memory_space<vmem>>, vector<16xf32>,
      %add3A_803 = arith.constant 5 : i32
      %add3A_804 = arith.addi %mul3A_76, %add3A_803 : i32
      %get3A_805 = arith.index_cast %add3A_804 : i32 to index
      %get3A_806 = arith.constant 32 : index
      %get3A_807 = tpu.vector_load %arg6[%get3A_805, %get3A_806] {strides = array<i32>} : memref<128x128xf32, #tpu.memory_space<vmem>>, vector<16xf32>,
      %add3A_808 = arith.constant 5 : i32
      %add3A_809 = arith.addi %mul3A_76, %add3A_808 : i32
      %get3A_810 = arith.index_cast %add3A_809 : i32 to index
      %get3A_811 = arith.constant 48 : index
      %get3A_812 = tpu.vector_load %arg6[%get3A_810, %get3A_811] {strides = array<i32>} : memref<128x128xf32, #tpu.memory_space<vmem>>, vector<16xf32>,
      %add3A_813 = arith.constant 5 : i32
      %add3A_814 = arith.addi %mul3A_76, %add3A_813 : i32
      %get3A_815 = arith.index_cast %add3A_814 : i32 to index
      %get3A_816 = arith.constant 64 : index
      %get3A_817 = tpu.vector_load %arg6[%get3A_815, %get3A_816] {strides = array<i32>} : memref<128x128xf32, #tpu.memory_space<vmem>>, vector<16xf32>,
      %add3A_818 = arith.constant 5 : i32
      %add3A_819 = arith.addi %mul3A_76, %add3A_818 : i32
      %get3A_820 = arith.index_cast %add3A_819 : i32 to index
      %get3A_821 = arith.constant 80 : index
      %get3A_822 = tpu.vector_load %arg6[%get3A_820, %get3A_821] {strides = array<i32>} : memref<128x128xf32, #tpu.memory_space<vmem>>, vector<16xf32>,
      %add3A_823 = arith.constant 5 : i32
      %add3A_824 = arith.addi %mul3A_76, %add3A_823 : i32
      %get3A_825 = arith.index_cast %add3A_824 : i32 to index
      %get3A_826 = arith.constant 96 : index
      %get3A_827 = tpu.vector_load %arg6[%get3A_825, %get3A_826] {strides = array<i32>} : memref<128x128xf32, #tpu.memory_space<vmem>>, vector<16xf32>,
      %add3A_828 = arith.constant 5 : i32
      %add3A_829 = arith.addi %mul3A_76, %add3A_828 : i32
      %get3A_830 = arith.index_cast %add3A_829 : i32 to index
      %get3A_831 = arith.constant 112 : index
      %get3A_832 = tpu.vector_load %arg6[%get3A_830, %get3A_831] {strides = array<i32>} : memref<128x128xf32, #tpu.memory_space<vmem>>, vector<16xf32>,
      %mul3A_833 = arith.mulf %get3A_797, %get3A_797 : vector<16xf32>
      %mul3A_834 = arith.mulf %get3A_802, %get3A_802 : vector<16xf32>
      %mul3A_835 = arith.mulf %get3A_807, %get3A_807 : vector<16xf32>
      %mul3A_836 = arith.mulf %get3A_812, %get3A_812 : vector<16xf32>
      %mul3A_837 = arith.mulf %get3A_817, %get3A_817 : vector<16xf32>
      %mul3A_838 = arith.mulf %get3A_822, %get3A_822 : vector<16xf32>
      %mul3A_839 = arith.mulf %get3A_827, %get3A_827 : vector<16xf32>
      %mul3A_840 = arith.mulf %get3A_832, %get3A_832 : vector<16xf32>
      %add3A_841 = arith.addf %mul3A_833, %mul3A_834 : vector<16xf32>
      %add3A_842 = arith.addf %mul3A_835, %mul3A_836 : vector<16xf32>
      %add3A_843 = arith.addf %mul3A_837, %mul3A_838 : vector<16xf32>
      %add3A_844 = arith.addf %mul3A_839, %mul3A_840 : vector<16xf32>
      %add3A_845 = arith.addf %add3A_841, %add3A_842 : vector<16xf32>
      %add3A_846 = arith.addf %add3A_843, %add3A_844 : vector<16xf32>
      %add3A_847 = arith.addf %add3A_845, %add3A_846 : vector<16xf32>
      %reduce_sum3A_848 = arith.constant true
      %reduce_sum3A_849 = vector.broadcast %reduce_sum3A_848 : i1 to vector<16xi1>
      %reduce_sum3A_850 = tpu.scan <sum>, %add3A_847 masked %reduce_sum3A_849 : vector<16xf32>, vector<16xi1> -> vector<16xf32>
      %reduce_sum3A_851 = vector.extract %reduce_sum3A_850[15] : f32 from vector<16xf32>
      %max3A_852 = arith.constant 1.000000e-30 : f32
      %max3A_853 = arith.maximumf %reduce_sum3A_851, %max3A_852 : f32
      %bitcast_convert_type3A_854 = arith.bitcast %max3A_853 : f32 to i32
      %shift_right_logical3A_855 = arith.constant 1 : i32
      %shift_right_logical3A_856 = arith.shrui %bitcast_convert_type3A_854, %shift_right_logical3A_855 : i32
      %sub3A_857 = arith.constant 1597463007 : i32
      %sub3A_858 = arith.subi %sub3A_857, %shift_right_logical3A_856 : i32
      %bitcast_convert_type3A_859 = arith.bitcast %sub3A_858 : i32 to f32
      %mul3A_860 = arith.constant 5.000000e-01 : f32
      %mul3A_861 = arith.mulf %mul3A_860, %max3A_853 : f32
      %mul3A_862 = arith.mulf %mul3A_861, %bitcast_convert_type3A_859 : f32
      %mul3A_863 = arith.mulf %mul3A_862, %bitcast_convert_type3A_859 : f32
      %sub3A_864 = arith.constant 1.500000e+00 : f32
      %sub3A_865 = arith.subf %sub3A_864, %mul3A_863 : f32
      %mul3A_866 = arith.mulf %bitcast_convert_type3A_859, %sub3A_865 : f32
      %mul3A_867 = arith.mulf %mul3A_861, %mul3A_866 : f32
      %mul3A_868 = arith.mulf %mul3A_867, %mul3A_866 : f32
      %sub3A_869 = arith.constant 1.500000e+00 : f32
      %sub3A_870 = arith.subf %sub3A_869, %mul3A_868 : f32
      %mul3A_871 = arith.mulf %mul3A_866, %sub3A_870 : f32
      %mul3A_872 = arith.mulf %mul3A_861, %mul3A_871 : f32
      %mul3A_873 = arith.mulf %mul3A_872, %mul3A_871 : f32
      %sub3A_874 = arith.constant 1.500000e+00 : f32
      %sub3A_875 = arith.subf %sub3A_874, %mul3A_873 : f32
      %mul3A_876 = arith.mulf %mul3A_871, %sub3A_875 : f32
      %mul3A_877 = arith.mulf %max3A_853, %mul3A_876 : f32
      %gt3A_878 = arith.constant 1.000000e+00 : f32
      %gt3A_879 = arith.cmpf ogt, %mul3A_877, %gt3A_878 : f32
      %jit3A_880 = arith.constant 1.000000e+00 : f32
      %select_n3A_881 = arith.select %gt3A_879, %mul3A_876, %jit3A_880 : f32
      %broadcast_in_dim3A_882 = vector.broadcast %select_n3A_881 : f32 to vector<16xf32>
      %mul3A_883 = arith.mulf %get3A_797, %broadcast_in_dim3A_882 : vector<16xf32>
      %add3A_884 = arith.constant 5 : i32
      %add3A_885 = arith.addi %mul3A_76, %add3A_884 : i32
      %swap3A_886 = arith.index_cast %add3A_885 : i32 to index
      %swap3A_887 = arith.constant 0 : index
      %swap3A_888 = tpu.vector_load %arg7[%swap3A_886, %swap3A_887] {strides = array<i32>} : memref<128x128xf32, #tpu.memory_space<vmem>>, vector<16xf32>,
      tpu.vector_store %arg7[%swap3A_886, %swap3A_887], %mul3A_883 {strides = array<i32>} : memref<128x128xf32, #tpu.memory_space<vmem>>, vector<16xf32>,
      %mul3A_889 = arith.mulf %get3A_802, %broadcast_in_dim3A_882 : vector<16xf32>
      %add3A_890 = arith.constant 5 : i32
      %add3A_891 = arith.addi %mul3A_76, %add3A_890 : i32
      %swap3A_892 = arith.index_cast %add3A_891 : i32 to index
      %swap3A_893 = arith.constant 16 : index
      %swap3A_894 = tpu.vector_load %arg7[%swap3A_892, %swap3A_893] {strides = array<i32>} : memref<128x128xf32, #tpu.memory_space<vmem>>, vector<16xf32>,
      tpu.vector_store %arg7[%swap3A_892, %swap3A_893], %mul3A_889 {strides = array<i32>} : memref<128x128xf32, #tpu.memory_space<vmem>>, vector<16xf32>,
      %mul3A_895 = arith.mulf %get3A_807, %broadcast_in_dim3A_882 : vector<16xf32>
      %add3A_896 = arith.constant 5 : i32
      %add3A_897 = arith.addi %mul3A_76, %add3A_896 : i32
      %swap3A_898 = arith.index_cast %add3A_897 : i32 to index
      %swap3A_899 = arith.constant 32 : index
      %swap3A_900 = tpu.vector_load %arg7[%swap3A_898, %swap3A_899] {strides = array<i32>} : memref<128x128xf32, #tpu.memory_space<vmem>>, vector<16xf32>,
      tpu.vector_store %arg7[%swap3A_898, %swap3A_899], %mul3A_895 {strides = array<i32>} : memref<128x128xf32, #tpu.memory_space<vmem>>, vector<16xf32>,
      %mul3A_901 = arith.mulf %get3A_812, %broadcast_in_dim3A_882 : vector<16xf32>
      %add3A_902 = arith.constant 5 : i32
      %add3A_903 = arith.addi %mul3A_76, %add3A_902 : i32
      %swap3A_904 = arith.index_cast %add3A_903 : i32 to index
      %swap3A_905 = arith.constant 48 : index
      %swap3A_906 = tpu.vector_load %arg7[%swap3A_904, %swap3A_905] {strides = array<i32>} : memref<128x128xf32, #tpu.memory_space<vmem>>, vector<16xf32>,
      tpu.vector_store %arg7[%swap3A_904, %swap3A_905], %mul3A_901 {strides = array<i32>} : memref<128x128xf32, #tpu.memory_space<vmem>>, vector<16xf32>,
      %mul3A_907 = arith.mulf %get3A_817, %broadcast_in_dim3A_882 : vector<16xf32>
      %add3A_908 = arith.constant 5 : i32
      %add3A_909 = arith.addi %mul3A_76, %add3A_908 : i32
      %swap3A_910 = arith.index_cast %add3A_909 : i32 to index
      %swap3A_911 = arith.constant 64 : index
      %swap3A_912 = tpu.vector_load %arg7[%swap3A_910, %swap3A_911] {strides = array<i32>} : memref<128x128xf32, #tpu.memory_space<vmem>>, vector<16xf32>,
      tpu.vector_store %arg7[%swap3A_910, %swap3A_911], %mul3A_907 {strides = array<i32>} : memref<128x128xf32, #tpu.memory_space<vmem>>, vector<16xf32>,
      %mul3A_913 = arith.mulf %get3A_822, %broadcast_in_dim3A_882 : vector<16xf32>
      %add3A_914 = arith.constant 5 : i32
      %add3A_915 = arith.addi %mul3A_76, %add3A_914 : i32
      %swap3A_916 = arith.index_cast %add3A_915 : i32 to index
      %swap3A_917 = arith.constant 80 : index
      %swap3A_918 = tpu.vector_load %arg7[%swap3A_916, %swap3A_917] {strides = array<i32>} : memref<128x128xf32, #tpu.memory_space<vmem>>, vector<16xf32>,
      tpu.vector_store %arg7[%swap3A_916, %swap3A_917], %mul3A_913 {strides = array<i32>} : memref<128x128xf32, #tpu.memory_space<vmem>>, vector<16xf32>,
      %mul3A_919 = arith.mulf %get3A_827, %broadcast_in_dim3A_882 : vector<16xf32>
      %add3A_920 = arith.constant 5 : i32
      %add3A_921 = arith.addi %mul3A_76, %add3A_920 : i32
      %swap3A_922 = arith.index_cast %add3A_921 : i32 to index
      %swap3A_923 = arith.constant 96 : index
      %swap3A_924 = tpu.vector_load %arg7[%swap3A_922, %swap3A_923] {strides = array<i32>} : memref<128x128xf32, #tpu.memory_space<vmem>>, vector<16xf32>,
      tpu.vector_store %arg7[%swap3A_922, %swap3A_923], %mul3A_919 {strides = array<i32>} : memref<128x128xf32, #tpu.memory_space<vmem>>, vector<16xf32>,
      %mul3A_925 = arith.mulf %get3A_832, %broadcast_in_dim3A_882 : vector<16xf32>
      %add3A_926 = arith.constant 5 : i32
      %add3A_927 = arith.addi %mul3A_76, %add3A_926 : i32
      %swap3A_928 = arith.index_cast %add3A_927 : i32 to index
      %swap3A_929 = arith.constant 112 : index
      %swap3A_930 = tpu.vector_load %arg7[%swap3A_928, %swap3A_929] {strides = array<i32>} : memref<128x128xf32, #tpu.memory_space<vmem>>, vector<16xf32>,
      tpu.vector_store %arg7[%swap3A_928, %swap3A_929], %mul3A_925 {strides = array<i32>} : memref<128x128xf32, #tpu.memory_space<vmem>>, vector<16xf32>,
      %add3A_931 = arith.constant 6 : i32
      %add3A_932 = arith.addi %mul3A_76, %add3A_931 : i32
      %get3A_933 = arith.index_cast %add3A_932 : i32 to index
      %get3A_934 = arith.constant 0 : index
      %get3A_935 = tpu.vector_load %arg6[%get3A_933, %get3A_934] {strides = array<i32>} : memref<128x128xf32, #tpu.memory_space<vmem>>, vector<16xf32>,
      %add3A_936 = arith.constant 6 : i32
      %add3A_937 = arith.addi %mul3A_76, %add3A_936 : i32
      %get3A_938 = arith.index_cast %add3A_937 : i32 to index
      %get3A_939 = arith.constant 16 : index
      %get3A_940 = tpu.vector_load %arg6[%get3A_938, %get3A_939] {strides = array<i32>} : memref<128x128xf32, #tpu.memory_space<vmem>>, vector<16xf32>,
      %add3A_941 = arith.constant 6 : i32
      %add3A_942 = arith.addi %mul3A_76, %add3A_941 : i32
      %get3A_943 = arith.index_cast %add3A_942 : i32 to index
      %get3A_944 = arith.constant 32 : index
      %get3A_945 = tpu.vector_load %arg6[%get3A_943, %get3A_944] {strides = array<i32>} : memref<128x128xf32, #tpu.memory_space<vmem>>, vector<16xf32>,
      %add3A_946 = arith.constant 6 : i32
      %add3A_947 = arith.addi %mul3A_76, %add3A_946 : i32
      %get3A_948 = arith.index_cast %add3A_947 : i32 to index
      %get3A_949 = arith.constant 48 : index
      %get3A_950 = tpu.vector_load %arg6[%get3A_948, %get3A_949] {strides = array<i32>} : memref<128x128xf32, #tpu.memory_space<vmem>>, vector<16xf32>,
      %add3A_951 = arith.constant 6 : i32
      %add3A_952 = arith.addi %mul3A_76, %add3A_951 : i32
      %get3A_953 = arith.index_cast %add3A_952 : i32 to index
      %get3A_954 = arith.constant 64 : index
      %get3A_955 = tpu.vector_load %arg6[%get3A_953, %get3A_954] {strides = array<i32>} : memref<128x128xf32, #tpu.memory_space<vmem>>, vector<16xf32>,
      %add3A_956 = arith.constant 6 : i32
      %add3A_957 = arith.addi %mul3A_76, %add3A_956 : i32
      %get3A_958 = arith.index_cast %add3A_957 : i32 to index
      %get3A_959 = arith.constant 80 : index
      %get3A_960 = tpu.vector_load %arg6[%get3A_958, %get3A_959] {strides = array<i32>} : memref<128x128xf32, #tpu.memory_space<vmem>>, vector<16xf32>,
      %add3A_961 = arith.constant 6 : i32
      %add3A_962 = arith.addi %mul3A_76, %add3A_961 : i32
      %get3A_963 = arith.index_cast %add3A_962 : i32 to index
      %get3A_964 = arith.constant 96 : index
      %get3A_965 = tpu.vector_load %arg6[%get3A_963, %get3A_964] {strides = array<i32>} : memref<128x128xf32, #tpu.memory_space<vmem>>, vector<16xf32>,
      %add3A_966 = arith.constant 6 : i32
      %add3A_967 = arith.addi %mul3A_76, %add3A_966 : i32
      %get3A_968 = arith.index_cast %add3A_967 : i32 to index
      %get3A_969 = arith.constant 112 : index
      %get3A_970 = tpu.vector_load %arg6[%get3A_968, %get3A_969] {strides = array<i32>} : memref<128x128xf32, #tpu.memory_space<vmem>>, vector<16xf32>,
      %mul3A_971 = arith.mulf %get3A_935, %get3A_935 : vector<16xf32>
      %mul3A_972 = arith.mulf %get3A_940, %get3A_940 : vector<16xf32>
      %mul3A_973 = arith.mulf %get3A_945, %get3A_945 : vector<16xf32>
      %mul3A_974 = arith.mulf %get3A_950, %get3A_950 : vector<16xf32>
      %mul3A_975 = arith.mulf %get3A_955, %get3A_955 : vector<16xf32>
      %mul3A_976 = arith.mulf %get3A_960, %get3A_960 : vector<16xf32>
      %mul3A_977 = arith.mulf %get3A_965, %get3A_965 : vector<16xf32>
      %mul3A_978 = arith.mulf %get3A_970, %get3A_970 : vector<16xf32>
      %add3A_979 = arith.addf %mul3A_971, %mul3A_972 : vector<16xf32>
      %add3A_980 = arith.addf %mul3A_973, %mul3A_974 : vector<16xf32>
      %add3A_981 = arith.addf %mul3A_975, %mul3A_976 : vector<16xf32>
      %add3A_982 = arith.addf %mul3A_977, %mul3A_978 : vector<16xf32>
      %add3A_983 = arith.addf %add3A_979, %add3A_980 : vector<16xf32>
      %add3A_984 = arith.addf %add3A_981, %add3A_982 : vector<16xf32>
      %add3A_985 = arith.addf %add3A_983, %add3A_984 : vector<16xf32>
      %reduce_sum3A_986 = arith.constant true
      %reduce_sum3A_987 = vector.broadcast %reduce_sum3A_986 : i1 to vector<16xi1>
      %reduce_sum3A_988 = tpu.scan <sum>, %add3A_985 masked %reduce_sum3A_987 : vector<16xf32>, vector<16xi1> -> vector<16xf32>
      %reduce_sum3A_989 = vector.extract %reduce_sum3A_988[15] : f32 from vector<16xf32>
      %max3A_990 = arith.constant 1.000000e-30 : f32
      %max3A_991 = arith.maximumf %reduce_sum3A_989, %max3A_990 : f32
      %bitcast_convert_type3A_992 = arith.bitcast %max3A_991 : f32 to i32
      %shift_right_logical3A_993 = arith.constant 1 : i32
      %shift_right_logical3A_994 = arith.shrui %bitcast_convert_type3A_992, %shift_right_logical3A_993 : i32
      %sub3A_995 = arith.constant 1597463007 : i32
      %sub3A_996 = arith.subi %sub3A_995, %shift_right_logical3A_994 : i32
      %bitcast_convert_type3A_997 = arith.bitcast %sub3A_996 : i32 to f32
      %mul3A_998 = arith.constant 5.000000e-01 : f32
      %mul3A_999 = arith.mulf %mul3A_998, %max3A_991 : f32
      %mul3A_1000 = arith.mulf %mul3A_999, %bitcast_convert_type3A_997 : f32
      %mul3A_1001 = arith.mulf %mul3A_1000, %bitcast_convert_type3A_997 : f32
      %sub3A_1002 = arith.constant 1.500000e+00 : f32
      %sub3A_1003 = arith.subf %sub3A_1002, %mul3A_1001 : f32
      %mul3A_1004 = arith.mulf %bitcast_convert_type3A_997, %sub3A_1003 : f32
      %mul3A_1005 = arith.mulf %mul3A_999, %mul3A_1004 : f32
      %mul3A_1006 = arith.mulf %mul3A_1005, %mul3A_1004 : f32
      %sub3A_1007 = arith.constant 1.500000e+00 : f32
      %sub3A_1008 = arith.subf %sub3A_1007, %mul3A_1006 : f32
      %mul3A_1009 = arith.mulf %mul3A_1004, %sub3A_1008 : f32
      %mul3A_1010 = arith.mulf %mul3A_999, %mul3A_1009 : f32
      %mul3A_1011 = arith.mulf %mul3A_1010, %mul3A_1009 : f32
      %sub3A_1012 = arith.constant 1.500000e+00 : f32
      %sub3A_1013 = arith.subf %sub3A_1012, %mul3A_1011 : f32
      %mul3A_1014 = arith.mulf %mul3A_1009, %sub3A_1013 : f32
      %mul3A_1015 = arith.mulf %max3A_991, %mul3A_1014 : f32
      %gt3A_1016 = arith.constant 1.000000e+00 : f32
      %gt3A_1017 = arith.cmpf ogt, %mul3A_1015, %gt3A_1016 : f32
      %jit3A_1018 = arith.constant 1.000000e+00 : f32
      %select_n3A_1019 = arith.select %gt3A_1017, %mul3A_1014, %jit3A_1018 : f32
      %broadcast_in_dim3A_1020 = vector.broadcast %select_n3A_1019 : f32 to vector<16xf32>
      %mul3A_1021 = arith.mulf %get3A_935, %broadcast_in_dim3A_1020 : vector<16xf32>
      %add3A_1022 = arith.constant 6 : i32
      %add3A_1023 = arith.addi %mul3A_76, %add3A_1022 : i32
      %swap3A_1024 = arith.index_cast %add3A_1023 : i32 to index
      %swap3A_1025 = arith.constant 0 : index
      %swap3A_1026 = tpu.vector_load %arg7[%swap3A_1024, %swap3A_1025] {strides = array<i32>} : memref<128x128xf32, #tpu.memory_space<vmem>>, vector<16xf32>,
      tpu.vector_store %arg7[%swap3A_1024, %swap3A_1025], %mul3A_1021 {strides = array<i32>} : memref<128x128xf32, #tpu.memory_space<vmem>>, vector<16xf32>,
      %mul3A_1027 = arith.mulf %get3A_940, %broadcast_in_dim3A_1020 : vector<16xf32>
      %add3A_1028 = arith.constant 6 : i32
      %add3A_1029 = arith.addi %mul3A_76, %add3A_1028 : i32
      %swap3A_1030 = arith.index_cast %add3A_1029 : i32 to index
      %swap3A_1031 = arith.constant 16 : index
      %swap3A_1032 = tpu.vector_load %arg7[%swap3A_1030, %swap3A_1031] {strides = array<i32>} : memref<128x128xf32, #tpu.memory_space<vmem>>, vector<16xf32>,
      tpu.vector_store %arg7[%swap3A_1030, %swap3A_1031], %mul3A_1027 {strides = array<i32>} : memref<128x128xf32, #tpu.memory_space<vmem>>, vector<16xf32>,
      %mul3A_1033 = arith.mulf %get3A_945, %broadcast_in_dim3A_1020 : vector<16xf32>
      %add3A_1034 = arith.constant 6 : i32
      %add3A_1035 = arith.addi %mul3A_76, %add3A_1034 : i32
      %swap3A_1036 = arith.index_cast %add3A_1035 : i32 to index
      %swap3A_1037 = arith.constant 32 : index
      %swap3A_1038 = tpu.vector_load %arg7[%swap3A_1036, %swap3A_1037] {strides = array<i32>} : memref<128x128xf32, #tpu.memory_space<vmem>>, vector<16xf32>,
      tpu.vector_store %arg7[%swap3A_1036, %swap3A_1037], %mul3A_1033 {strides = array<i32>} : memref<128x128xf32, #tpu.memory_space<vmem>>, vector<16xf32>,
      %mul3A_1039 = arith.mulf %get3A_950, %broadcast_in_dim3A_1020 : vector<16xf32>
      %add3A_1040 = arith.constant 6 : i32
      %add3A_1041 = arith.addi %mul3A_76, %add3A_1040 : i32
      %swap3A_1042 = arith.index_cast %add3A_1041 : i32 to index
      %swap3A_1043 = arith.constant 48 : index
      %swap3A_1044 = tpu.vector_load %arg7[%swap3A_1042, %swap3A_1043] {strides = array<i32>} : memref<128x128xf32, #tpu.memory_space<vmem>>, vector<16xf32>,
      tpu.vector_store %arg7[%swap3A_1042, %swap3A_1043], %mul3A_1039 {strides = array<i32>} : memref<128x128xf32, #tpu.memory_space<vmem>>, vector<16xf32>,
      %mul3A_1045 = arith.mulf %get3A_955, %broadcast_in_dim3A_1020 : vector<16xf32>
      %add3A_1046 = arith.constant 6 : i32
      %add3A_1047 = arith.addi %mul3A_76, %add3A_1046 : i32
      %swap3A_1048 = arith.index_cast %add3A_1047 : i32 to index
      %swap3A_1049 = arith.constant 64 : index
      %swap3A_1050 = tpu.vector_load %arg7[%swap3A_1048, %swap3A_1049] {strides = array<i32>} : memref<128x128xf32, #tpu.memory_space<vmem>>, vector<16xf32>,
      tpu.vector_store %arg7[%swap3A_1048, %swap3A_1049], %mul3A_1045 {strides = array<i32>} : memref<128x128xf32, #tpu.memory_space<vmem>>, vector<16xf32>,
      %mul3A_1051 = arith.mulf %get3A_960, %broadcast_in_dim3A_1020 : vector<16xf32>
      %add3A_1052 = arith.constant 6 : i32
      %add3A_1053 = arith.addi %mul3A_76, %add3A_1052 : i32
      %swap3A_1054 = arith.index_cast %add3A_1053 : i32 to index
      %swap3A_1055 = arith.constant 80 : index
      %swap3A_1056 = tpu.vector_load %arg7[%swap3A_1054, %swap3A_1055] {strides = array<i32>} : memref<128x128xf32, #tpu.memory_space<vmem>>, vector<16xf32>,
      tpu.vector_store %arg7[%swap3A_1054, %swap3A_1055], %mul3A_1051 {strides = array<i32>} : memref<128x128xf32, #tpu.memory_space<vmem>>, vector<16xf32>,
      %mul3A_1057 = arith.mulf %get3A_965, %broadcast_in_dim3A_1020 : vector<16xf32>
      %add3A_1058 = arith.constant 6 : i32
      %add3A_1059 = arith.addi %mul3A_76, %add3A_1058 : i32
      %swap3A_1060 = arith.index_cast %add3A_1059 : i32 to index
      %swap3A_1061 = arith.constant 96 : index
      %swap3A_1062 = tpu.vector_load %arg7[%swap3A_1060, %swap3A_1061] {strides = array<i32>} : memref<128x128xf32, #tpu.memory_space<vmem>>, vector<16xf32>,
      tpu.vector_store %arg7[%swap3A_1060, %swap3A_1061], %mul3A_1057 {strides = array<i32>} : memref<128x128xf32, #tpu.memory_space<vmem>>, vector<16xf32>,
      %mul3A_1063 = arith.mulf %get3A_970, %broadcast_in_dim3A_1020 : vector<16xf32>
      %add3A_1064 = arith.constant 6 : i32
      %add3A_1065 = arith.addi %mul3A_76, %add3A_1064 : i32
      %swap3A_1066 = arith.index_cast %add3A_1065 : i32 to index
      %swap3A_1067 = arith.constant 112 : index
      %swap3A_1068 = tpu.vector_load %arg7[%swap3A_1066, %swap3A_1067] {strides = array<i32>} : memref<128x128xf32, #tpu.memory_space<vmem>>, vector<16xf32>,
      tpu.vector_store %arg7[%swap3A_1066, %swap3A_1067], %mul3A_1063 {strides = array<i32>} : memref<128x128xf32, #tpu.memory_space<vmem>>, vector<16xf32>,
      %add3A_1069 = arith.constant 7 : i32
      %add3A_1070 = arith.addi %mul3A_76, %add3A_1069 : i32
      %get3A_1071 = arith.index_cast %add3A_1070 : i32 to index
      %get3A_1072 = arith.constant 0 : index
      %get3A_1073 = tpu.vector_load %arg6[%get3A_1071, %get3A_1072] {strides = array<i32>} : memref<128x128xf32, #tpu.memory_space<vmem>>, vector<16xf32>,
      %add3A_1074 = arith.constant 7 : i32
      %add3A_1075 = arith.addi %mul3A_76, %add3A_1074 : i32
      %get3A_1076 = arith.index_cast %add3A_1075 : i32 to index
      %get3A_1077 = arith.constant 16 : index
      %get3A_1078 = tpu.vector_load %arg6[%get3A_1076, %get3A_1077] {strides = array<i32>} : memref<128x128xf32, #tpu.memory_space<vmem>>, vector<16xf32>,
      %add3A_1079 = arith.constant 7 : i32
      %add3A_1080 = arith.addi %mul3A_76, %add3A_1079 : i32
      %get3A_1081 = arith.index_cast %add3A_1080 : i32 to index
      %get3A_1082 = arith.constant 32 : index
      %get3A_1083 = tpu.vector_load %arg6[%get3A_1081, %get3A_1082] {strides = array<i32>} : memref<128x128xf32, #tpu.memory_space<vmem>>, vector<16xf32>,
      %add3A_1084 = arith.constant 7 : i32
      %add3A_1085 = arith.addi %mul3A_76, %add3A_1084 : i32
      %get3A_1086 = arith.index_cast %add3A_1085 : i32 to index
      %get3A_1087 = arith.constant 48 : index
      %get3A_1088 = tpu.vector_load %arg6[%get3A_1086, %get3A_1087] {strides = array<i32>} : memref<128x128xf32, #tpu.memory_space<vmem>>, vector<16xf32>,
      %add3A_1089 = arith.constant 7 : i32
      %add3A_1090 = arith.addi %mul3A_76, %add3A_1089 : i32
      %get3A_1091 = arith.index_cast %add3A_1090 : i32 to index
      %get3A_1092 = arith.constant 64 : index
      %get3A_1093 = tpu.vector_load %arg6[%get3A_1091, %get3A_1092] {strides = array<i32>} : memref<128x128xf32, #tpu.memory_space<vmem>>, vector<16xf32>,
      %add3A_1094 = arith.constant 7 : i32
      %add3A_1095 = arith.addi %mul3A_76, %add3A_1094 : i32
      %get3A_1096 = arith.index_cast %add3A_1095 : i32 to index
      %get3A_1097 = arith.constant 80 : index
      %get3A_1098 = tpu.vector_load %arg6[%get3A_1096, %get3A_1097] {strides = array<i32>} : memref<128x128xf32, #tpu.memory_space<vmem>>, vector<16xf32>,
      %add3A_1099 = arith.constant 7 : i32
      %add3A_1100 = arith.addi %mul3A_76, %add3A_1099 : i32
      %get3A_1101 = arith.index_cast %add3A_1100 : i32 to index
      %get3A_1102 = arith.constant 96 : index
      %get3A_1103 = tpu.vector_load %arg6[%get3A_1101, %get3A_1102] {strides = array<i32>} : memref<128x128xf32, #tpu.memory_space<vmem>>, vector<16xf32>,
      %add3A_1104 = arith.constant 7 : i32
      %add3A_1105 = arith.addi %mul3A_76, %add3A_1104 : i32
      %get3A_1106 = arith.index_cast %add3A_1105 : i32 to index
      %get3A_1107 = arith.constant 112 : index
      %get3A_1108 = tpu.vector_load %arg6[%get3A_1106, %get3A_1107] {strides = array<i32>} : memref<128x128xf32, #tpu.memory_space<vmem>>, vector<16xf32>,
      %mul3A_1109 = arith.mulf %get3A_1073, %get3A_1073 : vector<16xf32>
      %mul3A_1110 = arith.mulf %get3A_1078, %get3A_1078 : vector<16xf32>
      %mul3A_1111 = arith.mulf %get3A_1083, %get3A_1083 : vector<16xf32>
      %mul3A_1112 = arith.mulf %get3A_1088, %get3A_1088 : vector<16xf32>
      %mul3A_1113 = arith.mulf %get3A_1093, %get3A_1093 : vector<16xf32>
      %mul3A_1114 = arith.mulf %get3A_1098, %get3A_1098 : vector<16xf32>
      %mul3A_1115 = arith.mulf %get3A_1103, %get3A_1103 : vector<16xf32>
      %mul3A_1116 = arith.mulf %get3A_1108, %get3A_1108 : vector<16xf32>
      %add3A_1117 = arith.addf %mul3A_1109, %mul3A_1110 : vector<16xf32>
      %add3A_1118 = arith.addf %mul3A_1111, %mul3A_1112 : vector<16xf32>
      %add3A_1119 = arith.addf %mul3A_1113, %mul3A_1114 : vector<16xf32>
      %add3A_1120 = arith.addf %mul3A_1115, %mul3A_1116 : vector<16xf32>
      %add3A_1121 = arith.addf %add3A_1117, %add3A_1118 : vector<16xf32>
      %add3A_1122 = arith.addf %add3A_1119, %add3A_1120 : vector<16xf32>
      %add3A_1123 = arith.addf %add3A_1121, %add3A_1122 : vector<16xf32>
      %reduce_sum3A_1124 = arith.constant true
      %reduce_sum3A_1125 = vector.broadcast %reduce_sum3A_1124 : i1 to vector<16xi1>
      %reduce_sum3A_1126 = tpu.scan <sum>, %add3A_1123 masked %reduce_sum3A_1125 : vector<16xf32>, vector<16xi1> -> vector<16xf32>
      %reduce_sum3A_1127 = vector.extract %reduce_sum3A_1126[15] : f32 from vector<16xf32>
      %max3A_1128 = arith.constant 1.000000e-30 : f32
      %max3A_1129 = arith.maximumf %reduce_sum3A_1127, %max3A_1128 : f32
      %bitcast_convert_type3A_1130 = arith.bitcast %max3A_1129 : f32 to i32
      %shift_right_logical3A_1131 = arith.constant 1 : i32
      %shift_right_logical3A_1132 = arith.shrui %bitcast_convert_type3A_1130, %shift_right_logical3A_1131 : i32
      %sub3A_1133 = arith.constant 1597463007 : i32
      %sub3A_1134 = arith.subi %sub3A_1133, %shift_right_logical3A_1132 : i32
      %bitcast_convert_type3A_1135 = arith.bitcast %sub3A_1134 : i32 to f32
      %mul3A_1136 = arith.constant 5.000000e-01 : f32
      %mul3A_1137 = arith.mulf %mul3A_1136, %max3A_1129 : f32
      %mul3A_1138 = arith.mulf %mul3A_1137, %bitcast_convert_type3A_1135 : f32
      %mul3A_1139 = arith.mulf %mul3A_1138, %bitcast_convert_type3A_1135 : f32
      %sub3A_1140 = arith.constant 1.500000e+00 : f32
      %sub3A_1141 = arith.subf %sub3A_1140, %mul3A_1139 : f32
      %mul3A_1142 = arith.mulf %bitcast_convert_type3A_1135, %sub3A_1141 : f32
      %mul3A_1143 = arith.mulf %mul3A_1137, %mul3A_1142 : f32
      %mul3A_1144 = arith.mulf %mul3A_1143, %mul3A_1142 : f32
      %sub3A_1145 = arith.constant 1.500000e+00 : f32
      %sub3A_1146 = arith.subf %sub3A_1145, %mul3A_1144 : f32
      %mul3A_1147 = arith.mulf %mul3A_1142, %sub3A_1146 : f32
      %mul3A_1148 = arith.mulf %mul3A_1137, %mul3A_1147 : f32
      %mul3A_1149 = arith.mulf %mul3A_1148, %mul3A_1147 : f32
      %sub3A_1150 = arith.constant 1.500000e+00 : f32
      %sub3A_1151 = arith.subf %sub3A_1150, %mul3A_1149 : f32
      %mul3A_1152 = arith.mulf %mul3A_1147, %sub3A_1151 : f32
      %mul3A_1153 = arith.mulf %max3A_1129, %mul3A_1152 : f32
      %gt3A_1154 = arith.constant 1.000000e+00 : f32
      %gt3A_1155 = arith.cmpf ogt, %mul3A_1153, %gt3A_1154 : f32
      %jit3A_1156 = arith.constant 1.000000e+00 : f32
      %select_n3A_1157 = arith.select %gt3A_1155, %mul3A_1152, %jit3A_1156 : f32
      %broadcast_in_dim3A_1158 = vector.broadcast %select_n3A_1157 : f32 to vector<16xf32>
      %mul3A_1159 = arith.mulf %get3A_1073, %broadcast_in_dim3A_1158 : vector<16xf32>
      %add3A_1160 = arith.constant 7 : i32
      %add3A_1161 = arith.addi %mul3A_76, %add3A_1160 : i32
      %swap3A_1162 = arith.index_cast %add3A_1161 : i32 to index
      %swap3A_1163 = arith.constant 0 : index
      %swap3A_1164 = tpu.vector_load %arg7[%swap3A_1162, %swap3A_1163] {strides = array<i32>} : memref<128x128xf32, #tpu.memory_space<vmem>>, vector<16xf32>,
      tpu.vector_store %arg7[%swap3A_1162, %swap3A_1163], %mul3A_1159 {strides = array<i32>} : memref<128x128xf32, #tpu.memory_space<vmem>>, vector<16xf32>,
      %mul3A_1165 = arith.mulf %get3A_1078, %broadcast_in_dim3A_1158 : vector<16xf32>
      %add3A_1166 = arith.constant 7 : i32
      %add3A_1167 = arith.addi %mul3A_76, %add3A_1166 : i32
      %swap3A_1168 = arith.index_cast %add3A_1167 : i32 to index
      %swap3A_1169 = arith.constant 16 : index
      %swap3A_1170 = tpu.vector_load %arg7[%swap3A_1168, %swap3A_1169] {strides = array<i32>} : memref<128x128xf32, #tpu.memory_space<vmem>>, vector<16xf32>,
      tpu.vector_store %arg7[%swap3A_1168, %swap3A_1169], %mul3A_1165 {strides = array<i32>} : memref<128x128xf32, #tpu.memory_space<vmem>>, vector<16xf32>,
      %mul3A_1171 = arith.mulf %get3A_1083, %broadcast_in_dim3A_1158 : vector<16xf32>
      %add3A_1172 = arith.constant 7 : i32
      %add3A_1173 = arith.addi %mul3A_76, %add3A_1172 : i32
      %swap3A_1174 = arith.index_cast %add3A_1173 : i32 to index
      %swap3A_1175 = arith.constant 32 : index
      %swap3A_1176 = tpu.vector_load %arg7[%swap3A_1174, %swap3A_1175] {strides = array<i32>} : memref<128x128xf32, #tpu.memory_space<vmem>>, vector<16xf32>,
      tpu.vector_store %arg7[%swap3A_1174, %swap3A_1175], %mul3A_1171 {strides = array<i32>} : memref<128x128xf32, #tpu.memory_space<vmem>>, vector<16xf32>,
      %mul3A_1177 = arith.mulf %get3A_1088, %broadcast_in_dim3A_1158 : vector<16xf32>
      %add3A_1178 = arith.constant 7 : i32
      %add3A_1179 = arith.addi %mul3A_76, %add3A_1178 : i32
      %swap3A_1180 = arith.index_cast %add3A_1179 : i32 to index
      %swap3A_1181 = arith.constant 48 : index
      %swap3A_1182 = tpu.vector_load %arg7[%swap3A_1180, %swap3A_1181] {strides = array<i32>} : memref<128x128xf32, #tpu.memory_space<vmem>>, vector<16xf32>,
      tpu.vector_store %arg7[%swap3A_1180, %swap3A_1181], %mul3A_1177 {strides = array<i32>} : memref<128x128xf32, #tpu.memory_space<vmem>>, vector<16xf32>,
      %mul3A_1183 = arith.mulf %get3A_1093, %broadcast_in_dim3A_1158 : vector<16xf32>
      %add3A_1184 = arith.constant 7 : i32
      %add3A_1185 = arith.addi %mul3A_76, %add3A_1184 : i32
      %swap3A_1186 = arith.index_cast %add3A_1185 : i32 to index
      %swap3A_1187 = arith.constant 64 : index
      %swap3A_1188 = tpu.vector_load %arg7[%swap3A_1186, %swap3A_1187] {strides = array<i32>} : memref<128x128xf32, #tpu.memory_space<vmem>>, vector<16xf32>,
      tpu.vector_store %arg7[%swap3A_1186, %swap3A_1187], %mul3A_1183 {strides = array<i32>} : memref<128x128xf32, #tpu.memory_space<vmem>>, vector<16xf32>,
      %mul3A_1189 = arith.mulf %get3A_1098, %broadcast_in_dim3A_1158 : vector<16xf32>
      %add3A_1190 = arith.constant 7 : i32
      %add3A_1191 = arith.addi %mul3A_76, %add3A_1190 : i32
      %swap3A_1192 = arith.index_cast %add3A_1191 : i32 to index
      %swap3A_1193 = arith.constant 80 : index
      %swap3A_1194 = tpu.vector_load %arg7[%swap3A_1192, %swap3A_1193] {strides = array<i32>} : memref<128x128xf32, #tpu.memory_space<vmem>>, vector<16xf32>,
      tpu.vector_store %arg7[%swap3A_1192, %swap3A_1193], %mul3A_1189 {strides = array<i32>} : memref<128x128xf32, #tpu.memory_space<vmem>>, vector<16xf32>,
      %mul3A_1195 = arith.mulf %get3A_1103, %broadcast_in_dim3A_1158 : vector<16xf32>
      %add3A_1196 = arith.constant 7 : i32
      %add3A_1197 = arith.addi %mul3A_76, %add3A_1196 : i32
      %swap3A_1198 = arith.index_cast %add3A_1197 : i32 to index
      %swap3A_1199 = arith.constant 96 : index
      %swap3A_1200 = tpu.vector_load %arg7[%swap3A_1198, %swap3A_1199] {strides = array<i32>} : memref<128x128xf32, #tpu.memory_space<vmem>>, vector<16xf32>,
      tpu.vector_store %arg7[%swap3A_1198, %swap3A_1199], %mul3A_1195 {strides = array<i32>} : memref<128x128xf32, #tpu.memory_space<vmem>>, vector<16xf32>,
      %mul3A_1201 = arith.mulf %get3A_1108, %broadcast_in_dim3A_1158 : vector<16xf32>
      %add3A_1202 = arith.constant 7 : i32
      %add3A_1203 = arith.addi %mul3A_76, %add3A_1202 : i32
      %swap3A_1204 = arith.index_cast %add3A_1203 : i32 to index
      %swap3A_1205 = arith.constant 112 : index
      %swap3A_1206 = tpu.vector_load %arg7[%swap3A_1204, %swap3A_1205] {strides = array<i32>} : memref<128x128xf32, #tpu.memory_space<vmem>>, vector<16xf32>,
      tpu.vector_store %arg7[%swap3A_1204, %swap3A_1205], %mul3A_1201 {strides = array<i32>} : memref<128x128xf32, #tpu.memory_space<vmem>>, vector<16xf32>,
      %add3A_1207 = arith.constant 8 : i32
      %add3A_1208 = arith.addi %mul3A_76, %add3A_1207 : i32
      %get3A_1209 = arith.index_cast %add3A_1208 : i32 to index
      %get3A_1210 = arith.constant 0 : index
      %get3A_1211 = tpu.vector_load %arg6[%get3A_1209, %get3A_1210] {strides = array<i32>} : memref<128x128xf32, #tpu.memory_space<vmem>>, vector<16xf32>,
      %add3A_1212 = arith.constant 8 : i32
      %add3A_1213 = arith.addi %mul3A_76, %add3A_1212 : i32
      %get3A_1214 = arith.index_cast %add3A_1213 : i32 to index
      %get3A_1215 = arith.constant 16 : index
      %get3A_1216 = tpu.vector_load %arg6[%get3A_1214, %get3A_1215] {strides = array<i32>} : memref<128x128xf32, #tpu.memory_space<vmem>>, vector<16xf32>,
      %add3A_1217 = arith.constant 8 : i32
      %add3A_1218 = arith.addi %mul3A_76, %add3A_1217 : i32
      %get3A_1219 = arith.index_cast %add3A_1218 : i32 to index
      %get3A_1220 = arith.constant 32 : index
      %get3A_1221 = tpu.vector_load %arg6[%get3A_1219, %get3A_1220] {strides = array<i32>} : memref<128x128xf32, #tpu.memory_space<vmem>>, vector<16xf32>,
      %add3A_1222 = arith.constant 8 : i32
      %add3A_1223 = arith.addi %mul3A_76, %add3A_1222 : i32
      %get3A_1224 = arith.index_cast %add3A_1223 : i32 to index
      %get3A_1225 = arith.constant 48 : index
      %get3A_1226 = tpu.vector_load %arg6[%get3A_1224, %get3A_1225] {strides = array<i32>} : memref<128x128xf32, #tpu.memory_space<vmem>>, vector<16xf32>,
      %add3A_1227 = arith.constant 8 : i32
      %add3A_1228 = arith.addi %mul3A_76, %add3A_1227 : i32
      %get3A_1229 = arith.index_cast %add3A_1228 : i32 to index
      %get3A_1230 = arith.constant 64 : index
      %get3A_1231 = tpu.vector_load %arg6[%get3A_1229, %get3A_1230] {strides = array<i32>} : memref<128x128xf32, #tpu.memory_space<vmem>>, vector<16xf32>,
      %add3A_1232 = arith.constant 8 : i32
      %add3A_1233 = arith.addi %mul3A_76, %add3A_1232 : i32
      %get3A_1234 = arith.index_cast %add3A_1233 : i32 to index
      %get3A_1235 = arith.constant 80 : index
      %get3A_1236 = tpu.vector_load %arg6[%get3A_1234, %get3A_1235] {strides = array<i32>} : memref<128x128xf32, #tpu.memory_space<vmem>>, vector<16xf32>,
      %add3A_1237 = arith.constant 8 : i32
      %add3A_1238 = arith.addi %mul3A_76, %add3A_1237 : i32
      %get3A_1239 = arith.index_cast %add3A_1238 : i32 to index
      %get3A_1240 = arith.constant 96 : index
      %get3A_1241 = tpu.vector_load %arg6[%get3A_1239, %get3A_1240] {strides = array<i32>} : memref<128x128xf32, #tpu.memory_space<vmem>>, vector<16xf32>,
      %add3A_1242 = arith.constant 8 : i32
      %add3A_1243 = arith.addi %mul3A_76, %add3A_1242 : i32
      %get3A_1244 = arith.index_cast %add3A_1243 : i32 to index
      %get3A_1245 = arith.constant 112 : index
      %get3A_1246 = tpu.vector_load %arg6[%get3A_1244, %get3A_1245] {strides = array<i32>} : memref<128x128xf32, #tpu.memory_space<vmem>>, vector<16xf32>,
      %mul3A_1247 = arith.mulf %get3A_1211, %get3A_1211 : vector<16xf32>
      %mul3A_1248 = arith.mulf %get3A_1216, %get3A_1216 : vector<16xf32>
      %mul3A_1249 = arith.mulf %get3A_1221, %get3A_1221 : vector<16xf32>
      %mul3A_1250 = arith.mulf %get3A_1226, %get3A_1226 : vector<16xf32>
      %mul3A_1251 = arith.mulf %get3A_1231, %get3A_1231 : vector<16xf32>
      %mul3A_1252 = arith.mulf %get3A_1236, %get3A_1236 : vector<16xf32>
      %mul3A_1253 = arith.mulf %get3A_1241, %get3A_1241 : vector<16xf32>
      %mul3A_1254 = arith.mulf %get3A_1246, %get3A_1246 : vector<16xf32>
      %add3A_1255 = arith.addf %mul3A_1247, %mul3A_1248 : vector<16xf32>
      %add3A_1256 = arith.addf %mul3A_1249, %mul3A_1250 : vector<16xf32>
      %add3A_1257 = arith.addf %mul3A_1251, %mul3A_1252 : vector<16xf32>
      %add3A_1258 = arith.addf %mul3A_1253, %mul3A_1254 : vector<16xf32>
      %add3A_1259 = arith.addf %add3A_1255, %add3A_1256 : vector<16xf32>
      %add3A_1260 = arith.addf %add3A_1257, %add3A_1258 : vector<16xf32>
      %add3A_1261 = arith.addf %add3A_1259, %add3A_1260 : vector<16xf32>
      %reduce_sum3A_1262 = arith.constant true
      %reduce_sum3A_1263 = vector.broadcast %reduce_sum3A_1262 : i1 to vector<16xi1>
      %reduce_sum3A_1264 = tpu.scan <sum>, %add3A_1261 masked %reduce_sum3A_1263 : vector<16xf32>, vector<16xi1> -> vector<16xf32>
      %reduce_sum3A_1265 = vector.extract %reduce_sum3A_1264[15] : f32 from vector<16xf32>
      %max3A_1266 = arith.constant 1.000000e-30 : f32
      %max3A_1267 = arith.maximumf %reduce_sum3A_1265, %max3A_1266 : f32
      %bitcast_convert_type3A_1268 = arith.bitcast %max3A_1267 : f32 to i32
      %shift_right_logical3A_1269 = arith.constant 1 : i32
      %shift_right_logical3A_1270 = arith.shrui %bitcast_convert_type3A_1268, %shift_right_logical3A_1269 : i32
      %sub3A_1271 = arith.constant 1597463007 : i32
      %sub3A_1272 = arith.subi %sub3A_1271, %shift_right_logical3A_1270 : i32
      %bitcast_convert_type3A_1273 = arith.bitcast %sub3A_1272 : i32 to f32
      %mul3A_1274 = arith.constant 5.000000e-01 : f32
      %mul3A_1275 = arith.mulf %mul3A_1274, %max3A_1267 : f32
      %mul3A_1276 = arith.mulf %mul3A_1275, %bitcast_convert_type3A_1273 : f32
      %mul3A_1277 = arith.mulf %mul3A_1276, %bitcast_convert_type3A_1273 : f32
      %sub3A_1278 = arith.constant 1.500000e+00 : f32
      %sub3A_1279 = arith.subf %sub3A_1278, %mul3A_1277 : f32
      %mul3A_1280 = arith.mulf %bitcast_convert_type3A_1273, %sub3A_1279 : f32
      %mul3A_1281 = arith.mulf %mul3A_1275, %mul3A_1280 : f32
      %mul3A_1282 = arith.mulf %mul3A_1281, %mul3A_1280 : f32
      %sub3A_1283 = arith.constant 1.500000e+00 : f32
      %sub3A_1284 = arith.subf %sub3A_1283, %mul3A_1282 : f32
      %mul3A_1285 = arith.mulf %mul3A_1280, %sub3A_1284 : f32
      %mul3A_1286 = arith.mulf %mul3A_1275, %mul3A_1285 : f32
      %mul3A_1287 = arith.mulf %mul3A_1286, %mul3A_1285 : f32
      %sub3A_1288 = arith.constant 1.500000e+00 : f32
      %sub3A_1289 = arith.subf %sub3A_1288, %mul3A_1287 : f32
      %mul3A_1290 = arith.mulf %mul3A_1285, %sub3A_1289 : f32
      %mul3A_1291 = arith.mulf %max3A_1267, %mul3A_1290 : f32
      %gt3A_1292 = arith.constant 1.000000e+00 : f32
      %gt3A_1293 = arith.cmpf ogt, %mul3A_1291, %gt3A_1292 : f32
      %jit3A_1294 = arith.constant 1.000000e+00 : f32
      %select_n3A_1295 = arith.select %gt3A_1293, %mul3A_1290, %jit3A_1294 : f32
      %broadcast_in_dim3A_1296 = vector.broadcast %select_n3A_1295 : f32 to vector<16xf32>
      %mul3A_1297 = arith.mulf %get3A_1211, %broadcast_in_dim3A_1296 : vector<16xf32>
      %add3A_1298 = arith.constant 8 : i32
      %add3A_1299 = arith.addi %mul3A_76, %add3A_1298 : i32
      %swap3A_1300 = arith.index_cast %add3A_1299 : i32 to index
      %swap3A_1301 = arith.constant 0 : index
      %swap3A_1302 = tpu.vector_load %arg7[%swap3A_1300, %swap3A_1301] {strides = array<i32>} : memref<128x128xf32, #tpu.memory_space<vmem>>, vector<16xf32>,
      tpu.vector_store %arg7[%swap3A_1300, %swap3A_1301], %mul3A_1297 {strides = array<i32>} : memref<128x128xf32, #tpu.memory_space<vmem>>, vector<16xf32>,
      %mul3A_1303 = arith.mulf %get3A_1216, %broadcast_in_dim3A_1296 : vector<16xf32>
      %add3A_1304 = arith.constant 8 : i32
      %add3A_1305 = arith.addi %mul3A_76, %add3A_1304 : i32
      %swap3A_1306 = arith.index_cast %add3A_1305 : i32 to index
      %swap3A_1307 = arith.constant 16 : index
      %swap3A_1308 = tpu.vector_load %arg7[%swap3A_1306, %swap3A_1307] {strides = array<i32>} : memref<128x128xf32, #tpu.memory_space<vmem>>, vector<16xf32>,
      tpu.vector_store %arg7[%swap3A_1306, %swap3A_1307], %mul3A_1303 {strides = array<i32>} : memref<128x128xf32, #tpu.memory_space<vmem>>, vector<16xf32>,
      %mul3A_1309 = arith.mulf %get3A_1221, %broadcast_in_dim3A_1296 : vector<16xf32>
      %add3A_1310 = arith.constant 8 : i32
      %add3A_1311 = arith.addi %mul3A_76, %add3A_1310 : i32
      %swap3A_1312 = arith.index_cast %add3A_1311 : i32 to index
      %swap3A_1313 = arith.constant 32 : index
      %swap3A_1314 = tpu.vector_load %arg7[%swap3A_1312, %swap3A_1313] {strides = array<i32>} : memref<128x128xf32, #tpu.memory_space<vmem>>, vector<16xf32>,
      tpu.vector_store %arg7[%swap3A_1312, %swap3A_1313], %mul3A_1309 {strides = array<i32>} : memref<128x128xf32, #tpu.memory_space<vmem>>, vector<16xf32>,
      %mul3A_1315 = arith.mulf %get3A_1226, %broadcast_in_dim3A_1296 : vector<16xf32>
      %add3A_1316 = arith.constant 8 : i32
      %add3A_1317 = arith.addi %mul3A_76, %add3A_1316 : i32
      %swap3A_1318 = arith.index_cast %add3A_1317 : i32 to index
      %swap3A_1319 = arith.constant 48 : index
      %swap3A_1320 = tpu.vector_load %arg7[%swap3A_1318, %swap3A_1319] {strides = array<i32>} : memref<128x128xf32, #tpu.memory_space<vmem>>, vector<16xf32>,
      tpu.vector_store %arg7[%swap3A_1318, %swap3A_1319], %mul3A_1315 {strides = array<i32>} : memref<128x128xf32, #tpu.memory_space<vmem>>, vector<16xf32>,
      %mul3A_1321 = arith.mulf %get3A_1231, %broadcast_in_dim3A_1296 : vector<16xf32>
      %add3A_1322 = arith.constant 8 : i32
      %add3A_1323 = arith.addi %mul3A_76, %add3A_1322 : i32
      %swap3A_1324 = arith.index_cast %add3A_1323 : i32 to index
      %swap3A_1325 = arith.constant 64 : index
      %swap3A_1326 = tpu.vector_load %arg7[%swap3A_1324, %swap3A_1325] {strides = array<i32>} : memref<128x128xf32, #tpu.memory_space<vmem>>, vector<16xf32>,
      tpu.vector_store %arg7[%swap3A_1324, %swap3A_1325], %mul3A_1321 {strides = array<i32>} : memref<128x128xf32, #tpu.memory_space<vmem>>, vector<16xf32>,
      %mul3A_1327 = arith.mulf %get3A_1236, %broadcast_in_dim3A_1296 : vector<16xf32>
      %add3A_1328 = arith.constant 8 : i32
      %add3A_1329 = arith.addi %mul3A_76, %add3A_1328 : i32
      %swap3A_1330 = arith.index_cast %add3A_1329 : i32 to index
      %swap3A_1331 = arith.constant 80 : index
      %swap3A_1332 = tpu.vector_load %arg7[%swap3A_1330, %swap3A_1331] {strides = array<i32>} : memref<128x128xf32, #tpu.memory_space<vmem>>, vector<16xf32>,
      tpu.vector_store %arg7[%swap3A_1330, %swap3A_1331], %mul3A_1327 {strides = array<i32>} : memref<128x128xf32, #tpu.memory_space<vmem>>, vector<16xf32>,
      %mul3A_1333 = arith.mulf %get3A_1241, %broadcast_in_dim3A_1296 : vector<16xf32>
      %add3A_1334 = arith.constant 8 : i32
      %add3A_1335 = arith.addi %mul3A_76, %add3A_1334 : i32
      %swap3A_1336 = arith.index_cast %add3A_1335 : i32 to index
      %swap3A_1337 = arith.constant 96 : index
      %swap3A_1338 = tpu.vector_load %arg7[%swap3A_1336, %swap3A_1337] {strides = array<i32>} : memref<128x128xf32, #tpu.memory_space<vmem>>, vector<16xf32>,
      tpu.vector_store %arg7[%swap3A_1336, %swap3A_1337], %mul3A_1333 {strides = array<i32>} : memref<128x128xf32, #tpu.memory_space<vmem>>, vector<16xf32>,
      %mul3A_1339 = arith.mulf %get3A_1246, %broadcast_in_dim3A_1296 : vector<16xf32>
      %add3A_1340 = arith.constant 8 : i32
      %add3A_1341 = arith.addi %mul3A_76, %add3A_1340 : i32
      %swap3A_1342 = arith.index_cast %add3A_1341 : i32 to index
      %swap3A_1343 = arith.constant 112 : index
      %swap3A_1344 = tpu.vector_load %arg7[%swap3A_1342, %swap3A_1343] {strides = array<i32>} : memref<128x128xf32, #tpu.memory_space<vmem>>, vector<16xf32>,
      tpu.vector_store %arg7[%swap3A_1342, %swap3A_1343], %mul3A_1339 {strides = array<i32>} : memref<128x128xf32, #tpu.memory_space<vmem>>, vector<16xf32>,
      %add3A_1345 = arith.constant 9 : i32
      %add3A_1346 = arith.addi %mul3A_76, %add3A_1345 : i32
      %get3A_1347 = arith.index_cast %add3A_1346 : i32 to index
      %get3A_1348 = arith.constant 0 : index
      %get3A_1349 = tpu.vector_load %arg6[%get3A_1347, %get3A_1348] {strides = array<i32>} : memref<128x128xf32, #tpu.memory_space<vmem>>, vector<16xf32>,
      %add3A_1350 = arith.constant 9 : i32
      %add3A_1351 = arith.addi %mul3A_76, %add3A_1350 : i32
      %get3A_1352 = arith.index_cast %add3A_1351 : i32 to index
      %get3A_1353 = arith.constant 16 : index
      %get3A_1354 = tpu.vector_load %arg6[%get3A_1352, %get3A_1353] {strides = array<i32>} : memref<128x128xf32, #tpu.memory_space<vmem>>, vector<16xf32>,
      %add3A_1355 = arith.constant 9 : i32
      %add3A_1356 = arith.addi %mul3A_76, %add3A_1355 : i32
      %get3A_1357 = arith.index_cast %add3A_1356 : i32 to index
      %get3A_1358 = arith.constant 32 : index
      %get3A_1359 = tpu.vector_load %arg6[%get3A_1357, %get3A_1358] {strides = array<i32>} : memref<128x128xf32, #tpu.memory_space<vmem>>, vector<16xf32>,
      %add3A_1360 = arith.constant 9 : i32
      %add3A_1361 = arith.addi %mul3A_76, %add3A_1360 : i32
      %get3A_1362 = arith.index_cast %add3A_1361 : i32 to index
      %get3A_1363 = arith.constant 48 : index
      %get3A_1364 = tpu.vector_load %arg6[%get3A_1362, %get3A_1363] {strides = array<i32>} : memref<128x128xf32, #tpu.memory_space<vmem>>, vector<16xf32>,
      %add3A_1365 = arith.constant 9 : i32
      %add3A_1366 = arith.addi %mul3A_76, %add3A_1365 : i32
      %get3A_1367 = arith.index_cast %add3A_1366 : i32 to index
      %get3A_1368 = arith.constant 64 : index
      %get3A_1369 = tpu.vector_load %arg6[%get3A_1367, %get3A_1368] {strides = array<i32>} : memref<128x128xf32, #tpu.memory_space<vmem>>, vector<16xf32>,
      %add3A_1370 = arith.constant 9 : i32
      %add3A_1371 = arith.addi %mul3A_76, %add3A_1370 : i32
      %get3A_1372 = arith.index_cast %add3A_1371 : i32 to index
      %get3A_1373 = arith.constant 80 : index
      %get3A_1374 = tpu.vector_load %arg6[%get3A_1372, %get3A_1373] {strides = array<i32>} : memref<128x128xf32, #tpu.memory_space<vmem>>, vector<16xf32>,
      %add3A_1375 = arith.constant 9 : i32
      %add3A_1376 = arith.addi %mul3A_76, %add3A_1375 : i32
      %get3A_1377 = arith.index_cast %add3A_1376 : i32 to index
      %get3A_1378 = arith.constant 96 : index
      %get3A_1379 = tpu.vector_load %arg6[%get3A_1377, %get3A_1378] {strides = array<i32>} : memref<128x128xf32, #tpu.memory_space<vmem>>, vector<16xf32>,
      %add3A_1380 = arith.constant 9 : i32
      %add3A_1381 = arith.addi %mul3A_76, %add3A_1380 : i32
      %get3A_1382 = arith.index_cast %add3A_1381 : i32 to index
      %get3A_1383 = arith.constant 112 : index
      %get3A_1384 = tpu.vector_load %arg6[%get3A_1382, %get3A_1383] {strides = array<i32>} : memref<128x128xf32, #tpu.memory_space<vmem>>, vector<16xf32>,
      %mul3A_1385 = arith.mulf %get3A_1349, %get3A_1349 : vector<16xf32>
      %mul3A_1386 = arith.mulf %get3A_1354, %get3A_1354 : vector<16xf32>
      %mul3A_1387 = arith.mulf %get3A_1359, %get3A_1359 : vector<16xf32>
      %mul3A_1388 = arith.mulf %get3A_1364, %get3A_1364 : vector<16xf32>
      %mul3A_1389 = arith.mulf %get3A_1369, %get3A_1369 : vector<16xf32>
      %mul3A_1390 = arith.mulf %get3A_1374, %get3A_1374 : vector<16xf32>
      %mul3A_1391 = arith.mulf %get3A_1379, %get3A_1379 : vector<16xf32>
      %mul3A_1392 = arith.mulf %get3A_1384, %get3A_1384 : vector<16xf32>
      %add3A_1393 = arith.addf %mul3A_1385, %mul3A_1386 : vector<16xf32>
      %add3A_1394 = arith.addf %mul3A_1387, %mul3A_1388 : vector<16xf32>
      %add3A_1395 = arith.addf %mul3A_1389, %mul3A_1390 : vector<16xf32>
      %add3A_1396 = arith.addf %mul3A_1391, %mul3A_1392 : vector<16xf32>
      %add3A_1397 = arith.addf %add3A_1393, %add3A_1394 : vector<16xf32>
      %add3A_1398 = arith.addf %add3A_1395, %add3A_1396 : vector<16xf32>
      %add3A_1399 = arith.addf %add3A_1397, %add3A_1398 : vector<16xf32>
      %reduce_sum3A_1400 = arith.constant true
      %reduce_sum3A_1401 = vector.broadcast %reduce_sum3A_1400 : i1 to vector<16xi1>
      %reduce_sum3A_1402 = tpu.scan <sum>, %add3A_1399 masked %reduce_sum3A_1401 : vector<16xf32>, vector<16xi1> -> vector<16xf32>
      %reduce_sum3A_1403 = vector.extract %reduce_sum3A_1402[15] : f32 from vector<16xf32>
      %max3A_1404 = arith.constant 1.000000e-30 : f32
      %max3A_1405 = arith.maximumf %reduce_sum3A_1403, %max3A_1404 : f32
      %bitcast_convert_type3A_1406 = arith.bitcast %max3A_1405 : f32 to i32
      %shift_right_logical3A_1407 = arith.constant 1 : i32
      %shift_right_logical3A_1408 = arith.shrui %bitcast_convert_type3A_1406, %shift_right_logical3A_1407 : i32
      %sub3A_1409 = arith.constant 1597463007 : i32
      %sub3A_1410 = arith.subi %sub3A_1409, %shift_right_logical3A_1408 : i32
      %bitcast_convert_type3A_1411 = arith.bitcast %sub3A_1410 : i32 to f32
      %mul3A_1412 = arith.constant 5.000000e-01 : f32
      %mul3A_1413 = arith.mulf %mul3A_1412, %max3A_1405 : f32
      %mul3A_1414 = arith.mulf %mul3A_1413, %bitcast_convert_type3A_1411 : f32
      %mul3A_1415 = arith.mulf %mul3A_1414, %bitcast_convert_type3A_1411 : f32
      %sub3A_1416 = arith.constant 1.500000e+00 : f32
      %sub3A_1417 = arith.subf %sub3A_1416, %mul3A_1415 : f32
      %mul3A_1418 = arith.mulf %bitcast_convert_type3A_1411, %sub3A_1417 : f32
      %mul3A_1419 = arith.mulf %mul3A_1413, %mul3A_1418 : f32
      %mul3A_1420 = arith.mulf %mul3A_1419, %mul3A_1418 : f32
      %sub3A_1421 = arith.constant 1.500000e+00 : f32
      %sub3A_1422 = arith.subf %sub3A_1421, %mul3A_1420 : f32
      %mul3A_1423 = arith.mulf %mul3A_1418, %sub3A_1422 : f32
      %mul3A_1424 = arith.mulf %mul3A_1413, %mul3A_1423 : f32
      %mul3A_1425 = arith.mulf %mul3A_1424, %mul3A_1423 : f32
      %sub3A_1426 = arith.constant 1.500000e+00 : f32
      %sub3A_1427 = arith.subf %sub3A_1426, %mul3A_1425 : f32
      %mul3A_1428 = arith.mulf %mul3A_1423, %sub3A_1427 : f32
      %mul3A_1429 = arith.mulf %max3A_1405, %mul3A_1428 : f32
      %gt3A_1430 = arith.constant 1.000000e+00 : f32
      %gt3A_1431 = arith.cmpf ogt, %mul3A_1429, %gt3A_1430 : f32
      %jit3A_1432 = arith.constant 1.000000e+00 : f32
      %select_n3A_1433 = arith.select %gt3A_1431, %mul3A_1428, %jit3A_1432 : f32
      %broadcast_in_dim3A_1434 = vector.broadcast %select_n3A_1433 : f32 to vector<16xf32>
      %mul3A_1435 = arith.mulf %get3A_1349, %broadcast_in_dim3A_1434 : vector<16xf32>
      %add3A_1436 = arith.constant 9 : i32
      %add3A_1437 = arith.addi %mul3A_76, %add3A_1436 : i32
      %swap3A_1438 = arith.index_cast %add3A_1437 : i32 to index
      %swap3A_1439 = arith.constant 0 : index
      %swap3A_1440 = tpu.vector_load %arg7[%swap3A_1438, %swap3A_1439] {strides = array<i32>} : memref<128x128xf32, #tpu.memory_space<vmem>>, vector<16xf32>,
      tpu.vector_store %arg7[%swap3A_1438, %swap3A_1439], %mul3A_1435 {strides = array<i32>} : memref<128x128xf32, #tpu.memory_space<vmem>>, vector<16xf32>,
      %mul3A_1441 = arith.mulf %get3A_1354, %broadcast_in_dim3A_1434 : vector<16xf32>
      %add3A_1442 = arith.constant 9 : i32
      %add3A_1443 = arith.addi %mul3A_76, %add3A_1442 : i32
      %swap3A_1444 = arith.index_cast %add3A_1443 : i32 to index
      %swap3A_1445 = arith.constant 16 : index
      %swap3A_1446 = tpu.vector_load %arg7[%swap3A_1444, %swap3A_1445] {strides = array<i32>} : memref<128x128xf32, #tpu.memory_space<vmem>>, vector<16xf32>,
      tpu.vector_store %arg7[%swap3A_1444, %swap3A_1445], %mul3A_1441 {strides = array<i32>} : memref<128x128xf32, #tpu.memory_space<vmem>>, vector<16xf32>,
      %mul3A_1447 = arith.mulf %get3A_1359, %broadcast_in_dim3A_1434 : vector<16xf32>
      %add3A_1448 = arith.constant 9 : i32
      %add3A_1449 = arith.addi %mul3A_76, %add3A_1448 : i32
      %swap3A_1450 = arith.index_cast %add3A_1449 : i32 to index
      %swap3A_1451 = arith.constant 32 : index
      %swap3A_1452 = tpu.vector_load %arg7[%swap3A_1450, %swap3A_1451] {strides = array<i32>} : memref<128x128xf32, #tpu.memory_space<vmem>>, vector<16xf32>,
      tpu.vector_store %arg7[%swap3A_1450, %swap3A_1451], %mul3A_1447 {strides = array<i32>} : memref<128x128xf32, #tpu.memory_space<vmem>>, vector<16xf32>,
      %mul3A_1453 = arith.mulf %get3A_1364, %broadcast_in_dim3A_1434 : vector<16xf32>
      %add3A_1454 = arith.constant 9 : i32
      %add3A_1455 = arith.addi %mul3A_76, %add3A_1454 : i32
      %swap3A_1456 = arith.index_cast %add3A_1455 : i32 to index
      %swap3A_1457 = arith.constant 48 : index
      %swap3A_1458 = tpu.vector_load %arg7[%swap3A_1456, %swap3A_1457] {strides = array<i32>} : memref<128x128xf32, #tpu.memory_space<vmem>>, vector<16xf32>,
      tpu.vector_store %arg7[%swap3A_1456, %swap3A_1457], %mul3A_1453 {strides = array<i32>} : memref<128x128xf32, #tpu.memory_space<vmem>>, vector<16xf32>,
      %mul3A_1459 = arith.mulf %get3A_1369, %broadcast_in_dim3A_1434 : vector<16xf32>
      %add3A_1460 = arith.constant 9 : i32
      %add3A_1461 = arith.addi %mul3A_76, %add3A_1460 : i32
      %swap3A_1462 = arith.index_cast %add3A_1461 : i32 to index
      %swap3A_1463 = arith.constant 64 : index
      %swap3A_1464 = tpu.vector_load %arg7[%swap3A_1462, %swap3A_1463] {strides = array<i32>} : memref<128x128xf32, #tpu.memory_space<vmem>>, vector<16xf32>,
      tpu.vector_store %arg7[%swap3A_1462, %swap3A_1463], %mul3A_1459 {strides = array<i32>} : memref<128x128xf32, #tpu.memory_space<vmem>>, vector<16xf32>,
      %mul3A_1465 = arith.mulf %get3A_1374, %broadcast_in_dim3A_1434 : vector<16xf32>
      %add3A_1466 = arith.constant 9 : i32
      %add3A_1467 = arith.addi %mul3A_76, %add3A_1466 : i32
      %swap3A_1468 = arith.index_cast %add3A_1467 : i32 to index
      %swap3A_1469 = arith.constant 80 : index
      %swap3A_1470 = tpu.vector_load %arg7[%swap3A_1468, %swap3A_1469] {strides = array<i32>} : memref<128x128xf32, #tpu.memory_space<vmem>>, vector<16xf32>,
      tpu.vector_store %arg7[%swap3A_1468, %swap3A_1469], %mul3A_1465 {strides = array<i32>} : memref<128x128xf32, #tpu.memory_space<vmem>>, vector<16xf32>,
      %mul3A_1471 = arith.mulf %get3A_1379, %broadcast_in_dim3A_1434 : vector<16xf32>
      %add3A_1472 = arith.constant 9 : i32
      %add3A_1473 = arith.addi %mul3A_76, %add3A_1472 : i32
      %swap3A_1474 = arith.index_cast %add3A_1473 : i32 to index
      %swap3A_1475 = arith.constant 96 : index
      %swap3A_1476 = tpu.vector_load %arg7[%swap3A_1474, %swap3A_1475] {strides = array<i32>} : memref<128x128xf32, #tpu.memory_space<vmem>>, vector<16xf32>,
      tpu.vector_store %arg7[%swap3A_1474, %swap3A_1475], %mul3A_1471 {strides = array<i32>} : memref<128x128xf32, #tpu.memory_space<vmem>>, vector<16xf32>,
      %mul3A_1477 = arith.mulf %get3A_1384, %broadcast_in_dim3A_1434 : vector<16xf32>
      %add3A_1478 = arith.constant 9 : i32
      %add3A_1479 = arith.addi %mul3A_76, %add3A_1478 : i32
      %swap3A_1480 = arith.index_cast %add3A_1479 : i32 to index
      %swap3A_1481 = arith.constant 112 : index
      %swap3A_1482 = tpu.vector_load %arg7[%swap3A_1480, %swap3A_1481] {strides = array<i32>} : memref<128x128xf32, #tpu.memory_space<vmem>>, vector<16xf32>,
      tpu.vector_store %arg7[%swap3A_1480, %swap3A_1481], %mul3A_1477 {strides = array<i32>} : memref<128x128xf32, #tpu.memory_space<vmem>>, vector<16xf32>,
      %add3A_1483 = arith.constant 10 : i32
      %add3A_1484 = arith.addi %mul3A_76, %add3A_1483 : i32
      %get3A_1485 = arith.index_cast %add3A_1484 : i32 to index
      %get3A_1486 = arith.constant 0 : index
      %get3A_1487 = tpu.vector_load %arg6[%get3A_1485, %get3A_1486] {strides = array<i32>} : memref<128x128xf32, #tpu.memory_space<vmem>>, vector<16xf32>,
      %add3A_1488 = arith.constant 10 : i32
      %add3A_1489 = arith.addi %mul3A_76, %add3A_1488 : i32
      %get3A_1490 = arith.index_cast %add3A_1489 : i32 to index
      %get3A_1491 = arith.constant 16 : index
      %get3A_1492 = tpu.vector_load %arg6[%get3A_1490, %get3A_1491] {strides = array<i32>} : memref<128x128xf32, #tpu.memory_space<vmem>>, vector<16xf32>,
      %add3A_1493 = arith.constant 10 : i32
      %add3A_1494 = arith.addi %mul3A_76, %add3A_1493 : i32
      %get3A_1495 = arith.index_cast %add3A_1494 : i32 to index
      %get3A_1496 = arith.constant 32 : index
      %get3A_1497 = tpu.vector_load %arg6[%get3A_1495, %get3A_1496] {strides = array<i32>} : memref<128x128xf32, #tpu.memory_space<vmem>>, vector<16xf32>,
      %add3A_1498 = arith.constant 10 : i32
      %add3A_1499 = arith.addi %mul3A_76, %add3A_1498 : i32
      %get3A_1500 = arith.index_cast %add3A_1499 : i32 to index
      %get3A_1501 = arith.constant 48 : index
      %get3A_1502 = tpu.vector_load %arg6[%get3A_1500, %get3A_1501] {strides = array<i32>} : memref<128x128xf32, #tpu.memory_space<vmem>>, vector<16xf32>,
      %add3A_1503 = arith.constant 10 : i32
      %add3A_1504 = arith.addi %mul3A_76, %add3A_1503 : i32
      %get3A_1505 = arith.index_cast %add3A_1504 : i32 to index
      %get3A_1506 = arith.constant 64 : index
      %get3A_1507 = tpu.vector_load %arg6[%get3A_1505, %get3A_1506] {strides = array<i32>} : memref<128x128xf32, #tpu.memory_space<vmem>>, vector<16xf32>,
      %add3A_1508 = arith.constant 10 : i32
      %add3A_1509 = arith.addi %mul3A_76, %add3A_1508 : i32
      %get3A_1510 = arith.index_cast %add3A_1509 : i32 to index
      %get3A_1511 = arith.constant 80 : index
      %get3A_1512 = tpu.vector_load %arg6[%get3A_1510, %get3A_1511] {strides = array<i32>} : memref<128x128xf32, #tpu.memory_space<vmem>>, vector<16xf32>,
      %add3A_1513 = arith.constant 10 : i32
      %add3A_1514 = arith.addi %mul3A_76, %add3A_1513 : i32
      %get3A_1515 = arith.index_cast %add3A_1514 : i32 to index
      %get3A_1516 = arith.constant 96 : index
      %get3A_1517 = tpu.vector_load %arg6[%get3A_1515, %get3A_1516] {strides = array<i32>} : memref<128x128xf32, #tpu.memory_space<vmem>>, vector<16xf32>,
      %add3A_1518 = arith.constant 10 : i32
      %add3A_1519 = arith.addi %mul3A_76, %add3A_1518 : i32
      %get3A_1520 = arith.index_cast %add3A_1519 : i32 to index
      %get3A_1521 = arith.constant 112 : index
      %get3A_1522 = tpu.vector_load %arg6[%get3A_1520, %get3A_1521] {strides = array<i32>} : memref<128x128xf32, #tpu.memory_space<vmem>>, vector<16xf32>,
      %mul3A_1523 = arith.mulf %get3A_1487, %get3A_1487 : vector<16xf32>
      %mul3A_1524 = arith.mulf %get3A_1492, %get3A_1492 : vector<16xf32>
      %mul3A_1525 = arith.mulf %get3A_1497, %get3A_1497 : vector<16xf32>
      %mul3A_1526 = arith.mulf %get3A_1502, %get3A_1502 : vector<16xf32>
      %mul3A_1527 = arith.mulf %get3A_1507, %get3A_1507 : vector<16xf32>
      %mul3A_1528 = arith.mulf %get3A_1512, %get3A_1512 : vector<16xf32>
      %mul3A_1529 = arith.mulf %get3A_1517, %get3A_1517 : vector<16xf32>
      %mul3A_1530 = arith.mulf %get3A_1522, %get3A_1522 : vector<16xf32>
      %add3A_1531 = arith.addf %mul3A_1523, %mul3A_1524 : vector<16xf32>
      %add3A_1532 = arith.addf %mul3A_1525, %mul3A_1526 : vector<16xf32>
      %add3A_1533 = arith.addf %mul3A_1527, %mul3A_1528 : vector<16xf32>
      %add3A_1534 = arith.addf %mul3A_1529, %mul3A_1530 : vector<16xf32>
      %add3A_1535 = arith.addf %add3A_1531, %add3A_1532 : vector<16xf32>
      %add3A_1536 = arith.addf %add3A_1533, %add3A_1534 : vector<16xf32>
      %add3A_1537 = arith.addf %add3A_1535, %add3A_1536 : vector<16xf32>
      %reduce_sum3A_1538 = arith.constant true
      %reduce_sum3A_1539 = vector.broadcast %reduce_sum3A_1538 : i1 to vector<16xi1>
      %reduce_sum3A_1540 = tpu.scan <sum>, %add3A_1537 masked %reduce_sum3A_1539 : vector<16xf32>, vector<16xi1> -> vector<16xf32>
      %reduce_sum3A_1541 = vector.extract %reduce_sum3A_1540[15] : f32 from vector<16xf32>
      %max3A_1542 = arith.constant 1.000000e-30 : f32
      %max3A_1543 = arith.maximumf %reduce_sum3A_1541, %max3A_1542 : f32
      %bitcast_convert_type3A_1544 = arith.bitcast %max3A_1543 : f32 to i32
      %shift_right_logical3A_1545 = arith.constant 1 : i32
      %shift_right_logical3A_1546 = arith.shrui %bitcast_convert_type3A_1544, %shift_right_logical3A_1545 : i32
      %sub3A_1547 = arith.constant 1597463007 : i32
      %sub3A_1548 = arith.subi %sub3A_1547, %shift_right_logical3A_1546 : i32
      %bitcast_convert_type3A_1549 = arith.bitcast %sub3A_1548 : i32 to f32
      %mul3A_1550 = arith.constant 5.000000e-01 : f32
      %mul3A_1551 = arith.mulf %mul3A_1550, %max3A_1543 : f32
      %mul3A_1552 = arith.mulf %mul3A_1551, %bitcast_convert_type3A_1549 : f32
      %mul3A_1553 = arith.mulf %mul3A_1552, %bitcast_convert_type3A_1549 : f32
      %sub3A_1554 = arith.constant 1.500000e+00 : f32
      %sub3A_1555 = arith.subf %sub3A_1554, %mul3A_1553 : f32
      %mul3A_1556 = arith.mulf %bitcast_convert_type3A_1549, %sub3A_1555 : f32
      %mul3A_1557 = arith.mulf %mul3A_1551, %mul3A_1556 : f32
      %mul3A_1558 = arith.mulf %mul3A_1557, %mul3A_1556 : f32
      %sub3A_1559 = arith.constant 1.500000e+00 : f32
      %sub3A_1560 = arith.subf %sub3A_1559, %mul3A_1558 : f32
      %mul3A_1561 = arith.mulf %mul3A_1556, %sub3A_1560 : f32
      %mul3A_1562 = arith.mulf %mul3A_1551, %mul3A_1561 : f32
      %mul3A_1563 = arith.mulf %mul3A_1562, %mul3A_1561 : f32
      %sub3A_1564 = arith.constant 1.500000e+00 : f32
      %sub3A_1565 = arith.subf %sub3A_1564, %mul3A_1563 : f32
      %mul3A_1566 = arith.mulf %mul3A_1561, %sub3A_1565 : f32
      %mul3A_1567 = arith.mulf %max3A_1543, %mul3A_1566 : f32
      %gt3A_1568 = arith.constant 1.000000e+00 : f32
      %gt3A_1569 = arith.cmpf ogt, %mul3A_1567, %gt3A_1568 : f32
      %jit3A_1570 = arith.constant 1.000000e+00 : f32
      %select_n3A_1571 = arith.select %gt3A_1569, %mul3A_1566, %jit3A_1570 : f32
      %broadcast_in_dim3A_1572 = vector.broadcast %select_n3A_1571 : f32 to vector<16xf32>
      %mul3A_1573 = arith.mulf %get3A_1487, %broadcast_in_dim3A_1572 : vector<16xf32>
      %add3A_1574 = arith.constant 10 : i32
      %add3A_1575 = arith.addi %mul3A_76, %add3A_1574 : i32
      %swap3A_1576 = arith.index_cast %add3A_1575 : i32 to index
      %swap3A_1577 = arith.constant 0 : index
      %swap3A_1578 = tpu.vector_load %arg7[%swap3A_1576, %swap3A_1577] {strides = array<i32>} : memref<128x128xf32, #tpu.memory_space<vmem>>, vector<16xf32>,
      tpu.vector_store %arg7[%swap3A_1576, %swap3A_1577], %mul3A_1573 {strides = array<i32>} : memref<128x128xf32, #tpu.memory_space<vmem>>, vector<16xf32>,
      %mul3A_1579 = arith.mulf %get3A_1492, %broadcast_in_dim3A_1572 : vector<16xf32>
      %add3A_1580 = arith.constant 10 : i32
      %add3A_1581 = arith.addi %mul3A_76, %add3A_1580 : i32
      %swap3A_1582 = arith.index_cast %add3A_1581 : i32 to index
      %swap3A_1583 = arith.constant 16 : index
      %swap3A_1584 = tpu.vector_load %arg7[%swap3A_1582, %swap3A_1583] {strides = array<i32>} : memref<128x128xf32, #tpu.memory_space<vmem>>, vector<16xf32>,
      tpu.vector_store %arg7[%swap3A_1582, %swap3A_1583], %mul3A_1579 {strides = array<i32>} : memref<128x128xf32, #tpu.memory_space<vmem>>, vector<16xf32>,
      %mul3A_1585 = arith.mulf %get3A_1497, %broadcast_in_dim3A_1572 : vector<16xf32>
      %add3A_1586 = arith.constant 10 : i32
      %add3A_1587 = arith.addi %mul3A_76, %add3A_1586 : i32
      %swap3A_1588 = arith.index_cast %add3A_1587 : i32 to index
      %swap3A_1589 = arith.constant 32 : index
      %swap3A_1590 = tpu.vector_load %arg7[%swap3A_1588, %swap3A_1589] {strides = array<i32>} : memref<128x128xf32, #tpu.memory_space<vmem>>, vector<16xf32>,
      tpu.vector_store %arg7[%swap3A_1588, %swap3A_1589], %mul3A_1585 {strides = array<i32>} : memref<128x128xf32, #tpu.memory_space<vmem>>, vector<16xf32>,
      %mul3A_1591 = arith.mulf %get3A_1502, %broadcast_in_dim3A_1572 : vector<16xf32>
      %add3A_1592 = arith.constant 10 : i32
      %add3A_1593 = arith.addi %mul3A_76, %add3A_1592 : i32
      %swap3A_1594 = arith.index_cast %add3A_1593 : i32 to index
      %swap3A_1595 = arith.constant 48 : index
      %swap3A_1596 = tpu.vector_load %arg7[%swap3A_1594, %swap3A_1595] {strides = array<i32>} : memref<128x128xf32, #tpu.memory_space<vmem>>, vector<16xf32>,
      tpu.vector_store %arg7[%swap3A_1594, %swap3A_1595], %mul3A_1591 {strides = array<i32>} : memref<128x128xf32, #tpu.memory_space<vmem>>, vector<16xf32>,
      %mul3A_1597 = arith.mulf %get3A_1507, %broadcast_in_dim3A_1572 : vector<16xf32>
      %add3A_1598 = arith.constant 10 : i32
      %add3A_1599 = arith.addi %mul3A_76, %add3A_1598 : i32
      %swap3A_1600 = arith.index_cast %add3A_1599 : i32 to index
      %swap3A_1601 = arith.constant 64 : index
      %swap3A_1602 = tpu.vector_load %arg7[%swap3A_1600, %swap3A_1601] {strides = array<i32>} : memref<128x128xf32, #tpu.memory_space<vmem>>, vector<16xf32>,
      tpu.vector_store %arg7[%swap3A_1600, %swap3A_1601], %mul3A_1597 {strides = array<i32>} : memref<128x128xf32, #tpu.memory_space<vmem>>, vector<16xf32>,
      %mul3A_1603 = arith.mulf %get3A_1512, %broadcast_in_dim3A_1572 : vector<16xf32>
      %add3A_1604 = arith.constant 10 : i32
      %add3A_1605 = arith.addi %mul3A_76, %add3A_1604 : i32
      %swap3A_1606 = arith.index_cast %add3A_1605 : i32 to index
      %swap3A_1607 = arith.constant 80 : index
      %swap3A_1608 = tpu.vector_load %arg7[%swap3A_1606, %swap3A_1607] {strides = array<i32>} : memref<128x128xf32, #tpu.memory_space<vmem>>, vector<16xf32>,
      tpu.vector_store %arg7[%swap3A_1606, %swap3A_1607], %mul3A_1603 {strides = array<i32>} : memref<128x128xf32, #tpu.memory_space<vmem>>, vector<16xf32>,
      %mul3A_1609 = arith.mulf %get3A_1517, %broadcast_in_dim3A_1572 : vector<16xf32>
      %add3A_1610 = arith.constant 10 : i32
      %add3A_1611 = arith.addi %mul3A_76, %add3A_1610 : i32
      %swap3A_1612 = arith.index_cast %add3A_1611 : i32 to index
      %swap3A_1613 = arith.constant 96 : index
      %swap3A_1614 = tpu.vector_load %arg7[%swap3A_1612, %swap3A_1613] {strides = array<i32>} : memref<128x128xf32, #tpu.memory_space<vmem>>, vector<16xf32>,
      tpu.vector_store %arg7[%swap3A_1612, %swap3A_1613], %mul3A_1609 {strides = array<i32>} : memref<128x128xf32, #tpu.memory_space<vmem>>, vector<16xf32>,
      %mul3A_1615 = arith.mulf %get3A_1522, %broadcast_in_dim3A_1572 : vector<16xf32>
      %add3A_1616 = arith.constant 10 : i32
      %add3A_1617 = arith.addi %mul3A_76, %add3A_1616 : i32
      %swap3A_1618 = arith.index_cast %add3A_1617 : i32 to index
      %swap3A_1619 = arith.constant 112 : index
      %swap3A_1620 = tpu.vector_load %arg7[%swap3A_1618, %swap3A_1619] {strides = array<i32>} : memref<128x128xf32, #tpu.memory_space<vmem>>, vector<16xf32>,
      tpu.vector_store %arg7[%swap3A_1618, %swap3A_1619], %mul3A_1615 {strides = array<i32>} : memref<128x128xf32, #tpu.memory_space<vmem>>, vector<16xf32>,
      %add3A_1621 = arith.constant 11 : i32
      %add3A_1622 = arith.addi %mul3A_76, %add3A_1621 : i32
      %get3A_1623 = arith.index_cast %add3A_1622 : i32 to index
      %get3A_1624 = arith.constant 0 : index
      %get3A_1625 = tpu.vector_load %arg6[%get3A_1623, %get3A_1624] {strides = array<i32>} : memref<128x128xf32, #tpu.memory_space<vmem>>, vector<16xf32>,
      %add3A_1626 = arith.constant 11 : i32
      %add3A_1627 = arith.addi %mul3A_76, %add3A_1626 : i32
      %get3A_1628 = arith.index_cast %add3A_1627 : i32 to index
      %get3A_1629 = arith.constant 16 : index
      %get3A_1630 = tpu.vector_load %arg6[%get3A_1628, %get3A_1629] {strides = array<i32>} : memref<128x128xf32, #tpu.memory_space<vmem>>, vector<16xf32>,
      %add3A_1631 = arith.constant 11 : i32
      %add3A_1632 = arith.addi %mul3A_76, %add3A_1631 : i32
      %get3A_1633 = arith.index_cast %add3A_1632 : i32 to index
      %get3A_1634 = arith.constant 32 : index
      %get3A_1635 = tpu.vector_load %arg6[%get3A_1633, %get3A_1634] {strides = array<i32>} : memref<128x128xf32, #tpu.memory_space<vmem>>, vector<16xf32>,
      %add3A_1636 = arith.constant 11 : i32
      %add3A_1637 = arith.addi %mul3A_76, %add3A_1636 : i32
      %get3A_1638 = arith.index_cast %add3A_1637 : i32 to index
      %get3A_1639 = arith.constant 48 : index
      %get3A_1640 = tpu.vector_load %arg6[%get3A_1638, %get3A_1639] {strides = array<i32>} : memref<128x128xf32, #tpu.memory_space<vmem>>, vector<16xf32>,
      %add3A_1641 = arith.constant 11 : i32
      %add3A_1642 = arith.addi %mul3A_76, %add3A_1641 : i32
      %get3A_1643 = arith.index_cast %add3A_1642 : i32 to index
      %get3A_1644 = arith.constant 64 : index
      %get3A_1645 = tpu.vector_load %arg6[%get3A_1643, %get3A_1644] {strides = array<i32>} : memref<128x128xf32, #tpu.memory_space<vmem>>, vector<16xf32>,
      %add3A_1646 = arith.constant 11 : i32
      %add3A_1647 = arith.addi %mul3A_76, %add3A_1646 : i32
      %get3A_1648 = arith.index_cast %add3A_1647 : i32 to index
      %get3A_1649 = arith.constant 80 : index
      %get3A_1650 = tpu.vector_load %arg6[%get3A_1648, %get3A_1649] {strides = array<i32>} : memref<128x128xf32, #tpu.memory_space<vmem>>, vector<16xf32>,
      %add3A_1651 = arith.constant 11 : i32
      %add3A_1652 = arith.addi %mul3A_76, %add3A_1651 : i32
      %get3A_1653 = arith.index_cast %add3A_1652 : i32 to index
      %get3A_1654 = arith.constant 96 : index
      %get3A_1655 = tpu.vector_load %arg6[%get3A_1653, %get3A_1654] {strides = array<i32>} : memref<128x128xf32, #tpu.memory_space<vmem>>, vector<16xf32>,
      %add3A_1656 = arith.constant 11 : i32
      %add3A_1657 = arith.addi %mul3A_76, %add3A_1656 : i32
      %get3A_1658 = arith.index_cast %add3A_1657 : i32 to index
      %get3A_1659 = arith.constant 112 : index
      %get3A_1660 = tpu.vector_load %arg6[%get3A_1658, %get3A_1659] {strides = array<i32>} : memref<128x128xf32, #tpu.memory_space<vmem>>, vector<16xf32>,
      %mul3A_1661 = arith.mulf %get3A_1625, %get3A_1625 : vector<16xf32>
      %mul3A_1662 = arith.mulf %get3A_1630, %get3A_1630 : vector<16xf32>
      %mul3A_1663 = arith.mulf %get3A_1635, %get3A_1635 : vector<16xf32>
      %mul3A_1664 = arith.mulf %get3A_1640, %get3A_1640 : vector<16xf32>
      %mul3A_1665 = arith.mulf %get3A_1645, %get3A_1645 : vector<16xf32>
      %mul3A_1666 = arith.mulf %get3A_1650, %get3A_1650 : vector<16xf32>
      %mul3A_1667 = arith.mulf %get3A_1655, %get3A_1655 : vector<16xf32>
      %mul3A_1668 = arith.mulf %get3A_1660, %get3A_1660 : vector<16xf32>
      %add3A_1669 = arith.addf %mul3A_1661, %mul3A_1662 : vector<16xf32>
      %add3A_1670 = arith.addf %mul3A_1663, %mul3A_1664 : vector<16xf32>
      %add3A_1671 = arith.addf %mul3A_1665, %mul3A_1666 : vector<16xf32>
      %add3A_1672 = arith.addf %mul3A_1667, %mul3A_1668 : vector<16xf32>
      %add3A_1673 = arith.addf %add3A_1669, %add3A_1670 : vector<16xf32>
      %add3A_1674 = arith.addf %add3A_1671, %add3A_1672 : vector<16xf32>
      %add3A_1675 = arith.addf %add3A_1673, %add3A_1674 : vector<16xf32>
      %reduce_sum3A_1676 = arith.constant true
      %reduce_sum3A_1677 = vector.broadcast %reduce_sum3A_1676 : i1 to vector<16xi1>
      %reduce_sum3A_1678 = tpu.scan <sum>, %add3A_1675 masked %reduce_sum3A_1677 : vector<16xf32>, vector<16xi1> -> vector<16xf32>
      %reduce_sum3A_1679 = vector.extract %reduce_sum3A_1678[15] : f32 from vector<16xf32>
      %max3A_1680 = arith.constant 1.000000e-30 : f32
      %max3A_1681 = arith.maximumf %reduce_sum3A_1679, %max3A_1680 : f32
      %bitcast_convert_type3A_1682 = arith.bitcast %max3A_1681 : f32 to i32
      %shift_right_logical3A_1683 = arith.constant 1 : i32
      %shift_right_logical3A_1684 = arith.shrui %bitcast_convert_type3A_1682, %shift_right_logical3A_1683 : i32
      %sub3A_1685 = arith.constant 1597463007 : i32
      %sub3A_1686 = arith.subi %sub3A_1685, %shift_right_logical3A_1684 : i32
      %bitcast_convert_type3A_1687 = arith.bitcast %sub3A_1686 : i32 to f32
      %mul3A_1688 = arith.constant 5.000000e-01 : f32
      %mul3A_1689 = arith.mulf %mul3A_1688, %max3A_1681 : f32
      %mul3A_1690 = arith.mulf %mul3A_1689, %bitcast_convert_type3A_1687 : f32
      %mul3A_1691 = arith.mulf %mul3A_1690, %bitcast_convert_type3A_1687 : f32
      %sub3A_1692 = arith.constant 1.500000e+00 : f32
      %sub3A_1693 = arith.subf %sub3A_1692, %mul3A_1691 : f32
      %mul3A_1694 = arith.mulf %bitcast_convert_type3A_1687, %sub3A_1693 : f32
      %mul3A_1695 = arith.mulf %mul3A_1689, %mul3A_1694 : f32
      %mul3A_1696 = arith.mulf %mul3A_1695, %mul3A_1694 : f32
      %sub3A_1697 = arith.constant 1.500000e+00 : f32
      %sub3A_1698 = arith.subf %sub3A_1697, %mul3A_1696 : f32
      %mul3A_1699 = arith.mulf %mul3A_1694, %sub3A_1698 : f32
      %mul3A_1700 = arith.mulf %mul3A_1689, %mul3A_1699 : f32
      %mul3A_1701 = arith.mulf %mul3A_1700, %mul3A_1699 : f32
      %sub3A_1702 = arith.constant 1.500000e+00 : f32
      %sub3A_1703 = arith.subf %sub3A_1702, %mul3A_1701 : f32
      %mul3A_1704 = arith.mulf %mul3A_1699, %sub3A_1703 : f32
      %mul3A_1705 = arith.mulf %max3A_1681, %mul3A_1704 : f32
      %gt3A_1706 = arith.constant 1.000000e+00 : f32
      %gt3A_1707 = arith.cmpf ogt, %mul3A_1705, %gt3A_1706 : f32
      %jit3A_1708 = arith.constant 1.000000e+00 : f32
      %select_n3A_1709 = arith.select %gt3A_1707, %mul3A_1704, %jit3A_1708 : f32
      %broadcast_in_dim3A_1710 = vector.broadcast %select_n3A_1709 : f32 to vector<16xf32>
      %mul3A_1711 = arith.mulf %get3A_1625, %broadcast_in_dim3A_1710 : vector<16xf32>
      %add3A_1712 = arith.constant 11 : i32
      %add3A_1713 = arith.addi %mul3A_76, %add3A_1712 : i32
      %swap3A_1714 = arith.index_cast %add3A_1713 : i32 to index
      %swap3A_1715 = arith.constant 0 : index
      %swap3A_1716 = tpu.vector_load %arg7[%swap3A_1714, %swap3A_1715] {strides = array<i32>} : memref<128x128xf32, #tpu.memory_space<vmem>>, vector<16xf32>,
      tpu.vector_store %arg7[%swap3A_1714, %swap3A_1715], %mul3A_1711 {strides = array<i32>} : memref<128x128xf32, #tpu.memory_space<vmem>>, vector<16xf32>,
      %mul3A_1717 = arith.mulf %get3A_1630, %broadcast_in_dim3A_1710 : vector<16xf32>
      %add3A_1718 = arith.constant 11 : i32
      %add3A_1719 = arith.addi %mul3A_76, %add3A_1718 : i32
      %swap3A_1720 = arith.index_cast %add3A_1719 : i32 to index
      %swap3A_1721 = arith.constant 16 : index
      %swap3A_1722 = tpu.vector_load %arg7[%swap3A_1720, %swap3A_1721] {strides = array<i32>} : memref<128x128xf32, #tpu.memory_space<vmem>>, vector<16xf32>,
      tpu.vector_store %arg7[%swap3A_1720, %swap3A_1721], %mul3A_1717 {strides = array<i32>} : memref<128x128xf32, #tpu.memory_space<vmem>>, vector<16xf32>,
      %mul3A_1723 = arith.mulf %get3A_1635, %broadcast_in_dim3A_1710 : vector<16xf32>
      %add3A_1724 = arith.constant 11 : i32
      %add3A_1725 = arith.addi %mul3A_76, %add3A_1724 : i32
      %swap3A_1726 = arith.index_cast %add3A_1725 : i32 to index
      %swap3A_1727 = arith.constant 32 : index
      %swap3A_1728 = tpu.vector_load %arg7[%swap3A_1726, %swap3A_1727] {strides = array<i32>} : memref<128x128xf32, #tpu.memory_space<vmem>>, vector<16xf32>,
      tpu.vector_store %arg7[%swap3A_1726, %swap3A_1727], %mul3A_1723 {strides = array<i32>} : memref<128x128xf32, #tpu.memory_space<vmem>>, vector<16xf32>,
      %mul3A_1729 = arith.mulf %get3A_1640, %broadcast_in_dim3A_1710 : vector<16xf32>
      %add3A_1730 = arith.constant 11 : i32
      %add3A_1731 = arith.addi %mul3A_76, %add3A_1730 : i32
      %swap3A_1732 = arith.index_cast %add3A_1731 : i32 to index
      %swap3A_1733 = arith.constant 48 : index
      %swap3A_1734 = tpu.vector_load %arg7[%swap3A_1732, %swap3A_1733] {strides = array<i32>} : memref<128x128xf32, #tpu.memory_space<vmem>>, vector<16xf32>,
      tpu.vector_store %arg7[%swap3A_1732, %swap3A_1733], %mul3A_1729 {strides = array<i32>} : memref<128x128xf32, #tpu.memory_space<vmem>>, vector<16xf32>,
      %mul3A_1735 = arith.mulf %get3A_1645, %broadcast_in_dim3A_1710 : vector<16xf32>
      %add3A_1736 = arith.constant 11 : i32
      %add3A_1737 = arith.addi %mul3A_76, %add3A_1736 : i32
      %swap3A_1738 = arith.index_cast %add3A_1737 : i32 to index
      %swap3A_1739 = arith.constant 64 : index
      %swap3A_1740 = tpu.vector_load %arg7[%swap3A_1738, %swap3A_1739] {strides = array<i32>} : memref<128x128xf32, #tpu.memory_space<vmem>>, vector<16xf32>,
      tpu.vector_store %arg7[%swap3A_1738, %swap3A_1739], %mul3A_1735 {strides = array<i32>} : memref<128x128xf32, #tpu.memory_space<vmem>>, vector<16xf32>,
      %mul3A_1741 = arith.mulf %get3A_1650, %broadcast_in_dim3A_1710 : vector<16xf32>
      %add3A_1742 = arith.constant 11 : i32
      %add3A_1743 = arith.addi %mul3A_76, %add3A_1742 : i32
      %swap3A_1744 = arith.index_cast %add3A_1743 : i32 to index
      %swap3A_1745 = arith.constant 80 : index
      %swap3A_1746 = tpu.vector_load %arg7[%swap3A_1744, %swap3A_1745] {strides = array<i32>} : memref<128x128xf32, #tpu.memory_space<vmem>>, vector<16xf32>,
      tpu.vector_store %arg7[%swap3A_1744, %swap3A_1745], %mul3A_1741 {strides = array<i32>} : memref<128x128xf32, #tpu.memory_space<vmem>>, vector<16xf32>,
      %mul3A_1747 = arith.mulf %get3A_1655, %broadcast_in_dim3A_1710 : vector<16xf32>
      %add3A_1748 = arith.constant 11 : i32
      %add3A_1749 = arith.addi %mul3A_76, %add3A_1748 : i32
      %swap3A_1750 = arith.index_cast %add3A_1749 : i32 to index
      %swap3A_1751 = arith.constant 96 : index
      %swap3A_1752 = tpu.vector_load %arg7[%swap3A_1750, %swap3A_1751] {strides = array<i32>} : memref<128x128xf32, #tpu.memory_space<vmem>>, vector<16xf32>,
      tpu.vector_store %arg7[%swap3A_1750, %swap3A_1751], %mul3A_1747 {strides = array<i32>} : memref<128x128xf32, #tpu.memory_space<vmem>>, vector<16xf32>,
      %mul3A_1753 = arith.mulf %get3A_1660, %broadcast_in_dim3A_1710 : vector<16xf32>
      %add3A_1754 = arith.constant 11 : i32
      %add3A_1755 = arith.addi %mul3A_76, %add3A_1754 : i32
      %swap3A_1756 = arith.index_cast %add3A_1755 : i32 to index
      %swap3A_1757 = arith.constant 112 : index
      %swap3A_1758 = tpu.vector_load %arg7[%swap3A_1756, %swap3A_1757] {strides = array<i32>} : memref<128x128xf32, #tpu.memory_space<vmem>>, vector<16xf32>,
      tpu.vector_store %arg7[%swap3A_1756, %swap3A_1757], %mul3A_1753 {strides = array<i32>} : memref<128x128xf32, #tpu.memory_space<vmem>>, vector<16xf32>,
      %add3A_1759 = arith.constant 12 : i32
      %add3A_1760 = arith.addi %mul3A_76, %add3A_1759 : i32
      %get3A_1761 = arith.index_cast %add3A_1760 : i32 to index
      %get3A_1762 = arith.constant 0 : index
      %get3A_1763 = tpu.vector_load %arg6[%get3A_1761, %get3A_1762] {strides = array<i32>} : memref<128x128xf32, #tpu.memory_space<vmem>>, vector<16xf32>,
      %add3A_1764 = arith.constant 12 : i32
      %add3A_1765 = arith.addi %mul3A_76, %add3A_1764 : i32
      %get3A_1766 = arith.index_cast %add3A_1765 : i32 to index
      %get3A_1767 = arith.constant 16 : index
      %get3A_1768 = tpu.vector_load %arg6[%get3A_1766, %get3A_1767] {strides = array<i32>} : memref<128x128xf32, #tpu.memory_space<vmem>>, vector<16xf32>,
      %add3A_1769 = arith.constant 12 : i32
      %add3A_1770 = arith.addi %mul3A_76, %add3A_1769 : i32
      %get3A_1771 = arith.index_cast %add3A_1770 : i32 to index
      %get3A_1772 = arith.constant 32 : index
      %get3A_1773 = tpu.vector_load %arg6[%get3A_1771, %get3A_1772] {strides = array<i32>} : memref<128x128xf32, #tpu.memory_space<vmem>>, vector<16xf32>,
      %add3A_1774 = arith.constant 12 : i32
      %add3A_1775 = arith.addi %mul3A_76, %add3A_1774 : i32
      %get3A_1776 = arith.index_cast %add3A_1775 : i32 to index
      %get3A_1777 = arith.constant 48 : index
      %get3A_1778 = tpu.vector_load %arg6[%get3A_1776, %get3A_1777] {strides = array<i32>} : memref<128x128xf32, #tpu.memory_space<vmem>>, vector<16xf32>,
      %add3A_1779 = arith.constant 12 : i32
      %add3A_1780 = arith.addi %mul3A_76, %add3A_1779 : i32
      %get3A_1781 = arith.index_cast %add3A_1780 : i32 to index
      %get3A_1782 = arith.constant 64 : index
      %get3A_1783 = tpu.vector_load %arg6[%get3A_1781, %get3A_1782] {strides = array<i32>} : memref<128x128xf32, #tpu.memory_space<vmem>>, vector<16xf32>,
      %add3A_1784 = arith.constant 12 : i32
      %add3A_1785 = arith.addi %mul3A_76, %add3A_1784 : i32
      %get3A_1786 = arith.index_cast %add3A_1785 : i32 to index
      %get3A_1787 = arith.constant 80 : index
      %get3A_1788 = tpu.vector_load %arg6[%get3A_1786, %get3A_1787] {strides = array<i32>} : memref<128x128xf32, #tpu.memory_space<vmem>>, vector<16xf32>,
      %add3A_1789 = arith.constant 12 : i32
      %add3A_1790 = arith.addi %mul3A_76, %add3A_1789 : i32
      %get3A_1791 = arith.index_cast %add3A_1790 : i32 to index
      %get3A_1792 = arith.constant 96 : index
      %get3A_1793 = tpu.vector_load %arg6[%get3A_1791, %get3A_1792] {strides = array<i32>} : memref<128x128xf32, #tpu.memory_space<vmem>>, vector<16xf32>,
      %add3A_1794 = arith.constant 12 : i32
      %add3A_1795 = arith.addi %mul3A_76, %add3A_1794 : i32
      %get3A_1796 = arith.index_cast %add3A_1795 : i32 to index
      %get3A_1797 = arith.constant 112 : index
      %get3A_1798 = tpu.vector_load %arg6[%get3A_1796, %get3A_1797] {strides = array<i32>} : memref<128x128xf32, #tpu.memory_space<vmem>>, vector<16xf32>,
      %mul3A_1799 = arith.mulf %get3A_1763, %get3A_1763 : vector<16xf32>
      %mul3A_1800 = arith.mulf %get3A_1768, %get3A_1768 : vector<16xf32>
      %mul3A_1801 = arith.mulf %get3A_1773, %get3A_1773 : vector<16xf32>
      %mul3A_1802 = arith.mulf %get3A_1778, %get3A_1778 : vector<16xf32>
      %mul3A_1803 = arith.mulf %get3A_1783, %get3A_1783 : vector<16xf32>
      %mul3A_1804 = arith.mulf %get3A_1788, %get3A_1788 : vector<16xf32>
      %mul3A_1805 = arith.mulf %get3A_1793, %get3A_1793 : vector<16xf32>
      %mul3A_1806 = arith.mulf %get3A_1798, %get3A_1798 : vector<16xf32>
      %add3A_1807 = arith.addf %mul3A_1799, %mul3A_1800 : vector<16xf32>
      %add3A_1808 = arith.addf %mul3A_1801, %mul3A_1802 : vector<16xf32>
      %add3A_1809 = arith.addf %mul3A_1803, %mul3A_1804 : vector<16xf32>
      %add3A_1810 = arith.addf %mul3A_1805, %mul3A_1806 : vector<16xf32>
      %add3A_1811 = arith.addf %add3A_1807, %add3A_1808 : vector<16xf32>
      %add3A_1812 = arith.addf %add3A_1809, %add3A_1810 : vector<16xf32>
      %add3A_1813 = arith.addf %add3A_1811, %add3A_1812 : vector<16xf32>
      %reduce_sum3A_1814 = arith.constant true
      %reduce_sum3A_1815 = vector.broadcast %reduce_sum3A_1814 : i1 to vector<16xi1>
      %reduce_sum3A_1816 = tpu.scan <sum>, %add3A_1813 masked %reduce_sum3A_1815 : vector<16xf32>, vector<16xi1> -> vector<16xf32>
      %reduce_sum3A_1817 = vector.extract %reduce_sum3A_1816[15] : f32 from vector<16xf32>
      %max3A_1818 = arith.constant 1.000000e-30 : f32
      %max3A_1819 = arith.maximumf %reduce_sum3A_1817, %max3A_1818 : f32
      %bitcast_convert_type3A_1820 = arith.bitcast %max3A_1819 : f32 to i32
      %shift_right_logical3A_1821 = arith.constant 1 : i32
      %shift_right_logical3A_1822 = arith.shrui %bitcast_convert_type3A_1820, %shift_right_logical3A_1821 : i32
      %sub3A_1823 = arith.constant 1597463007 : i32
      %sub3A_1824 = arith.subi %sub3A_1823, %shift_right_logical3A_1822 : i32
      %bitcast_convert_type3A_1825 = arith.bitcast %sub3A_1824 : i32 to f32
      %mul3A_1826 = arith.constant 5.000000e-01 : f32
      %mul3A_1827 = arith.mulf %mul3A_1826, %max3A_1819 : f32
      %mul3A_1828 = arith.mulf %mul3A_1827, %bitcast_convert_type3A_1825 : f32
      %mul3A_1829 = arith.mulf %mul3A_1828, %bitcast_convert_type3A_1825 : f32
      %sub3A_1830 = arith.constant 1.500000e+00 : f32
      %sub3A_1831 = arith.subf %sub3A_1830, %mul3A_1829 : f32
      %mul3A_1832 = arith.mulf %bitcast_convert_type3A_1825, %sub3A_1831 : f32
      %mul3A_1833 = arith.mulf %mul3A_1827, %mul3A_1832 : f32
      %mul3A_1834 = arith.mulf %mul3A_1833, %mul3A_1832 : f32
      %sub3A_1835 = arith.constant 1.500000e+00 : f32
      %sub3A_1836 = arith.subf %sub3A_1835, %mul3A_1834 : f32
      %mul3A_1837 = arith.mulf %mul3A_1832, %sub3A_1836 : f32
      %mul3A_1838 = arith.mulf %mul3A_1827, %mul3A_1837 : f32
      %mul3A_1839 = arith.mulf %mul3A_1838, %mul3A_1837 : f32
      %sub3A_1840 = arith.constant 1.500000e+00 : f32
      %sub3A_1841 = arith.subf %sub3A_1840, %mul3A_1839 : f32
      %mul3A_1842 = arith.mulf %mul3A_1837, %sub3A_1841 : f32
      %mul3A_1843 = arith.mulf %max3A_1819, %mul3A_1842 : f32
      %gt3A_1844 = arith.constant 1.000000e+00 : f32
      %gt3A_1845 = arith.cmpf ogt, %mul3A_1843, %gt3A_1844 : f32
      %jit3A_1846 = arith.constant 1.000000e+00 : f32
      %select_n3A_1847 = arith.select %gt3A_1845, %mul3A_1842, %jit3A_1846 : f32
      %broadcast_in_dim3A_1848 = vector.broadcast %select_n3A_1847 : f32 to vector<16xf32>
      %mul3A_1849 = arith.mulf %get3A_1763, %broadcast_in_dim3A_1848 : vector<16xf32>
      %add3A_1850 = arith.constant 12 : i32
      %add3A_1851 = arith.addi %mul3A_76, %add3A_1850 : i32
      %swap3A_1852 = arith.index_cast %add3A_1851 : i32 to index
      %swap3A_1853 = arith.constant 0 : index
      %swap3A_1854 = tpu.vector_load %arg7[%swap3A_1852, %swap3A_1853] {strides = array<i32>} : memref<128x128xf32, #tpu.memory_space<vmem>>, vector<16xf32>,
      tpu.vector_store %arg7[%swap3A_1852, %swap3A_1853], %mul3A_1849 {strides = array<i32>} : memref<128x128xf32, #tpu.memory_space<vmem>>, vector<16xf32>,
      %mul3A_1855 = arith.mulf %get3A_1768, %broadcast_in_dim3A_1848 : vector<16xf32>
      %add3A_1856 = arith.constant 12 : i32
      %add3A_1857 = arith.addi %mul3A_76, %add3A_1856 : i32
      %swap3A_1858 = arith.index_cast %add3A_1857 : i32 to index
      %swap3A_1859 = arith.constant 16 : index
      %swap3A_1860 = tpu.vector_load %arg7[%swap3A_1858, %swap3A_1859] {strides = array<i32>} : memref<128x128xf32, #tpu.memory_space<vmem>>, vector<16xf32>,
      tpu.vector_store %arg7[%swap3A_1858, %swap3A_1859], %mul3A_1855 {strides = array<i32>} : memref<128x128xf32, #tpu.memory_space<vmem>>, vector<16xf32>,
      %mul3A_1861 = arith.mulf %get3A_1773, %broadcast_in_dim3A_1848 : vector<16xf32>
      %add3A_1862 = arith.constant 12 : i32
      %add3A_1863 = arith.addi %mul3A_76, %add3A_1862 : i32
      %swap3A_1864 = arith.index_cast %add3A_1863 : i32 to index
      %swap3A_1865 = arith.constant 32 : index
      %swap3A_1866 = tpu.vector_load %arg7[%swap3A_1864, %swap3A_1865] {strides = array<i32>} : memref<128x128xf32, #tpu.memory_space<vmem>>, vector<16xf32>,
      tpu.vector_store %arg7[%swap3A_1864, %swap3A_1865], %mul3A_1861 {strides = array<i32>} : memref<128x128xf32, #tpu.memory_space<vmem>>, vector<16xf32>,
      %mul3A_1867 = arith.mulf %get3A_1778, %broadcast_in_dim3A_1848 : vector<16xf32>
      %add3A_1868 = arith.constant 12 : i32
      %add3A_1869 = arith.addi %mul3A_76, %add3A_1868 : i32
      %swap3A_1870 = arith.index_cast %add3A_1869 : i32 to index
      %swap3A_1871 = arith.constant 48 : index
      %swap3A_1872 = tpu.vector_load %arg7[%swap3A_1870, %swap3A_1871] {strides = array<i32>} : memref<128x128xf32, #tpu.memory_space<vmem>>, vector<16xf32>,
      tpu.vector_store %arg7[%swap3A_1870, %swap3A_1871], %mul3A_1867 {strides = array<i32>} : memref<128x128xf32, #tpu.memory_space<vmem>>, vector<16xf32>,
      %mul3A_1873 = arith.mulf %get3A_1783, %broadcast_in_dim3A_1848 : vector<16xf32>
      %add3A_1874 = arith.constant 12 : i32
      %add3A_1875 = arith.addi %mul3A_76, %add3A_1874 : i32
      %swap3A_1876 = arith.index_cast %add3A_1875 : i32 to index
      %swap3A_1877 = arith.constant 64 : index
      %swap3A_1878 = tpu.vector_load %arg7[%swap3A_1876, %swap3A_1877] {strides = array<i32>} : memref<128x128xf32, #tpu.memory_space<vmem>>, vector<16xf32>,
      tpu.vector_store %arg7[%swap3A_1876, %swap3A_1877], %mul3A_1873 {strides = array<i32>} : memref<128x128xf32, #tpu.memory_space<vmem>>, vector<16xf32>,
      %mul3A_1879 = arith.mulf %get3A_1788, %broadcast_in_dim3A_1848 : vector<16xf32>
      %add3A_1880 = arith.constant 12 : i32
      %add3A_1881 = arith.addi %mul3A_76, %add3A_1880 : i32
      %swap3A_1882 = arith.index_cast %add3A_1881 : i32 to index
      %swap3A_1883 = arith.constant 80 : index
      %swap3A_1884 = tpu.vector_load %arg7[%swap3A_1882, %swap3A_1883] {strides = array<i32>} : memref<128x128xf32, #tpu.memory_space<vmem>>, vector<16xf32>,
      tpu.vector_store %arg7[%swap3A_1882, %swap3A_1883], %mul3A_1879 {strides = array<i32>} : memref<128x128xf32, #tpu.memory_space<vmem>>, vector<16xf32>,
      %mul3A_1885 = arith.mulf %get3A_1793, %broadcast_in_dim3A_1848 : vector<16xf32>
      %add3A_1886 = arith.constant 12 : i32
      %add3A_1887 = arith.addi %mul3A_76, %add3A_1886 : i32
      %swap3A_1888 = arith.index_cast %add3A_1887 : i32 to index
      %swap3A_1889 = arith.constant 96 : index
      %swap3A_1890 = tpu.vector_load %arg7[%swap3A_1888, %swap3A_1889] {strides = array<i32>} : memref<128x128xf32, #tpu.memory_space<vmem>>, vector<16xf32>,
      tpu.vector_store %arg7[%swap3A_1888, %swap3A_1889], %mul3A_1885 {strides = array<i32>} : memref<128x128xf32, #tpu.memory_space<vmem>>, vector<16xf32>,
      %mul3A_1891 = arith.mulf %get3A_1798, %broadcast_in_dim3A_1848 : vector<16xf32>
      %add3A_1892 = arith.constant 12 : i32
      %add3A_1893 = arith.addi %mul3A_76, %add3A_1892 : i32
      %swap3A_1894 = arith.index_cast %add3A_1893 : i32 to index
      %swap3A_1895 = arith.constant 112 : index
      %swap3A_1896 = tpu.vector_load %arg7[%swap3A_1894, %swap3A_1895] {strides = array<i32>} : memref<128x128xf32, #tpu.memory_space<vmem>>, vector<16xf32>,
      tpu.vector_store %arg7[%swap3A_1894, %swap3A_1895], %mul3A_1891 {strides = array<i32>} : memref<128x128xf32, #tpu.memory_space<vmem>>, vector<16xf32>,
      %add3A_1897 = arith.constant 13 : i32
      %add3A_1898 = arith.addi %mul3A_76, %add3A_1897 : i32
      %get3A_1899 = arith.index_cast %add3A_1898 : i32 to index
      %get3A_1900 = arith.constant 0 : index
      %get3A_1901 = tpu.vector_load %arg6[%get3A_1899, %get3A_1900] {strides = array<i32>} : memref<128x128xf32, #tpu.memory_space<vmem>>, vector<16xf32>,
      %add3A_1902 = arith.constant 13 : i32
      %add3A_1903 = arith.addi %mul3A_76, %add3A_1902 : i32
      %get3A_1904 = arith.index_cast %add3A_1903 : i32 to index
      %get3A_1905 = arith.constant 16 : index
      %get3A_1906 = tpu.vector_load %arg6[%get3A_1904, %get3A_1905] {strides = array<i32>} : memref<128x128xf32, #tpu.memory_space<vmem>>, vector<16xf32>,
      %add3A_1907 = arith.constant 13 : i32
      %add3A_1908 = arith.addi %mul3A_76, %add3A_1907 : i32
      %get3A_1909 = arith.index_cast %add3A_1908 : i32 to index
      %get3A_1910 = arith.constant 32 : index
      %get3A_1911 = tpu.vector_load %arg6[%get3A_1909, %get3A_1910] {strides = array<i32>} : memref<128x128xf32, #tpu.memory_space<vmem>>, vector<16xf32>,
      %add3A_1912 = arith.constant 13 : i32
      %add3A_1913 = arith.addi %mul3A_76, %add3A_1912 : i32
      %get3A_1914 = arith.index_cast %add3A_1913 : i32 to index
      %get3A_1915 = arith.constant 48 : index
      %get3A_1916 = tpu.vector_load %arg6[%get3A_1914, %get3A_1915] {strides = array<i32>} : memref<128x128xf32, #tpu.memory_space<vmem>>, vector<16xf32>,
      %add3A_1917 = arith.constant 13 : i32
      %add3A_1918 = arith.addi %mul3A_76, %add3A_1917 : i32
      %get3A_1919 = arith.index_cast %add3A_1918 : i32 to index
      %get3A_1920 = arith.constant 64 : index
      %get3A_1921 = tpu.vector_load %arg6[%get3A_1919, %get3A_1920] {strides = array<i32>} : memref<128x128xf32, #tpu.memory_space<vmem>>, vector<16xf32>,
      %add3A_1922 = arith.constant 13 : i32
      %add3A_1923 = arith.addi %mul3A_76, %add3A_1922 : i32
      %get3A_1924 = arith.index_cast %add3A_1923 : i32 to index
      %get3A_1925 = arith.constant 80 : index
      %get3A_1926 = tpu.vector_load %arg6[%get3A_1924, %get3A_1925] {strides = array<i32>} : memref<128x128xf32, #tpu.memory_space<vmem>>, vector<16xf32>,
      %add3A_1927 = arith.constant 13 : i32
      %add3A_1928 = arith.addi %mul3A_76, %add3A_1927 : i32
      %get3A_1929 = arith.index_cast %add3A_1928 : i32 to index
      %get3A_1930 = arith.constant 96 : index
      %get3A_1931 = tpu.vector_load %arg6[%get3A_1929, %get3A_1930] {strides = array<i32>} : memref<128x128xf32, #tpu.memory_space<vmem>>, vector<16xf32>,
      %add3A_1932 = arith.constant 13 : i32
      %add3A_1933 = arith.addi %mul3A_76, %add3A_1932 : i32
      %get3A_1934 = arith.index_cast %add3A_1933 : i32 to index
      %get3A_1935 = arith.constant 112 : index
      %get3A_1936 = tpu.vector_load %arg6[%get3A_1934, %get3A_1935] {strides = array<i32>} : memref<128x128xf32, #tpu.memory_space<vmem>>, vector<16xf32>,
      %mul3A_1937 = arith.mulf %get3A_1901, %get3A_1901 : vector<16xf32>
      %mul3A_1938 = arith.mulf %get3A_1906, %get3A_1906 : vector<16xf32>
      %mul3A_1939 = arith.mulf %get3A_1911, %get3A_1911 : vector<16xf32>
      %mul3A_1940 = arith.mulf %get3A_1916, %get3A_1916 : vector<16xf32>
      %mul3A_1941 = arith.mulf %get3A_1921, %get3A_1921 : vector<16xf32>
      %mul3A_1942 = arith.mulf %get3A_1926, %get3A_1926 : vector<16xf32>
      %mul3A_1943 = arith.mulf %get3A_1931, %get3A_1931 : vector<16xf32>
      %mul3A_1944 = arith.mulf %get3A_1936, %get3A_1936 : vector<16xf32>
      %add3A_1945 = arith.addf %mul3A_1937, %mul3A_1938 : vector<16xf32>
      %add3A_1946 = arith.addf %mul3A_1939, %mul3A_1940 : vector<16xf32>
      %add3A_1947 = arith.addf %mul3A_1941, %mul3A_1942 : vector<16xf32>
      %add3A_1948 = arith.addf %mul3A_1943, %mul3A_1944 : vector<16xf32>
      %add3A_1949 = arith.addf %add3A_1945, %add3A_1946 : vector<16xf32>
      %add3A_1950 = arith.addf %add3A_1947, %add3A_1948 : vector<16xf32>
      %add3A_1951 = arith.addf %add3A_1949, %add3A_1950 : vector<16xf32>
      %reduce_sum3A_1952 = arith.constant true
      %reduce_sum3A_1953 = vector.broadcast %reduce_sum3A_1952 : i1 to vector<16xi1>
      %reduce_sum3A_1954 = tpu.scan <sum>, %add3A_1951 masked %reduce_sum3A_1953 : vector<16xf32>, vector<16xi1> -> vector<16xf32>
      %reduce_sum3A_1955 = vector.extract %reduce_sum3A_1954[15] : f32 from vector<16xf32>
      %max3A_1956 = arith.constant 1.000000e-30 : f32
      %max3A_1957 = arith.maximumf %reduce_sum3A_1955, %max3A_1956 : f32
      %bitcast_convert_type3A_1958 = arith.bitcast %max3A_1957 : f32 to i32
      %shift_right_logical3A_1959 = arith.constant 1 : i32
      %shift_right_logical3A_1960 = arith.shrui %bitcast_convert_type3A_1958, %shift_right_logical3A_1959 : i32
      %sub3A_1961 = arith.constant 1597463007 : i32
      %sub3A_1962 = arith.subi %sub3A_1961, %shift_right_logical3A_1960 : i32
      %bitcast_convert_type3A_1963 = arith.bitcast %sub3A_1962 : i32 to f32
      %mul3A_1964 = arith.constant 5.000000e-01 : f32
      %mul3A_1965 = arith.mulf %mul3A_1964, %max3A_1957 : f32
      %mul3A_1966 = arith.mulf %mul3A_1965, %bitcast_convert_type3A_1963 : f32
      %mul3A_1967 = arith.mulf %mul3A_1966, %bitcast_convert_type3A_1963 : f32
      %sub3A_1968 = arith.constant 1.500000e+00 : f32
      %sub3A_1969 = arith.subf %sub3A_1968, %mul3A_1967 : f32
      %mul3A_1970 = arith.mulf %bitcast_convert_type3A_1963, %sub3A_1969 : f32
      %mul3A_1971 = arith.mulf %mul3A_1965, %mul3A_1970 : f32
      %mul3A_1972 = arith.mulf %mul3A_1971, %mul3A_1970 : f32
      %sub3A_1973 = arith.constant 1.500000e+00 : f32
      %sub3A_1974 = arith.subf %sub3A_1973, %mul3A_1972 : f32
      %mul3A_1975 = arith.mulf %mul3A_1970, %sub3A_1974 : f32
      %mul3A_1976 = arith.mulf %mul3A_1965, %mul3A_1975 : f32
      %mul3A_1977 = arith.mulf %mul3A_1976, %mul3A_1975 : f32
      %sub3A_1978 = arith.constant 1.500000e+00 : f32
      %sub3A_1979 = arith.subf %sub3A_1978, %mul3A_1977 : f32
      %mul3A_1980 = arith.mulf %mul3A_1975, %sub3A_1979 : f32
      %mul3A_1981 = arith.mulf %max3A_1957, %mul3A_1980 : f32
      %gt3A_1982 = arith.constant 1.000000e+00 : f32
      %gt3A_1983 = arith.cmpf ogt, %mul3A_1981, %gt3A_1982 : f32
      %jit3A_1984 = arith.constant 1.000000e+00 : f32
      %select_n3A_1985 = arith.select %gt3A_1983, %mul3A_1980, %jit3A_1984 : f32
      %broadcast_in_dim3A_1986 = vector.broadcast %select_n3A_1985 : f32 to vector<16xf32>
      %mul3A_1987 = arith.mulf %get3A_1901, %broadcast_in_dim3A_1986 : vector<16xf32>
      %add3A_1988 = arith.constant 13 : i32
      %add3A_1989 = arith.addi %mul3A_76, %add3A_1988 : i32
      %swap3A_1990 = arith.index_cast %add3A_1989 : i32 to index
      %swap3A_1991 = arith.constant 0 : index
      %swap3A_1992 = tpu.vector_load %arg7[%swap3A_1990, %swap3A_1991] {strides = array<i32>} : memref<128x128xf32, #tpu.memory_space<vmem>>, vector<16xf32>,
      tpu.vector_store %arg7[%swap3A_1990, %swap3A_1991], %mul3A_1987 {strides = array<i32>} : memref<128x128xf32, #tpu.memory_space<vmem>>, vector<16xf32>,
      %mul3A_1993 = arith.mulf %get3A_1906, %broadcast_in_dim3A_1986 : vector<16xf32>
      %add3A_1994 = arith.constant 13 : i32
      %add3A_1995 = arith.addi %mul3A_76, %add3A_1994 : i32
      %swap3A_1996 = arith.index_cast %add3A_1995 : i32 to index
      %swap3A_1997 = arith.constant 16 : index
      %swap3A_1998 = tpu.vector_load %arg7[%swap3A_1996, %swap3A_1997] {strides = array<i32>} : memref<128x128xf32, #tpu.memory_space<vmem>>, vector<16xf32>,
      tpu.vector_store %arg7[%swap3A_1996, %swap3A_1997], %mul3A_1993 {strides = array<i32>} : memref<128x128xf32, #tpu.memory_space<vmem>>, vector<16xf32>,
      %mul3A_1999 = arith.mulf %get3A_1911, %broadcast_in_dim3A_1986 : vector<16xf32>
      %add3A_2000 = arith.constant 13 : i32
      %add3A_2001 = arith.addi %mul3A_76, %add3A_2000 : i32
      %swap3A_2002 = arith.index_cast %add3A_2001 : i32 to index
      %swap3A_2003 = arith.constant 32 : index
      %swap3A_2004 = tpu.vector_load %arg7[%swap3A_2002, %swap3A_2003] {strides = array<i32>} : memref<128x128xf32, #tpu.memory_space<vmem>>, vector<16xf32>,
      tpu.vector_store %arg7[%swap3A_2002, %swap3A_2003], %mul3A_1999 {strides = array<i32>} : memref<128x128xf32, #tpu.memory_space<vmem>>, vector<16xf32>,
      %mul3A_2005 = arith.mulf %get3A_1916, %broadcast_in_dim3A_1986 : vector<16xf32>
      %add3A_2006 = arith.constant 13 : i32
      %add3A_2007 = arith.addi %mul3A_76, %add3A_2006 : i32
      %swap3A_2008 = arith.index_cast %add3A_2007 : i32 to index
      %swap3A_2009 = arith.constant 48 : index
      %swap3A_2010 = tpu.vector_load %arg7[%swap3A_2008, %swap3A_2009] {strides = array<i32>} : memref<128x128xf32, #tpu.memory_space<vmem>>, vector<16xf32>,
      tpu.vector_store %arg7[%swap3A_2008, %swap3A_2009], %mul3A_2005 {strides = array<i32>} : memref<128x128xf32, #tpu.memory_space<vmem>>, vector<16xf32>,
      %mul3A_2011 = arith.mulf %get3A_1921, %broadcast_in_dim3A_1986 : vector<16xf32>
      %add3A_2012 = arith.constant 13 : i32
      %add3A_2013 = arith.addi %mul3A_76, %add3A_2012 : i32
      %swap3A_2014 = arith.index_cast %add3A_2013 : i32 to index
      %swap3A_2015 = arith.constant 64 : index
      %swap3A_2016 = tpu.vector_load %arg7[%swap3A_2014, %swap3A_2015] {strides = array<i32>} : memref<128x128xf32, #tpu.memory_space<vmem>>, vector<16xf32>,
      tpu.vector_store %arg7[%swap3A_2014, %swap3A_2015], %mul3A_2011 {strides = array<i32>} : memref<128x128xf32, #tpu.memory_space<vmem>>, vector<16xf32>,
      %mul3A_2017 = arith.mulf %get3A_1926, %broadcast_in_dim3A_1986 : vector<16xf32>
      %add3A_2018 = arith.constant 13 : i32
      %add3A_2019 = arith.addi %mul3A_76, %add3A_2018 : i32
      %swap3A_2020 = arith.index_cast %add3A_2019 : i32 to index
      %swap3A_2021 = arith.constant 80 : index
      %swap3A_2022 = tpu.vector_load %arg7[%swap3A_2020, %swap3A_2021] {strides = array<i32>} : memref<128x128xf32, #tpu.memory_space<vmem>>, vector<16xf32>,
      tpu.vector_store %arg7[%swap3A_2020, %swap3A_2021], %mul3A_2017 {strides = array<i32>} : memref<128x128xf32, #tpu.memory_space<vmem>>, vector<16xf32>,
      %mul3A_2023 = arith.mulf %get3A_1931, %broadcast_in_dim3A_1986 : vector<16xf32>
      %add3A_2024 = arith.constant 13 : i32
      %add3A_2025 = arith.addi %mul3A_76, %add3A_2024 : i32
      %swap3A_2026 = arith.index_cast %add3A_2025 : i32 to index
      %swap3A_2027 = arith.constant 96 : index
      %swap3A_2028 = tpu.vector_load %arg7[%swap3A_2026, %swap3A_2027] {strides = array<i32>} : memref<128x128xf32, #tpu.memory_space<vmem>>, vector<16xf32>,
      tpu.vector_store %arg7[%swap3A_2026, %swap3A_2027], %mul3A_2023 {strides = array<i32>} : memref<128x128xf32, #tpu.memory_space<vmem>>, vector<16xf32>,
      %mul3A_2029 = arith.mulf %get3A_1936, %broadcast_in_dim3A_1986 : vector<16xf32>
      %add3A_2030 = arith.constant 13 : i32
      %add3A_2031 = arith.addi %mul3A_76, %add3A_2030 : i32
      %swap3A_2032 = arith.index_cast %add3A_2031 : i32 to index
      %swap3A_2033 = arith.constant 112 : index
      %swap3A_2034 = tpu.vector_load %arg7[%swap3A_2032, %swap3A_2033] {strides = array<i32>} : memref<128x128xf32, #tpu.memory_space<vmem>>, vector<16xf32>,
      tpu.vector_store %arg7[%swap3A_2032, %swap3A_2033], %mul3A_2029 {strides = array<i32>} : memref<128x128xf32, #tpu.memory_space<vmem>>, vector<16xf32>,
      %add3A_2035 = arith.constant 14 : i32
      %add3A_2036 = arith.addi %mul3A_76, %add3A_2035 : i32
      %get3A_2037 = arith.index_cast %add3A_2036 : i32 to index
      %get3A_2038 = arith.constant 0 : index
      %get3A_2039 = tpu.vector_load %arg6[%get3A_2037, %get3A_2038] {strides = array<i32>} : memref<128x128xf32, #tpu.memory_space<vmem>>, vector<16xf32>,
      %add3A_2040 = arith.constant 14 : i32
      %add3A_2041 = arith.addi %mul3A_76, %add3A_2040 : i32
      %get3A_2042 = arith.index_cast %add3A_2041 : i32 to index
      %get3A_2043 = arith.constant 16 : index
      %get3A_2044 = tpu.vector_load %arg6[%get3A_2042, %get3A_2043] {strides = array<i32>} : memref<128x128xf32, #tpu.memory_space<vmem>>, vector<16xf32>,
      %add3A_2045 = arith.constant 14 : i32
      %add3A_2046 = arith.addi %mul3A_76, %add3A_2045 : i32
      %get3A_2047 = arith.index_cast %add3A_2046 : i32 to index
      %get3A_2048 = arith.constant 32 : index
      %get3A_2049 = tpu.vector_load %arg6[%get3A_2047, %get3A_2048] {strides = array<i32>} : memref<128x128xf32, #tpu.memory_space<vmem>>, vector<16xf32>,
      %add3A_2050 = arith.constant 14 : i32
      %add3A_2051 = arith.addi %mul3A_76, %add3A_2050 : i32
      %get3A_2052 = arith.index_cast %add3A_2051 : i32 to index
      %get3A_2053 = arith.constant 48 : index
      %get3A_2054 = tpu.vector_load %arg6[%get3A_2052, %get3A_2053] {strides = array<i32>} : memref<128x128xf32, #tpu.memory_space<vmem>>, vector<16xf32>,
      %add3A_2055 = arith.constant 14 : i32
      %add3A_2056 = arith.addi %mul3A_76, %add3A_2055 : i32
      %get3A_2057 = arith.index_cast %add3A_2056 : i32 to index
      %get3A_2058 = arith.constant 64 : index
      %get3A_2059 = tpu.vector_load %arg6[%get3A_2057, %get3A_2058] {strides = array<i32>} : memref<128x128xf32, #tpu.memory_space<vmem>>, vector<16xf32>,
      %add3A_2060 = arith.constant 14 : i32
      %add3A_2061 = arith.addi %mul3A_76, %add3A_2060 : i32
      %get3A_2062 = arith.index_cast %add3A_2061 : i32 to index
      %get3A_2063 = arith.constant 80 : index
      %get3A_2064 = tpu.vector_load %arg6[%get3A_2062, %get3A_2063] {strides = array<i32>} : memref<128x128xf32, #tpu.memory_space<vmem>>, vector<16xf32>,
      %add3A_2065 = arith.constant 14 : i32
      %add3A_2066 = arith.addi %mul3A_76, %add3A_2065 : i32
      %get3A_2067 = arith.index_cast %add3A_2066 : i32 to index
      %get3A_2068 = arith.constant 96 : index
      %get3A_2069 = tpu.vector_load %arg6[%get3A_2067, %get3A_2068] {strides = array<i32>} : memref<128x128xf32, #tpu.memory_space<vmem>>, vector<16xf32>,
      %add3A_2070 = arith.constant 14 : i32
      %add3A_2071 = arith.addi %mul3A_76, %add3A_2070 : i32
      %get3A_2072 = arith.index_cast %add3A_2071 : i32 to index
      %get3A_2073 = arith.constant 112 : index
      %get3A_2074 = tpu.vector_load %arg6[%get3A_2072, %get3A_2073] {strides = array<i32>} : memref<128x128xf32, #tpu.memory_space<vmem>>, vector<16xf32>,
      %mul3A_2075 = arith.mulf %get3A_2039, %get3A_2039 : vector<16xf32>
      %mul3A_2076 = arith.mulf %get3A_2044, %get3A_2044 : vector<16xf32>
      %mul3A_2077 = arith.mulf %get3A_2049, %get3A_2049 : vector<16xf32>
      %mul3A_2078 = arith.mulf %get3A_2054, %get3A_2054 : vector<16xf32>
      %mul3A_2079 = arith.mulf %get3A_2059, %get3A_2059 : vector<16xf32>
      %mul3A_2080 = arith.mulf %get3A_2064, %get3A_2064 : vector<16xf32>
      %mul3A_2081 = arith.mulf %get3A_2069, %get3A_2069 : vector<16xf32>
      %mul3A_2082 = arith.mulf %get3A_2074, %get3A_2074 : vector<16xf32>
      %add3A_2083 = arith.addf %mul3A_2075, %mul3A_2076 : vector<16xf32>
      %add3A_2084 = arith.addf %mul3A_2077, %mul3A_2078 : vector<16xf32>
      %add3A_2085 = arith.addf %mul3A_2079, %mul3A_2080 : vector<16xf32>
      %add3A_2086 = arith.addf %mul3A_2081, %mul3A_2082 : vector<16xf32>
      %add3A_2087 = arith.addf %add3A_2083, %add3A_2084 : vector<16xf32>
      %add3A_2088 = arith.addf %add3A_2085, %add3A_2086 : vector<16xf32>
      %add3A_2089 = arith.addf %add3A_2087, %add3A_2088 : vector<16xf32>
      %reduce_sum3A_2090 = arith.constant true
      %reduce_sum3A_2091 = vector.broadcast %reduce_sum3A_2090 : i1 to vector<16xi1>
      %reduce_sum3A_2092 = tpu.scan <sum>, %add3A_2089 masked %reduce_sum3A_2091 : vector<16xf32>, vector<16xi1> -> vector<16xf32>
      %reduce_sum3A_2093 = vector.extract %reduce_sum3A_2092[15] : f32 from vector<16xf32>
      %max3A_2094 = arith.constant 1.000000e-30 : f32
      %max3A_2095 = arith.maximumf %reduce_sum3A_2093, %max3A_2094 : f32
      %bitcast_convert_type3A_2096 = arith.bitcast %max3A_2095 : f32 to i32
      %shift_right_logical3A_2097 = arith.constant 1 : i32
      %shift_right_logical3A_2098 = arith.shrui %bitcast_convert_type3A_2096, %shift_right_logical3A_2097 : i32
      %sub3A_2099 = arith.constant 1597463007 : i32
      %sub3A_2100 = arith.subi %sub3A_2099, %shift_right_logical3A_2098 : i32
      %bitcast_convert_type3A_2101 = arith.bitcast %sub3A_2100 : i32 to f32
      %mul3A_2102 = arith.constant 5.000000e-01 : f32
      %mul3A_2103 = arith.mulf %mul3A_2102, %max3A_2095 : f32
      %mul3A_2104 = arith.mulf %mul3A_2103, %bitcast_convert_type3A_2101 : f32
      %mul3A_2105 = arith.mulf %mul3A_2104, %bitcast_convert_type3A_2101 : f32
      %sub3A_2106 = arith.constant 1.500000e+00 : f32
      %sub3A_2107 = arith.subf %sub3A_2106, %mul3A_2105 : f32
      %mul3A_2108 = arith.mulf %bitcast_convert_type3A_2101, %sub3A_2107 : f32
      %mul3A_2109 = arith.mulf %mul3A_2103, %mul3A_2108 : f32
      %mul3A_2110 = arith.mulf %mul3A_2109, %mul3A_2108 : f32
      %sub3A_2111 = arith.constant 1.500000e+00 : f32
      %sub3A_2112 = arith.subf %sub3A_2111, %mul3A_2110 : f32
      %mul3A_2113 = arith.mulf %mul3A_2108, %sub3A_2112 : f32
      %mul3A_2114 = arith.mulf %mul3A_2103, %mul3A_2113 : f32
      %mul3A_2115 = arith.mulf %mul3A_2114, %mul3A_2113 : f32
      %sub3A_2116 = arith.constant 1.500000e+00 : f32
      %sub3A_2117 = arith.subf %sub3A_2116, %mul3A_2115 : f32
      %mul3A_2118 = arith.mulf %mul3A_2113, %sub3A_2117 : f32
      %mul3A_2119 = arith.mulf %max3A_2095, %mul3A_2118 : f32
      %gt3A_2120 = arith.constant 1.000000e+00 : f32
      %gt3A_2121 = arith.cmpf ogt, %mul3A_2119, %gt3A_2120 : f32
      %jit3A_2122 = arith.constant 1.000000e+00 : f32
      %select_n3A_2123 = arith.select %gt3A_2121, %mul3A_2118, %jit3A_2122 : f32
      %broadcast_in_dim3A_2124 = vector.broadcast %select_n3A_2123 : f32 to vector<16xf32>
      %mul3A_2125 = arith.mulf %get3A_2039, %broadcast_in_dim3A_2124 : vector<16xf32>
      %add3A_2126 = arith.constant 14 : i32
      %add3A_2127 = arith.addi %mul3A_76, %add3A_2126 : i32
      %swap3A_2128 = arith.index_cast %add3A_2127 : i32 to index
      %swap3A_2129 = arith.constant 0 : index
      %swap3A_2130 = tpu.vector_load %arg7[%swap3A_2128, %swap3A_2129] {strides = array<i32>} : memref<128x128xf32, #tpu.memory_space<vmem>>, vector<16xf32>,
      tpu.vector_store %arg7[%swap3A_2128, %swap3A_2129], %mul3A_2125 {strides = array<i32>} : memref<128x128xf32, #tpu.memory_space<vmem>>, vector<16xf32>,
      %mul3A_2131 = arith.mulf %get3A_2044, %broadcast_in_dim3A_2124 : vector<16xf32>
      %add3A_2132 = arith.constant 14 : i32
      %add3A_2133 = arith.addi %mul3A_76, %add3A_2132 : i32
      %swap3A_2134 = arith.index_cast %add3A_2133 : i32 to index
      %swap3A_2135 = arith.constant 16 : index
      %swap3A_2136 = tpu.vector_load %arg7[%swap3A_2134, %swap3A_2135] {strides = array<i32>} : memref<128x128xf32, #tpu.memory_space<vmem>>, vector<16xf32>,
      tpu.vector_store %arg7[%swap3A_2134, %swap3A_2135], %mul3A_2131 {strides = array<i32>} : memref<128x128xf32, #tpu.memory_space<vmem>>, vector<16xf32>,
      %mul3A_2137 = arith.mulf %get3A_2049, %broadcast_in_dim3A_2124 : vector<16xf32>
      %add3A_2138 = arith.constant 14 : i32
      %add3A_2139 = arith.addi %mul3A_76, %add3A_2138 : i32
      %swap3A_2140 = arith.index_cast %add3A_2139 : i32 to index
      %swap3A_2141 = arith.constant 32 : index
      %swap3A_2142 = tpu.vector_load %arg7[%swap3A_2140, %swap3A_2141] {strides = array<i32>} : memref<128x128xf32, #tpu.memory_space<vmem>>, vector<16xf32>,
      tpu.vector_store %arg7[%swap3A_2140, %swap3A_2141], %mul3A_2137 {strides = array<i32>} : memref<128x128xf32, #tpu.memory_space<vmem>>, vector<16xf32>,
      %mul3A_2143 = arith.mulf %get3A_2054, %broadcast_in_dim3A_2124 : vector<16xf32>
      %add3A_2144 = arith.constant 14 : i32
      %add3A_2145 = arith.addi %mul3A_76, %add3A_2144 : i32
      %swap3A_2146 = arith.index_cast %add3A_2145 : i32 to index
      %swap3A_2147 = arith.constant 48 : index
      %swap3A_2148 = tpu.vector_load %arg7[%swap3A_2146, %swap3A_2147] {strides = array<i32>} : memref<128x128xf32, #tpu.memory_space<vmem>>, vector<16xf32>,
      tpu.vector_store %arg7[%swap3A_2146, %swap3A_2147], %mul3A_2143 {strides = array<i32>} : memref<128x128xf32, #tpu.memory_space<vmem>>, vector<16xf32>,
      %mul3A_2149 = arith.mulf %get3A_2059, %broadcast_in_dim3A_2124 : vector<16xf32>
      %add3A_2150 = arith.constant 14 : i32
      %add3A_2151 = arith.addi %mul3A_76, %add3A_2150 : i32
      %swap3A_2152 = arith.index_cast %add3A_2151 : i32 to index
      %swap3A_2153 = arith.constant 64 : index
      %swap3A_2154 = tpu.vector_load %arg7[%swap3A_2152, %swap3A_2153] {strides = array<i32>} : memref<128x128xf32, #tpu.memory_space<vmem>>, vector<16xf32>,
      tpu.vector_store %arg7[%swap3A_2152, %swap3A_2153], %mul3A_2149 {strides = array<i32>} : memref<128x128xf32, #tpu.memory_space<vmem>>, vector<16xf32>,
      %mul3A_2155 = arith.mulf %get3A_2064, %broadcast_in_dim3A_2124 : vector<16xf32>
      %add3A_2156 = arith.constant 14 : i32
      %add3A_2157 = arith.addi %mul3A_76, %add3A_2156 : i32
      %swap3A_2158 = arith.index_cast %add3A_2157 : i32 to index
      %swap3A_2159 = arith.constant 80 : index
      %swap3A_2160 = tpu.vector_load %arg7[%swap3A_2158, %swap3A_2159] {strides = array<i32>} : memref<128x128xf32, #tpu.memory_space<vmem>>, vector<16xf32>,
      tpu.vector_store %arg7[%swap3A_2158, %swap3A_2159], %mul3A_2155 {strides = array<i32>} : memref<128x128xf32, #tpu.memory_space<vmem>>, vector<16xf32>,
      %mul3A_2161 = arith.mulf %get3A_2069, %broadcast_in_dim3A_2124 : vector<16xf32>
      %add3A_2162 = arith.constant 14 : i32
      %add3A_2163 = arith.addi %mul3A_76, %add3A_2162 : i32
      %swap3A_2164 = arith.index_cast %add3A_2163 : i32 to index
      %swap3A_2165 = arith.constant 96 : index
      %swap3A_2166 = tpu.vector_load %arg7[%swap3A_2164, %swap3A_2165] {strides = array<i32>} : memref<128x128xf32, #tpu.memory_space<vmem>>, vector<16xf32>,
      tpu.vector_store %arg7[%swap3A_2164, %swap3A_2165], %mul3A_2161 {strides = array<i32>} : memref<128x128xf32, #tpu.memory_space<vmem>>, vector<16xf32>,
      %mul3A_2167 = arith.mulf %get3A_2074, %broadcast_in_dim3A_2124 : vector<16xf32>
      %add3A_2168 = arith.constant 14 : i32
      %add3A_2169 = arith.addi %mul3A_76, %add3A_2168 : i32
      %swap3A_2170 = arith.index_cast %add3A_2169 : i32 to index
      %swap3A_2171 = arith.constant 112 : index
      %swap3A_2172 = tpu.vector_load %arg7[%swap3A_2170, %swap3A_2171] {strides = array<i32>} : memref<128x128xf32, #tpu.memory_space<vmem>>, vector<16xf32>,
      tpu.vector_store %arg7[%swap3A_2170, %swap3A_2171], %mul3A_2167 {strides = array<i32>} : memref<128x128xf32, #tpu.memory_space<vmem>>, vector<16xf32>,
      %add3A_2173 = arith.constant 15 : i32
      %add3A_2174 = arith.addi %mul3A_76, %add3A_2173 : i32
      %get3A_2175 = arith.index_cast %add3A_2174 : i32 to index
      %get3A_2176 = arith.constant 0 : index
      %get3A_2177 = tpu.vector_load %arg6[%get3A_2175, %get3A_2176] {strides = array<i32>} : memref<128x128xf32, #tpu.memory_space<vmem>>, vector<16xf32>,
      %add3A_2178 = arith.constant 15 : i32
      %add3A_2179 = arith.addi %mul3A_76, %add3A_2178 : i32
      %get3A_2180 = arith.index_cast %add3A_2179 : i32 to index
      %get3A_2181 = arith.constant 16 : index
      %get3A_2182 = tpu.vector_load %arg6[%get3A_2180, %get3A_2181] {strides = array<i32>} : memref<128x128xf32, #tpu.memory_space<vmem>>, vector<16xf32>,
      %add3A_2183 = arith.constant 15 : i32
      %add3A_2184 = arith.addi %mul3A_76, %add3A_2183 : i32
      %get3A_2185 = arith.index_cast %add3A_2184 : i32 to index
      %get3A_2186 = arith.constant 32 : index
      %get3A_2187 = tpu.vector_load %arg6[%get3A_2185, %get3A_2186] {strides = array<i32>} : memref<128x128xf32, #tpu.memory_space<vmem>>, vector<16xf32>,
      %add3A_2188 = arith.constant 15 : i32
      %add3A_2189 = arith.addi %mul3A_76, %add3A_2188 : i32
      %get3A_2190 = arith.index_cast %add3A_2189 : i32 to index
      %get3A_2191 = arith.constant 48 : index
      %get3A_2192 = tpu.vector_load %arg6[%get3A_2190, %get3A_2191] {strides = array<i32>} : memref<128x128xf32, #tpu.memory_space<vmem>>, vector<16xf32>,
      %add3A_2193 = arith.constant 15 : i32
      %add3A_2194 = arith.addi %mul3A_76, %add3A_2193 : i32
      %get3A_2195 = arith.index_cast %add3A_2194 : i32 to index
      %get3A_2196 = arith.constant 64 : index
      %get3A_2197 = tpu.vector_load %arg6[%get3A_2195, %get3A_2196] {strides = array<i32>} : memref<128x128xf32, #tpu.memory_space<vmem>>, vector<16xf32>,
      %add3A_2198 = arith.constant 15 : i32
      %add3A_2199 = arith.addi %mul3A_76, %add3A_2198 : i32
      %get3A_2200 = arith.index_cast %add3A_2199 : i32 to index
      %get3A_2201 = arith.constant 80 : index
      %get3A_2202 = tpu.vector_load %arg6[%get3A_2200, %get3A_2201] {strides = array<i32>} : memref<128x128xf32, #tpu.memory_space<vmem>>, vector<16xf32>,
      %add3A_2203 = arith.constant 15 : i32
      %add3A_2204 = arith.addi %mul3A_76, %add3A_2203 : i32
      %get3A_2205 = arith.index_cast %add3A_2204 : i32 to index
      %get3A_2206 = arith.constant 96 : index
      %get3A_2207 = tpu.vector_load %arg6[%get3A_2205, %get3A_2206] {strides = array<i32>} : memref<128x128xf32, #tpu.memory_space<vmem>>, vector<16xf32>,
      %add3A_2208 = arith.constant 15 : i32
      %add3A_2209 = arith.addi %mul3A_76, %add3A_2208 : i32
      %get3A_2210 = arith.index_cast %add3A_2209 : i32 to index
      %get3A_2211 = arith.constant 112 : index
      %get3A_2212 = tpu.vector_load %arg6[%get3A_2210, %get3A_2211] {strides = array<i32>} : memref<128x128xf32, #tpu.memory_space<vmem>>, vector<16xf32>,
      %mul3A_2213 = arith.mulf %get3A_2177, %get3A_2177 : vector<16xf32>
      %mul3A_2214 = arith.mulf %get3A_2182, %get3A_2182 : vector<16xf32>
      %mul3A_2215 = arith.mulf %get3A_2187, %get3A_2187 : vector<16xf32>
      %mul3A_2216 = arith.mulf %get3A_2192, %get3A_2192 : vector<16xf32>
      %mul3A_2217 = arith.mulf %get3A_2197, %get3A_2197 : vector<16xf32>
      %mul3A_2218 = arith.mulf %get3A_2202, %get3A_2202 : vector<16xf32>
      %mul3A_2219 = arith.mulf %get3A_2207, %get3A_2207 : vector<16xf32>
      %mul3A_2220 = arith.mulf %get3A_2212, %get3A_2212 : vector<16xf32>
      %add3A_2221 = arith.addf %mul3A_2213, %mul3A_2214 : vector<16xf32>
      %add3A_2222 = arith.addf %mul3A_2215, %mul3A_2216 : vector<16xf32>
      %add3A_2223 = arith.addf %mul3A_2217, %mul3A_2218 : vector<16xf32>
      %add3A_2224 = arith.addf %mul3A_2219, %mul3A_2220 : vector<16xf32>
      %add3A_2225 = arith.addf %add3A_2221, %add3A_2222 : vector<16xf32>
      %add3A_2226 = arith.addf %add3A_2223, %add3A_2224 : vector<16xf32>
      %add3A_2227 = arith.addf %add3A_2225, %add3A_2226 : vector<16xf32>
      %reduce_sum3A_2228 = arith.constant true
      %reduce_sum3A_2229 = vector.broadcast %reduce_sum3A_2228 : i1 to vector<16xi1>
      %reduce_sum3A_2230 = tpu.scan <sum>, %add3A_2227 masked %reduce_sum3A_2229 : vector<16xf32>, vector<16xi1> -> vector<16xf32>
      %reduce_sum3A_2231 = vector.extract %reduce_sum3A_2230[15] : f32 from vector<16xf32>
      %max3A_2232 = arith.constant 1.000000e-30 : f32
      %max3A_2233 = arith.maximumf %reduce_sum3A_2231, %max3A_2232 : f32
      %bitcast_convert_type3A_2234 = arith.bitcast %max3A_2233 : f32 to i32
      %shift_right_logical3A_2235 = arith.constant 1 : i32
      %shift_right_logical3A_2236 = arith.shrui %bitcast_convert_type3A_2234, %shift_right_logical3A_2235 : i32
      %sub3A_2237 = arith.constant 1597463007 : i32
      %sub3A_2238 = arith.subi %sub3A_2237, %shift_right_logical3A_2236 : i32
      %bitcast_convert_type3A_2239 = arith.bitcast %sub3A_2238 : i32 to f32
      %mul3A_2240 = arith.constant 5.000000e-01 : f32
      %mul3A_2241 = arith.mulf %mul3A_2240, %max3A_2233 : f32
      %mul3A_2242 = arith.mulf %mul3A_2241, %bitcast_convert_type3A_2239 : f32
      %mul3A_2243 = arith.mulf %mul3A_2242, %bitcast_convert_type3A_2239 : f32
      %sub3A_2244 = arith.constant 1.500000e+00 : f32
      %sub3A_2245 = arith.subf %sub3A_2244, %mul3A_2243 : f32
      %mul3A_2246 = arith.mulf %bitcast_convert_type3A_2239, %sub3A_2245 : f32
      %mul3A_2247 = arith.mulf %mul3A_2241, %mul3A_2246 : f32
      %mul3A_2248 = arith.mulf %mul3A_2247, %mul3A_2246 : f32
      %sub3A_2249 = arith.constant 1.500000e+00 : f32
      %sub3A_2250 = arith.subf %sub3A_2249, %mul3A_2248 : f32
      %mul3A_2251 = arith.mulf %mul3A_2246, %sub3A_2250 : f32
      %mul3A_2252 = arith.mulf %mul3A_2241, %mul3A_2251 : f32
      %mul3A_2253 = arith.mulf %mul3A_2252, %mul3A_2251 : f32
      %sub3A_2254 = arith.constant 1.500000e+00 : f32
      %sub3A_2255 = arith.subf %sub3A_2254, %mul3A_2253 : f32
      %mul3A_2256 = arith.mulf %mul3A_2251, %sub3A_2255 : f32
      %mul3A_2257 = arith.mulf %max3A_2233, %mul3A_2256 : f32
      %gt3A_2258 = arith.constant 1.000000e+00 : f32
      %gt3A_2259 = arith.cmpf ogt, %mul3A_2257, %gt3A_2258 : f32
      %jit3A_2260 = arith.constant 1.000000e+00 : f32
      %select_n3A_2261 = arith.select %gt3A_2259, %mul3A_2256, %jit3A_2260 : f32
      %broadcast_in_dim3A_2262 = vector.broadcast %select_n3A_2261 : f32 to vector<16xf32>
      %mul3A_2263 = arith.mulf %get3A_2177, %broadcast_in_dim3A_2262 : vector<16xf32>
      %add3A_2264 = arith.constant 15 : i32
      %add3A_2265 = arith.addi %mul3A_76, %add3A_2264 : i32
      %swap3A_2266 = arith.index_cast %add3A_2265 : i32 to index
      %swap3A_2267 = arith.constant 0 : index
      %swap3A_2268 = tpu.vector_load %arg7[%swap3A_2266, %swap3A_2267] {strides = array<i32>} : memref<128x128xf32, #tpu.memory_space<vmem>>, vector<16xf32>,
      tpu.vector_store %arg7[%swap3A_2266, %swap3A_2267], %mul3A_2263 {strides = array<i32>} : memref<128x128xf32, #tpu.memory_space<vmem>>, vector<16xf32>,
      %mul3A_2269 = arith.mulf %get3A_2182, %broadcast_in_dim3A_2262 : vector<16xf32>
      %add3A_2270 = arith.constant 15 : i32
      %add3A_2271 = arith.addi %mul3A_76, %add3A_2270 : i32
      %swap3A_2272 = arith.index_cast %add3A_2271 : i32 to index
      %swap3A_2273 = arith.constant 16 : index
      %swap3A_2274 = tpu.vector_load %arg7[%swap3A_2272, %swap3A_2273] {strides = array<i32>} : memref<128x128xf32, #tpu.memory_space<vmem>>, vector<16xf32>,
      tpu.vector_store %arg7[%swap3A_2272, %swap3A_2273], %mul3A_2269 {strides = array<i32>} : memref<128x128xf32, #tpu.memory_space<vmem>>, vector<16xf32>,
      %mul3A_2275 = arith.mulf %get3A_2187, %broadcast_in_dim3A_2262 : vector<16xf32>
      %add3A_2276 = arith.constant 15 : i32
      %add3A_2277 = arith.addi %mul3A_76, %add3A_2276 : i32
      %swap3A_2278 = arith.index_cast %add3A_2277 : i32 to index
      %swap3A_2279 = arith.constant 32 : index
      %swap3A_2280 = tpu.vector_load %arg7[%swap3A_2278, %swap3A_2279] {strides = array<i32>} : memref<128x128xf32, #tpu.memory_space<vmem>>, vector<16xf32>,
      tpu.vector_store %arg7[%swap3A_2278, %swap3A_2279], %mul3A_2275 {strides = array<i32>} : memref<128x128xf32, #tpu.memory_space<vmem>>, vector<16xf32>,
      %mul3A_2281 = arith.mulf %get3A_2192, %broadcast_in_dim3A_2262 : vector<16xf32>
      %add3A_2282 = arith.constant 15 : i32
      %add3A_2283 = arith.addi %mul3A_76, %add3A_2282 : i32
      %swap3A_2284 = arith.index_cast %add3A_2283 : i32 to index
      %swap3A_2285 = arith.constant 48 : index
      %swap3A_2286 = tpu.vector_load %arg7[%swap3A_2284, %swap3A_2285] {strides = array<i32>} : memref<128x128xf32, #tpu.memory_space<vmem>>, vector<16xf32>,
      tpu.vector_store %arg7[%swap3A_2284, %swap3A_2285], %mul3A_2281 {strides = array<i32>} : memref<128x128xf32, #tpu.memory_space<vmem>>, vector<16xf32>,
      %mul3A_2287 = arith.mulf %get3A_2197, %broadcast_in_dim3A_2262 : vector<16xf32>
      %add3A_2288 = arith.constant 15 : i32
      %add3A_2289 = arith.addi %mul3A_76, %add3A_2288 : i32
      %swap3A_2290 = arith.index_cast %add3A_2289 : i32 to index
      %swap3A_2291 = arith.constant 64 : index
      %swap3A_2292 = tpu.vector_load %arg7[%swap3A_2290, %swap3A_2291] {strides = array<i32>} : memref<128x128xf32, #tpu.memory_space<vmem>>, vector<16xf32>,
      tpu.vector_store %arg7[%swap3A_2290, %swap3A_2291], %mul3A_2287 {strides = array<i32>} : memref<128x128xf32, #tpu.memory_space<vmem>>, vector<16xf32>,
      %mul3A_2293 = arith.mulf %get3A_2202, %broadcast_in_dim3A_2262 : vector<16xf32>
      %add3A_2294 = arith.constant 15 : i32
      %add3A_2295 = arith.addi %mul3A_76, %add3A_2294 : i32
      %swap3A_2296 = arith.index_cast %add3A_2295 : i32 to index
      %swap3A_2297 = arith.constant 80 : index
      %swap3A_2298 = tpu.vector_load %arg7[%swap3A_2296, %swap3A_2297] {strides = array<i32>} : memref<128x128xf32, #tpu.memory_space<vmem>>, vector<16xf32>,
      tpu.vector_store %arg7[%swap3A_2296, %swap3A_2297], %mul3A_2293 {strides = array<i32>} : memref<128x128xf32, #tpu.memory_space<vmem>>, vector<16xf32>,
      %mul3A_2299 = arith.mulf %get3A_2207, %broadcast_in_dim3A_2262 : vector<16xf32>
      %add3A_2300 = arith.constant 15 : i32
      %add3A_2301 = arith.addi %mul3A_76, %add3A_2300 : i32
      %swap3A_2302 = arith.index_cast %add3A_2301 : i32 to index
      %swap3A_2303 = arith.constant 96 : index
      %swap3A_2304 = tpu.vector_load %arg7[%swap3A_2302, %swap3A_2303] {strides = array<i32>} : memref<128x128xf32, #tpu.memory_space<vmem>>, vector<16xf32>,
      tpu.vector_store %arg7[%swap3A_2302, %swap3A_2303], %mul3A_2299 {strides = array<i32>} : memref<128x128xf32, #tpu.memory_space<vmem>>, vector<16xf32>,
      %mul3A_2305 = arith.mulf %get3A_2212, %broadcast_in_dim3A_2262 : vector<16xf32>
      %add3A_2306 = arith.constant 15 : i32
      %add3A_2307 = arith.addi %mul3A_76, %add3A_2306 : i32
      %swap3A_2308 = arith.index_cast %add3A_2307 : i32 to index
      %swap3A_2309 = arith.constant 112 : index
      %swap3A_2310 = tpu.vector_load %arg7[%swap3A_2308, %swap3A_2309] {strides = array<i32>} : memref<128x128xf32, #tpu.memory_space<vmem>>, vector<16xf32>,
      tpu.vector_store %arg7[%swap3A_2308, %swap3A_2309], %mul3A_2305 {strides = array<i32>} : memref<128x128xf32, #tpu.memory_space<vmem>>, vector<16xf32>,
      %add3A_2311 = arith.addi %mul3A_2, %mul3A_76 : i32
      %dma_start3A_2312 = arith.constant 0 : i32
      %dma_start3A_2313 = tpu.memref_slice %arg7[%mul3A_76, %dma_start3A_2312] : memref<128x128xf32, #tpu.memory_space<vmem>> -> memref<16x128xf32, #tpu.memory_space<vmem>>
      %dma_start3A_2314 = arith.constant 0 : i32
      %dma_start3A_2315 = tpu.memref_slice %arg4[%add3A_2311, %dma_start3A_2314] : memref<4096x128xf32, #tpu.memory_space<hbm>> -> memref<16x128xf32, #tpu.memory_space<hbm>>
      %dma_start3A_2316 = arith.constant 0 : i32
      %dma_start3A_2317 = tpu.memref_slice %arg4[%add3A_2311, %dma_start3A_2316] : memref<4096x128xf32, #tpu.memory_space<hbm>> -> memref<16x128xf32, #tpu.memory_space<hbm>>
      %dma_start3A_2318 = arith.constant 0 : i32
      %dma_start3A_2319 = tpu.memref_slice %arg7[%mul3A_76, %dma_start3A_2318] : memref<128x128xf32, #tpu.memory_space<vmem>> -> memref<16x128xf32, #tpu.memory_space<vmem>>
      tpu.enqueue_dma source(%dma_start3A_2319 : memref<16x128xf32, #tpu.memory_space<vmem>>) target(%dma_start3A_2317 : memref<16x128xf32, #tpu.memory_space<hbm>>) target_semaphore(%arg16 : memref<!tpu.dma_semaphore, #tpu.memory_space<semaphore_mem>>)
    }
    %scan3A_70 = arith.constant 8 : i32
    %dma_wait3A = arith.constant 0 : i32
    %dma_wait3A_71 = tpu.memref_slice %arg4[%mul3A_2, %dma_wait3A] : memref<4096x128xf32, #tpu.memory_space<hbm>> -> memref<128x128xf32, #tpu.memory_space<hbm>>
    %dma_wait3A_72 = arith.constant 0 : i32
    %dma_wait3A_73 = tpu.memref_slice %arg4[%mul3A_2, %dma_wait3A_72] : memref<4096x128xf32, #tpu.memory_space<hbm>> -> memref<128x128xf32, #tpu.memory_space<hbm>>
    tpu.wait_dma2 semaphore(%arg16 : memref<!tpu.dma_semaphore, #tpu.memory_space<semaphore_mem>>) src(%arg7 : memref<128x128xf32, #tpu.memory_space<vmem>>) dst(%dma_wait3A_73 : memref<128x128xf32, #tpu.memory_space<hbm>>)
    return
  }
}

</mosaic_0001>

<sc_bundles>
// kernel: kernel.3.cloned.1.call-start
scs
__scs_entry_jumppad:
0x0: {  	(pc) =	sbr.rel $0x88, $3  }
0x1: {  	(tag) =	ssettag $0x0;
	lr =	simm.s32 $0x1  }
0x2: {  	[smem:$0x3F9F] =	sst lr;
	_ =	strace $0xD0000000  }
0x3: {  	_ = 	snop  }
0x4: {  	_ = 	snop  }
0x5: {  	_ = 	snop  }
0x6: {  	_ = 	snop  }
0x7: {  	_ = 	snop  }
__scs_overlays_trampoline_lowered:
0x8: {  	[smem:$0x3FAE] =	sst s0  }
0x9: {  	[smem:$0x3FAF] =	sst s1  }
0xa: {  	[smem:$0x3FB0] =	sst s2  }
0xb: {  	[smem:$0x3FB1] =	sst s3  }
0xc: {  	[smem:$0x3FB2] =	sst s4  }
0xd: {  	[smem:$0x3FB3] =	sst s5  }
0xe: {  	[smem:$0x3FB4] =	sst s6  }
0xf: {  	[smem:$0x3FB5] =	sst s7  }
0x10: {  	[smem:$0x3FB6] =	sst s8  }
0x11: {  	[smem:$0x3FB7] =	sst s9;
	s0 =	simm.s32 @!p0 $0x0  }
0x12: {  	s1 =	sld [smem:$0x3F9D];
	s0 =	simm.s32 @p0 $0x1  }
0x13: {  	[smem:$0x3FB8] =	sst s0;
	s0 =	simm.s32 @!p1 $0x0  }
0x14: {  	s2 =	sld [smem:$0x3F9C];
	s0 =	simm.s32 @p1 $0x1  }
0x15: {  	[smem:$0x3FB9] =	sst s0;
	s0 =	simm.s32 @!p2 $0x0  }
0x16: {  	s3 =	sld [smem:$0x3FDB];
	s0 =	simm.s32 @p2 $0x1  }
0x17: {  	s4 =	simm.s32 $0x1BF5;
	[smem:$0x3FBB] =	sst s0  }
0x18: {  	s0 =	sld [smem:$0x3F9E];
	_ =	swait.ge [sflag:s4], $0x0  }
0x19: {  	s7 =	sld [smem:$0x3F9F]  }
0x1a: {  	s8 =	sadd.s32 $0xFFFFE003, lr  }
0x1b: {  	s9 =	sadd.s32 $0xFFFFFEF7, lr;
	s5 =	simm.s32 $0xFFFFFFFF;
	p2 =	slt.u32 s8, $0xFFFFF086  }
0x1c: {  	p1 =	slt.u32 s9, $0xF7A;
	s5 =	simm.s32 @!p2 $0x0  }
0x1d: {  	s5 =	simm.s32 @p1 $0x1;
	p0 =	seq.s32 s7, s2  }
0x1e: {  	s7 =	smul.u32 @!p0 $0xF7A, s2;
	p2 =	seq.s32 @!p0 s5, $0x0  }
0x1f: {  	s9 =	smul.u32 $0xF7A, s1;
	s8 =	simm.s32 @!p0 $0x1BF5;
	p2 =	por !p2, p0  }
0x20: {  	[sflag:s8] =	ssyncset.s32 @!p0 $0xFFFFF086;
	s6 =	sadd.s32 @!p0 s3, s7;
	s7 =	simm.s32 @!p0 $0x108  }
0x21: {  	s3 =	sadd.s32 s3, s9;
	s6 =	sadd.s32 @!p0 $0x88, s6;
	s7 =	simm.s32 @p2 $0x1082  }
0x22: {  	[simem:s7], [sflag:s8] =	dma.local @!p0 [hbm:s6], $0xF7A  }
0x23: {  	s9 =	sor.u32 $0xD0000000, s2;
	s6 =	simm.s32 $0x108;
	_ =	swait.ge @!p0 [sflag:s8], $0x0  }
0x24: {  	s3 =	sadd.s32 $0x88, s3;
	s6 =	simm.s32 @!p1 $0x1082;
	[sflag:s4] =	ssyncset.s32 $0xFFFFF086  }
0x25: {  	[simem:s6], [sflag:s4] =	dma.local [hbm:s3], $0xF7A  }
0x26: {  	[smem:$0x3F9F] =	sst s1;
	(tag) =	ssettag s2;
	_ =	strace s9  }
0x27: {  	s1 =	sld [smem:$0x3FAF]  }
0x28: {  	s2 =	sld [smem:$0x3FB0]  }
0x29: {  	s4 =	sld [smem:$0x3FB2]  }
0x2a: {  	p0 =	seq.s32 s5, $0x0;
	s5 =	sld [smem:$0x3FB3]  }
0x2b: {  	s6 =	sld [smem:$0x3FB4]  }
0x2c: {  	s7 =	sld [smem:$0x3FB5]  }
0x2d: {  	s3 =	simm.s32 $0x108;
	s8 =	sld [smem:$0x3FB6]  }
0x2e: {  	s3 =	simm.s32 @!p0 $0x1082;
	s9 =	sld [smem:$0x3FB7]  }
0x2f: {  	lr =	sadd.s32 s0, s3;
	s0 =	sld [smem:$0x3FAE]  }
0x30: {  	s3 =	sld [smem:$0x3FB1]  }
0x31: {  	[smem:$0x3FBA] =	sst s10  }
0x32: {  	s10 =	sld [smem:$0x3FB8];
	_ =	sdelay $0x3  }
0x33: {  	p0 =	seq.s32 s10, $0x1;
	s10 =	sld [smem:$0x3FBA];
	_ =	sdelay $0x3  }
0x34: {  	[smem:$0x3FBA] =	sst s10  }
0x35: {  	s10 =	sld [smem:$0x3FB9];
	_ =	sdelay $0x3  }
0x36: {  	p1 =	seq.s32 s10, $0x1;
	s10 =	sld [smem:$0x3FBA];
	_ =	sdelay $0x3  }
0x37: {  	[smem:$0x3FBA] =	sst s10  }
0x38: {  	s10 =	sld [smem:$0x3FBB]  }
0x39: {  	_ = 	snop;
	(pc) =	sbr.ind lr, $3  }
0x3a: {  	_ = 	snop  }
0x3b: {  	_ = 	snop  }
0x3c: {  	p2 =	seq.s32 s10, $0x1;
	s10 =	sld [smem:$0x3FBA]  }
0x3d: {  	_ =	shalt  }
0x3e: {  	_ =	shalt  }
0x3f: {  	_ =	shalt  }
0x40: {  	_ =	shalt  }
0x41: {  	_ =	shalt  }
0x42: {  	_ =	shalt  }
0x43: {  	_ =	shalt  }
0x44: {  	_ =	shalt  }
0x45: {  	_ =	shalt  }
0x46: {  	_ =	shalt  }
0x47: {  	_ =	shalt  }
0x48: {  	_ =	shalt  }
0x49: {  	_ =	shalt  }
0x4a: {  	_ =	shalt  }
0x4b: {  	_ =	shalt  }
0x4c: {  	_ =	shalt  }
0x4d: {  	_ =	shalt  }
0x4e: {  	_ =	shalt  }
0x4f: {  	_ =	shalt  }
0x50: {  	_ =	shalt  }
0x51: {  	_ =	shalt  }
0x52: {  	_ =	shalt  }
0x53: {  	_ =	shalt  }
0x54: {  	_ =	shalt  }
0x55: {  	_ =	shalt  }
0x56: {  	_ =	shalt  }
0x57: {  	_ =	shalt  }
0x58: {  	_ =	shalt  }
0x59: {  	_ =	shalt  }
0x5a: {  	_ =	shalt  }
0x5b: {  	_ =	shalt  }
0x5c: {  	_ =	shalt  }
0x5d: {  	_ =	shalt  }
0x5e: {  	_ =	shalt  }
0x5f: {  	_ =	shalt  }
0x60: {  	_ =	shalt  }
0x61: {  	_ =	shalt  }
0x62: {  	_ =	shalt  }
0x63: {  	_ =	shalt  }
0x64: {  	_ =	shalt  }
0x65: {  	_ =	shalt  }
0x66: {  	_ =	shalt  }
0x67: {  	_ =	shalt  }
0x68: {  	_ =	shalt  }
0x69: {  	_ =	shalt  }
0x6a: {  	_ =	shalt  }
0x6b: {  	_ =	shalt  }
0x6c: {  	_ =	shalt  }
0x6d: {  	_ =	shalt  }
0x6e: {  	_ =	shalt  }
0x6f: {  	_ =	shalt  }
0x70: {  	_ =	shalt  }
0x71: {  	_ =	shalt  }
0x72: {  	_ =	shalt  }
0x73: {  	_ =	shalt  }
0x74: {  	_ =	shalt  }
0x75: {  	_ =	shalt  }
0x76: {  	_ =	shalt  }
0x77: {  	_ =	shalt  }
0x78: {  	_ =	shalt  }
0x79: {  	_ =	shalt  }
0x7a: {  	_ =	shalt  }
0x7b: {  	_ =	shalt  }
0x7c: {  	_ =	shalt  }
0x7d: {  	_ =	shalt  }
0x7e: {  	_ =	shalt  }
0x7f: {  	_ =	shalt  }
0x80: {  	_ =	shalt  }
0x81: {  	_ =	shalt  }
0x82: {  	_ =	shalt  }
0x83: {  	_ =	shalt  }
0x84: {  	_ =	shalt  }
0x85: {  	_ =	shalt  }
0x86: {  	_ =	shalt  }
0x87: {  	_ =	shalt  }
.Lfunc_end0:
.L_simem_size_0:
called_computation_lowered:
.L_overlay_start_0:
0x88: {  	s2 =	sld [smem:$0x3FD9]  }
0x89: {  	s3 =	sld [smem:$0x3FFE];
	_ =	sdelay $0x1  }
0x8a: {  	s1 =	srdreg.scid  }
0x8b: {  	s0 =	sand.u32 $0x1, s1  }
0x8c: {  	s18 =	sshll.u32 s0, $0xA;
	s2 =	sadd.s32 s3, s2  }
0x8d: {  	s2 =	sadd.s32 s2, s18  }
0x8e: {  	[smem:$0x3FC6] =	sst s2  }
0x8f: {  	_ = 	snop  }
0x90: {  	s2 =	sld [smem:$0x3FC9]  }
0x91: {  	s19 =	sld [smem:$0x3FC8]  }
0x92: {  	s4 =	sld [smem:$0x3FD0];
	(tm) =	ssettm $0x1  }
0x93: {  	s5 =	sld [smem:$0x3FFB];
	_ =	sdelay $0x3  }
0x94: {  	_ =	strace s5  }
0x95: {  	s5 =	sld [smem:$0x3FFC];
	_ =	sdelay $0x3  }
0x96: {  	_ =	strace s5  }
0x97: {  	s5 =	sld [smem:$0x3FFD];
	_ =	sdelay $0x3  }
0x98: {  	_ =	strace s5  }
0x99: {  	_ =	strace $0x8FFFFFFF  }
0x9a: {  	s20 =	sld [smem:$0x3FDB];
	_ =	sdelay $0x1  }
0x9b: {  	s6 =	simm.s32 $_scs_section_size  }
0x9c: {  	s7 =	simm.s32 $_size__tile_overlayer_lowered;
	s8 =	simm.s32 $_tile_overlayer_lowered  }
0x9d: {  	s23 =	simm.s32 $0x1BFF;
	s22 =	sshll.u32 s8, $0x1;
	s5 =	sadd.s32 s6, s20  }
0x9e: {  	s9 =	simm.s32 $0x0;
	s21 =	sshll.u32 s7, $0x1;
	s7 =	sadd.s32 s22, s5  }
0x9f: {  	[timem:s9], [sflag:s23] =	dma.local [hbm:s7], s21  }
0xa0: {  	_ =	swait.ge [sflag:s23], s21  }
0xa1: {  	s6 =	ssub.s32 $0x0, s21;
	[sflag:s23] =	ssyncset.done $0x0  }
0xa2: {  	[sflag:s23] =	ssyncadd.s32 s6;
	_ =	sdelay $0x1  }
0xa3: {  	s24 =	simm.s32 $0x1B8B  }
0xa4: {  	_ =	swait.ge [sflag:s24], $0x1  }
0xa5: {  	[sflag:s24] =	ssyncset.done $0x0  }
0xa6: {  	s25 =	simm.s32 $0x1B8E;
	[sflag:s24] =	ssyncadd.s32 $0xFFFFFFFF  }
0xa7: {  	s26 =	simm.s32 $execute0_lowered;
	[smem:$0x3FD2] =	sst s25  }
0xa8: {  	s6 =	sshll.u32 s26, $0x1;
	_ =	strace $0x80000046;
	[dreg:$0x1] =	wrdreg $0xFFFFFFFF  }
0xa9: {  	s28 =	simm.s32 $_size_execute0_lowered;
	s5 =	sadd.s32 s5, s6;
	[dreg:$0x0] =	wrdreg $0x0  }
0xaa: {  	s6 =	sshll.u32 s28, $0x1;
	[dreg:$0x2] =	wrdreg s5  }
0xab: {  	[dreg:$0x3] =	wrdreg s6  }
0xac: {  	[dreg:$0x4] =	wrdreg $0xC0  }
0xad: {  	_ =	task [dreg:s9], $0x5FFFF  }
0xae: {  	[dreg:$0x1] =	wrdreg $0xFFFFFFFF  }
0xaf: {  	[dreg:$0x0] =	wrdreg $0x60  }
0xb0: {  	[dreg:$0x2] =	wrdreg s2  }
0xb1: {  	[dreg:$0x3] =	wrdreg s19  }
0xb2: {  	[dreg:$0x4] =	wrdreg s4  }
0xb3: {  	[dreg:$0x5] =	wrdreg $0x9  }
0xb4: {  	_ =	task.clear_ibuf [dreg:s9], $0x6FFFF;
	_ =	strace $0x90000046  }
0xb5: {  	s29 =	simm.s32 $0x9;
	_ =	strace $0x80000048  }
0xb6: {  	_ =	swait.ge [sflag:s29], $0x1  }
0xb7: {  	[sflag:s29] =	ssyncadd.s32 $0xFFFFFFFF  }
0xb8: {  	_ =	strace $0x90000048  }
0xb9: {  	_ =	sfence  }
0xba: {  	s30 =	sld [smem:$0x0];
	_ =	sdelay $0x2  }
0xbb: {  	s31 =	sshll.u32 s1, $0xD;
	s1 =	sshrl.u32 s1, $0x2  }
0xbc: {  	s3 =	sand.u32 $0x4000, s31;
	s1 =	sadd.s32 s1, s30  }
0xbd: {  	s0 =	sor.u32 s3, s0;
	s1 =	sshll.u32 s1, $0x11  }
0xbe: {  	s0 =	sor.u32 s1, s0  }
0xbf: {  	s0 =	sadd.s32 $0x8F2B, s0  }
0xc0: {  	[sflag:s0] =	ssyncadd.remote.s32 $0x1  }
0xc1: {  	_ =	sfence.sel $0xFFFF  }
0xc2: {  	[dreg:$0x0] =	wrdreg $0xFFFFFFFF;
	(pc) =	sbr.abs _section_cstart, $3  }
0xc3: {  	[dreg:$0x1] =	wrdreg $0xFFFFFFFF  }
0xc4: {  	_ =	task.clear_ibuf [dreg:s9], $0x2FFFF;
	_ =	strace $0x9FFFFFFF  }
0xc5: {  	(tm) =	ssettm $0x7FFFFFFF  }
tec
execute0_lowered:
.L_overlay_start_1:
0x0: {  	(tag) =	ssettag $0x1  }
0x1: {  	s0 =	rddreg [dreg:$0x0]  }
0x2: {  	s1 =	rddreg [dreg:$0x1]  }
0x3: {  	s2 =	rddreg [dreg:$0x2];
	s3 =	simm.s32 $0x0  }
0x4: {  	s4 =	srdreg.scid;
	s6 =	stileid.u32;
	s8 =	simm.s32 $0x10  }
0x5: {  	s23 =	simm.s32 $0x9;
	s24 =	simm.s32 $0x0;
	s4 =	sand.u32 $0x1, s4  }
0x6: {  	s6 =	sshll.u32 s6, $0x8;
	s5 =	ssub.s32 $0x2, s4;
	s4 =	sshll.u32 s4, $0x7  }
0x7: {  	[smem:$0x7FF] =	sst s3;
	s7 =	sshrl.u32 s5, $0x1;
	s4 =	sor.u32 s4, s6  }
0x8: {  	_ =	strace $0x80000047;
	s29 =	ssub.s32 s5, s7;
	s30 =	sshrl.u32 s4, $0x3  }
0x9: {  	s31 =	sshll.u32 s4, $0x4;
	s7 =	simm.s32 $0xA;
	s0 =	sadd.s32 s0, s30  }
0xa: {  	s5 =	sadd.s32 s2, s31;
	s6 =	smax.u32 s29, $0x1;
	[dreg:$0x4] =	wrdreg s0  }
.LBB2_1:
0xb: {  	s0 =	rddreg [dreg:$0x4]  }
0xc: {  	[tilespmem:s3], [sflag:$0xA] =	stream.linear.gather [hbm4b:s0+s3], $0x80, $0x38;
	[tilespmem:$0x8080] =	vst v63  }
0xd: {  	_ =	swait.ge [sflag:s7], $0x80  }
0xe: {  	[sflag:s7] =	ssyncset.done $0x0  }
0xf: {  	s16 =	simm.s32 $0x80;
	[sflag:s7] =	ssyncadd.s32 $0xFFFFFF80  }
0x10: {  	[tilespmem:s16], [sflag:$0x1] =	stream.indirect.gather [hbm4b:s1+s8], $0x80, s3, s8, $0xb8;
	[tilespmem:$0x8080] =	vst v63  }
0x11: {  	s17 =	simm.s32 $0x880  }
0x12: {  	[tilespmem:s17], [sflag:$0x2] =	stream.indirect.gather [hbm4b:s1+s8], $0x80, s8, s8, $0xb8;
	[tilespmem:$0x8080] =	vst v63  }
0x13: {  	s18 =	simm.s32 $0x20;
	s2 =	simm.s32 $0x1080  }
0x14: {  	[tilespmem:s2], [sflag:$0x3] =	stream.indirect.gather [hbm4b:s1+s8], $0x80, s18, s8, $0xb8;
	[tilespmem:$0x8080] =	vst v63  }
0x15: {  	s19 =	simm.s32 $0x30;
	s20 =	simm.s32 $0x1880  }
0x16: {  	[tilespmem:s20], [sflag:$0x4] =	stream.indirect.gather [hbm4b:s1+s8], $0x80, s19, s8, $0xb8;
	[tilespmem:$0x8080] =	vst v63  }
0x17: {  	s21 =	simm.s32 $0x40;
	s22 =	simm.s32 $0x2080  }
0x18: {  	[tilespmem:s22], [sflag:$0x5] =	stream.indirect.gather [hbm4b:s1+s8], $0x80, s21, s8, $0xb8;
	[tilespmem:$0x8080] =	vst v63  }
0x19: {  	s25 =	simm.s32 $0x50;
	s26 =	simm.s32 $0x2880  }
0x1a: {  	[tilespmem:s26], [sflag:$0x6] =	stream.indirect.gather [hbm4b:s1+s8], $0x80, s25, s8, $0xb8;
	[tilespmem:$0x8080] =	vst v63  }
0x1b: {  	s28 =	simm.s32 $0x60;
	s29 =	simm.s32 $0x3080  }
0x1c: {  	[tilespmem:s29], [sflag:$0x7] =	stream.indirect.gather [hbm4b:s1+s8], $0x80, s28, s8, $0xb8;
	[tilespmem:$0x8080] =	vst v63  }
0x1d: {  	s30 =	simm.s32 $0x70;
	s31 =	simm.s32 $0x3880;
	s25 =	simm.s32 $0x0  }
0x1e: {  	[tilespmem:s31], [sflag:$0x8] =	stream.indirect.gather [hbm4b:s1+s8], $0x80, s30, s8, $0xb8;
	[tilespmem:$0x8080] =	vst v63  }
.LBB2_2:
0x1f: {  	p0 =	sgt.s32 s25, $0x3  }
0x20: {  	p4 =	sgt.s32 @p0 s25, $0x5  }
0x21: {  	p1 =	por !p4, !p0  }
0x22: {  	s0 =	simm.s32 @!p1 $0x0;
	p2 =	seq.s32 @!p1 s25, $0x6  }
0x23: {  	s0 =	simm.s32 @p1 $0x1;
	p3 =	por @p0 p2, !p4  }
0x24: {  	p2 =	por @p0 !p2, !p4;
	[smem:$0x7FD] =	sst s0;
	p3 =	por p3, !p0  }
0x25: {  	p2 =	por !p2, !p0;
	s2 =	simm.s32 @!p3 $0x8;
	p3 =	por p4, !p0  }
0x26: {  	s4 =	sld [smem:$0x7FD];
	p5 =	seq.s32 @!p3 s25, $0x4;
	p3 =	sgt.s32 @!p0 s25, $0x1  }
0x27: {  	s2 =	simm.s32 @p2 $0x7;
	p6 =	por @p0 p5, p4;
	p2 =	por !p3, p0  }
0x28: {  	p4 =	por @p0 !p5, p4;
	p5 =	por p6, !p0;
	p6 =	seq.s32 @!p2 s25, $0x2  }
0x29: {  	p1 =	por p3, p0;
	s9 =	simm.s32 @!p5 $0x6;
	p5 =	por @!p0 p6, !p3  }
0x2a: {  	p4 =	por !p4, !p0;
	p1 =	seq.s32 @!p1 s25, $0x0;
	p5 =	por p5, p0  }
0x2b: {  	s9 =	simm.s32 @p4 $0x5;
	p4 =	por @!p0 p1, p3;
	p1 =	por @!p0 !p1, p3  }
0x2c: {  	s0 =	simm.s32 @!p5 $0x4;
	p5 =	por @!p0 !p6, !p3;
	p3 =	por p4, p0  }
0x2d: {  	p1 =	por !p1, p0;
	s10 =	simm.s32 @!p3 $0x2;
	p3 =	por !p5, p0  }
0x2e: {  	s0 =	simm.s32 @p3 $0x3;
	s10 =	simm.s32 @p1 $0x1;
	p1 =	seq.s32 s4, $0x1  }
0x2f: {  	s2 =	smov.u32 @p1 s9;
	s0 =	smov.u32 @p2 s10  }
0x30: {  	s0 =	smov.u32 @p0 s2  }
0x31: {  	_ =	swait.ge [sflag:s0], $0x800  }
0x32: {  	[sflag:s0] =	ssyncset.done $0x0  }
0x33: {  	s26 =	sshll.u32 s25, $0xB;
	[sflag:s0] =	ssyncadd.s32 $0xFFFFF800  }
0x34: {  	v62 =	vld [tilespmem:s26+$0x80]  }
0x35: {  	v8 =	vld [tilespmem:s26+$0x90]  }
0x36: {  	v7 =	vld [tilespmem:s26+$0xA0]  }
0x37: {  	v18 =	vld [tilespmem:s26+$0xB0]  }
0x38: {  	v20 =	vld [tilespmem:s26+$0xC0]  }
0x39: {  	v28 =	vld [tilespmem:s26+$0xD0]  }
0x3a: {  	v39 =	vld [tilespmem:s26+$0xE0]  }
0x3b: {  	v47 =	vld [tilespmem:s26+$0xF0];
	_ =	sdelay $0x1  }
0x3c: {  	v46 =	vld [tilespmem:s26+$0x100];
	v9 =	vmul.f32 v62, v62;
	v10 =	vmul.f32 v8, v8  }
0x3d: {  	v40 =	vld [tilespmem:s26+$0x110];
	v11 =	vmul.f32 v7, v7;
	v12 =	vmul.f32 v18, v18  }
0x3e: {  	v48 =	vld [tilespmem:s26+$0x140];
	v13 =	vmul.f32 v20, v20;
	v14 =	vmul.f32 v28, v28  }
0x3f: {  	v52 =	vld [tilespmem:s26+$0x150];
	v15 =	vmul.f32 v39, v39;
	v16 =	vmul.f32 v47, v47  }
0x40: {  	v58 =	vld [tilespmem:s26+$0x160];
	v17 =	vadd.f32 v10, v9;
	v11 =	vadd.f32 v12, v11  }
0x41: {  	v57 =	vld [tilespmem:s26+$0x170];
	v13 =	vadd.f32 v14, v13;
	v34 =	vadd.f32 v16, v15  }
0x42: {  	v12 =	vld [tilespmem:s26+$0x120]  }
0x43: {  	v15 =	vld [tilespmem:s26+$0x130];
	v11 =	vadd.f32 v11, v17;
	v13 =	vadd.f32 v34, v13;
	_ =	sdelay $0x1  }
0x44: {  	v35 =	vmul.f32 v46, v46;
	v36 =	vmul.f32 v40, v40;
	v11 =	vadd.f32 v13, v11  }
0x45: {  	v21 =	vmul.f32 v48, v48;
	v22 =	vmul.f32 v52, v52  }
0x46: {  	v23 =	vmul.f32 v58, v58;
	v24 =	vmul.f32 v57, v57;
	(xrf2) =	vadd.scan.msk.f32 $0xffff, v11  }
0x47: {  	v63 =	vld [tilespmem:s26+$0x1F0];
	v37 =	vmul.f32 v12, v12;
	v19 =	vmul.f32 v15, v15  }
0x48: {  	v21 =	vadd.f32 v22, v21;
	v38 =	vadd.f32 v24, v23;
	v14 =	vld [tilespmem:s26+$0x1B0]  }
0x49: {  	v16 =	vadd.f32 v36, v35;
	v17 =	vld [tilespmem:s26+$0x1A0];
	v25 =	vadd.f32 v19, v37  }
0x4a: {  	v22 =	vadd.f32 v38, v21;
	v21 =	vld [tilespmem:s26+$0x1E0]  }
0x4b: {  	v13 =	vld [tilespmem:s26+$0x180];
	v41 =	vadd.f32 v25, v16  }
0x4c: {  	v11 =	vld [tilespmem:s26+$0x190]  }
0x4d: {  	v19 =	vld [tilespmem:s26+$0x1C0];
	v22 =	vadd.f32 v22, v41  }
0x4e: {  	v16 =	vld [tilespmem:s26+$0x1D0]  }
0x4f: {  	(xrf2) =	vadd.scan.msk.f32 $0xffff, v22  }
0x50: {  	v32 =	vmul.f32 v63, v63;
	v27 =	vmul.f32 v14, v14;
	v42, _, _ =	vpop (xrf2)  }
0x51: {  	v0 =	vld [tilespmem:s26+$0x270];
	v26 =	vmul.f32 v17, v17;
	v31 =	vmul.f32 v21, v21;
	(v2sf) =	vpush v42, $0xF  }
0x52: {  	v24 =	vld [tilespmem:s26+$0x220];
	v43 =	vmul.f32 v13, v13;
	v44 =	vmul.f32 v11, v11  }
0x53: {  	v25 =	vld [tilespmem:s26+$0x210];
	v29 =	vmul.f32 v19, v19;
	v30 =	vmul.f32 v16, v16  }
0x54: {  	v33 =	vadd.f32 v27, v26;
	v45 =	vadd.f32 v32, v31;
	v26 =	vld [tilespmem:s26+$0x230]  }
0x55: {  	v27 =	vld [tilespmem:s26+$0x240];
	v23 =	vadd.f32 v44, v43;
	v29 =	vadd.f32 v30, v29  }
0x56: {  	v22 =	vld [tilespmem:s26+$0x200]  }
0x57: {  	v23 =	vadd.f32 v33, v23;
	v30 =	vld [tilespmem:s26+$0x250];
	v31 =	vadd.f32 v45, v29  }
0x58: {  	v29 =	vld [tilespmem:s26+$0x260]  }
0x59: {  	v23 =	vadd.f32 v31, v23;
	v49, _, _ =	vpop (xrf2)  }
0x5a: {  	v38 =	vmul.f32 v0, v0;
	v53 =	vmul.f32 v24, v24;
	(v2sf) =	vpush v49, $0xF  }
0x5b: {  	v6 =	vld [tilespmem:s26+$0x290];
	v51 =	vmul.f32 v25, v25;
	v34 =	vmul.f32 v26, v26;
	(xrf2) =	vadd.scan.msk.f32 $0xffff, v23  }
0x5c: {  	v5 =	vld [tilespmem:s26+$0x2A0];
	v35 =	vmul.f32 v27, v27;
	v50 =	vmul.f32 v22, v22  }
0x5d: {  	v3 =	vld [tilespmem:s26+$0x2B0];
	v36 =	vmul.f32 v30, v30;
	v37 =	vmul.f32 v29, v29  }
0x5e: {  	v59 =	vld [tilespmem:s26+$0x2C0];
	v54 =	vadd.f32 v34, v53;
	v31 =	vadd.f32 v51, v50  }
0x5f: {  	v4 =	vld [tilespmem:s26+$0x2D0];
	v55 =	vadd.f32 v36, v35;
	v56 =	vadd.f32 v38, v37  }
0x60: {  	v1 =	vld [tilespmem:s26+$0x2E0];
	s18 =	spop (v2sf)  }
0x61: {  	v2 =	vld [tilespmem:s26+$0x2F0];
	v32 =	vadd.f32 v54, v31;
	v33 =	vadd.f32 v56, v55;
	s2 =	smax.f32 s18, $1.000000000e-30  }
0x62: {  	v23 =	vld [tilespmem:s26+$0x280];
	s0 =	sshrl.u32 s2, $0x1;
	s19 =	smul.f32 $5.000000000e-01, s2  }
0x63: {  	v32 =	vadd.f32 v33, v32;
	s0 =	ssub.s32 $0x5F3759DF, s0  }
0x64: {  	[tilespmem:$0x1FD90] =	vst v6;
	v6 =	vmul.f32 v6, v6;
	v9 =	vmul.f32 v5, v5;
	s20 =	smul.f32 s0, s19  }
0x65: {  	v10 =	vmul.f32 v3, v3;
	v41 =	vmul.f32 v1, v1;
	v34 =	vld [tilespmem:s26+$0x300];
	v60, _, _ =	vpop (xrf2);
	(xrf2) =	vadd.scan.msk.f32 $0xffff, v32  }
0x66: {  	v42 =	vmul.f32 v2, v2;
	v45 =	vmul.f32 v59, v59;
	v51 =	vld [tilespmem:s26+$0x320];
	(v2sf) =	vpush v60, $0xF;
	s10 =	smul.f32 s0, s20  }
0x67: {  	v31 =	vld [tilespmem:s26+$0x310];
	v49 =	vmul.f32 v4, v4;
	v61 =	vmul.f32 v23, v23  }
0x68: {  	v50 =	vadd.f32 v10, v9;
	v54 =	vadd.f32 v42, v41;
	v55 =	vld [tilespmem:s26+$0x330];
	s10 =	ssub.f32 $1.500000000e+00, s10  }
0x69: {  	v53 =	vadd.f32 v49, v45;
	v56 =	vld [tilespmem:s26+$0x340];
	v32 =	vadd.f32 v6, v61;
	s21 =	spop (v2sf)  }
0x6a: {  	v61 =	vld [tilespmem:s26+$0x360];
	s11 =	smul.f32 s0, s10;
	s10 =	smax.f32 s21, $1.000000000e-30  }
0x6b: {  	[tilespmem:$0x1FDC0] =	vst v59;
	v59 =	vadd.f32 v54, v53;
	v6 =	vld [tilespmem:s26+$0x370];
	v32 =	vadd.f32 v50, v32;
	s13 =	sshrl.u32 s10, $0x1;
	s0 =	smul.f32 $5.000000000e-01, s10  }
0x6c: {  	v60 =	vld [tilespmem:s26+$0x350];
	s12 =	smul.f32 s11, s19;
	s13 =	ssub.s32 $0x5F3759DF, s13  }
0x6d: {  	v32 =	vadd.f32 v59, v32;
	s14 =	smul.f32 s13, s0  }
0x6e: {  	v10 =	vmul.f32 v34, v34;
	[tilespmem:$0x1FE00] =	vst v51;
	v49 =	vmul.f32 v51, v51;
	s12 =	smul.f32 s12, s11  }
0x6f: {  	[tilespmem:$0x1FE10] =	vst v55;
	v51 =	vmul.f32 v56, v56;
	v50 =	vmul.f32 v55, v55;
	v9, _, _ =	vpop (xrf2);
	(xrf2) =	vadd.scan.msk.f32 $0xffff, v32;
	s14 =	smul.f32 s13, s14  }
0x70: {  	[tilespmem:$0x1FE20] =	vst v56;
	v55 =	vmul.f32 v61, v61;
	v56 =	vmul.f32 v6, v6;
	(v2sf) =	vpush v9, $0xF;
	s12 =	ssub.f32 $1.500000000e+00, s12  }
0x71: {  	v43 =	vld [tilespmem:s26+$0x3B0];
	v45 =	vmul.f32 v31, v31;
	v53 =	vmul.f32 v60, v60;
	s22 =	ssub.f32 $1.500000000e+00, s14  }
0x72: {  	v44 =	vld [tilespmem:s26+$0x3C0];
	[tilespmem:$0x1FE30] =	vst v60;
	v60 =	vadd.f32 v50, v49;
	v42 =	vadd.f32 v56, v55;
	s12 =	smul.f32 s12, s11  }
0x73: {  	v54 =	vld [tilespmem:s26+$0x380];
	v32 =	vadd.f32 v45, v10;
	v10 =	vadd.f32 v53, v51;
	s13 =	smul.f32 s13, s22  }
0x74: {  	v59 =	vld [tilespmem:s26+$0x390];
	s9 =	smul.f32 s12, s19  }
0x75: {  	[tilespmem:$0x1FE40] =	vst v61;
	v61 =	vld [tilespmem:s26+$0x3A0];
	v32 =	vadd.f32 v60, v32;
	v45 =	vadd.f32 v42, v10;
	s29 =	spop (v2sf);
	s15 =	smul.f32 s13, s0  }
0x76: {  	v49 =	vld [tilespmem:s26+$0x3D0];
	s28 =	smul.f32 s9, s12;
	s9 =	smax.f32 s29, $1.000000000e-30  }
0x77: {  	v50 =	vld [tilespmem:s26+$0x3E0];
	v32 =	vadd.f32 v45, v32;
	s16 =	sshrl.u32 s9, $0x1;
	s30 =	smul.f32 $5.000000000e-01, s9  }
0x78: {  	[tilespmem:$0x1FDF0] =	vst v2;
	v51 =	vld [tilespmem:s26+$0x3F0];
	s15 =	smul.f32 s15, s13;
	s16 =	ssub.s32 $0x5F3759DF, s16  }
0x79: {  	[tilespmem:$0x1FE60] =	vst v54;
	v53, _, _ =	vpop (xrf2);
	(xrf2) =	vadd.scan.msk.f32 $0xffff, v32;
	s17 =	smul.f32 s16, s30  }
0x7a: {  	v54 =	vmul.f32 v54, v54;
	[tilespmem:$0x1FE70] =	vst v59;
	v55 =	vmul.f32 v59, v59;
	s15 =	ssub.f32 $1.500000000e+00, s15  }
0x7b: {  	v59 =	vmul.f32 v43, v43;
	[tilespmem:$0x1FE80] =	vst v61;
	v56 =	vmul.f32 v61, v61;
	v9 =	vld [tilespmem:s26+$0x400];
	s14 =	ssub.f32 $1.500000000e+00, s28;
	s17 =	smul.f32 s16, s17  }
0x7c: {  	[tilespmem:$0x1FEB0] =	vst v49;
	v61 =	vmul.f32 v49, v49;
	v49 =	vld [tilespmem:s26+$0x420];
	v60 =	vmul.f32 v44, v44;
	(v2sf) =	vpush v53, $0xF;
	s15 =	smul.f32 s15, s13  }
0x7d: {  	[tilespmem:$0x1FEA0] =	vst v44;
	v2 =	vmul.f32 v50, v50;
	v44 =	vld [tilespmem:s26+$0x410];
	v10 =	vmul.f32 v51, v51;
	s29 =	smul.f32 s14, s12;
	s31 =	ssub.f32 $1.500000000e+00, s17  }
0x7e: {  	[tilespmem:$0x1FEC0] =	vst v50;
	v45 =	vadd.f32 v59, v56;
	v50 =	vadd.f32 v61, v60;
	v56 =	vld [tilespmem:s26+$0x450];
	s0 =	smul.f32 s15, s0  }
0x7f: {  	v59 =	vld [tilespmem:s26+$0x460];
	[tilespmem:$0x1FED0] =	vst v51;
	v51 =	vadd.f32 v10, v2;
	v32 =	vadd.f32 v55, v54;
	s17 =	spop (v2sf);
	s12 =	smul.f32 s16, s31  }
0x80: {  	v53 =	vld [tilespmem:s26+$0x430];
	s4 =	smul.f32 s0, s15;
	s0 =	smax.f32 s17, $1.000000000e-30  }
0x81: {  	v60 =	vld [tilespmem:s26+$0x470];
	v55 =	vadd.f32 v51, v50;
	v32 =	vadd.f32 v45, v32;
	s18 =	sshrl.u32 s0, $0x1;
	s13 =	smul.f32 $5.000000000e-01, s0  }
0x82: {  	[tilespmem:$0x1FE90] =	vst v43;
	v54 =	vld [tilespmem:s26+$0x440];
	s16 =	smul.f32 s12, s30;
	s17 =	ssub.s32 $0x5F3759DF, s18  }
0x83: {  	[tilespmem:$0x1FF00] =	vst v49;
	v32 =	vadd.f32 v55, v32;
	v61, _, _ =	vpop (xrf2);
	s18 =	smul.f32 s17, s13  }
0x84: {  	v49 =	vmul.f32 v49, v49;
	v10 =	vmul.f32 v9, v9;
	[tilespmem:$0x1FF30] =	vst v56;
	(v2sf) =	vpush v61, $0xF;
	s16 =	smul.f32 s16, s12  }
0x85: {  	v43 =	vld [tilespmem:s26+$0x4C0];
	[tilespmem:$0x1FF40] =	vst v59;
	v55 =	vmul.f32 v59, v59;
	v50 =	vmul.f32 v53, v53;
	(xrf2) =	vadd.scan.msk.f32 $0xffff, v32;
	s14 =	ssub.f32 $1.500000000e+00, s4;
	s20 =	smul.f32 s17, s18  }
0x86: {  	v42 =	vld [tilespmem:s26+$0x4B0];
	[tilespmem:$0x1FF10] =	vst v53;
	v53 =	vmul.f32 v56, v56;
	v56 =	vmul.f32 v60, v60;
	s28 =	smul.f32 s29, s2;
	s19 =	ssub.f32 $1.500000000e+00, s16  }
0x87: {  	[tilespmem:$0x1FF50] =	vst v60;
	v45 =	vmul.f32 v44, v44;
	v59 =	vld [tilespmem:s26+$0x490];
	v51 =	vmul.f32 v54, v54;
	s31 =	smul.f32 s14, s15;
	s21 =	ssub.f32 $1.500000000e+00, s20  }
0x88: {  	[tilespmem:$0x1FF20] =	vst v54;
	v54 =	vld [tilespmem:s26+$0x480];
	v60 =	vadd.f32 v50, v49;
	v41 =	vadd.f32 v56, v55;
	s18 =	smul.f32 s19, s12  }
0x89: {  	v49 =	vld [tilespmem:s26+$0x4E0];
	v32 =	vadd.f32 v45, v10;
	v10 =	vadd.f32 v53, v51;
	s22 =	smul.f32 s17, s21  }
0x8a: {  	v50 =	vld [tilespmem:s26+$0x4F0];
	s11 =	smul.f32 s18, s30  }
0x8b: {  	[tilespmem:$0x1FEF0] =	vst v44;
	v45 =	vld [tilespmem:s26+$0x4D0];
	v32 =	vadd.f32 v60, v32;
	v44 =	vadd.f32 v41, v10;
	s16 =	spop (v2sf);
	s17 =	smul.f32 s22, s13  }
0x8c: {  	v61 =	vld [tilespmem:s26+$0x4A0];
	s2 =	smax.f32 s16, $1.000000000e-30;
	s4 =	smul.f32 s11, s18  }
0x8d: {  	[tilespmem:$0x1FFA0] =	vst v43;
	v32 =	vadd.f32 v44, v32;
	s19 =	sshrl.u32 s2, $0x1;
	s11 =	smul.f32 $5.000000000e-01, s2  }
0x8e: {  	v35 =	vld [tilespmem:s26+$0x510];
	[tilespmem:$0x1FF60] =	vst v54;
	v53 =	vmul.f32 v54, v54;
	v54 =	vmul.f32 v59, v59;
	s16 =	ssub.s32 $0x5F3759DF, s19;
	s17 =	smul.f32 s17, s22  }
0x8f: {  	v36 =	vld [tilespmem:s26+$0x570];
	[tilespmem:$0x1FF70] =	vst v59;
	v59 =	vmul.f32 v43, v43;
	v43 =	vmul.f32 v49, v49;
	v51, _, _ =	vpop (xrf2);
	(xrf2) =	vadd.scan.msk.f32 $0xffff, v32;
	s30 =	smul.f32 s16, s11  }
0x90: {  	[tilespmem:$0x1FDB0] =	vst v3;
	v37 =	vld [tilespmem:s26+$0x520];
	v44 =	vmul.f32 v50, v50;
	v60 =	vmul.f32 v45, v45;
	s12 =	smul.f32 s31, s10;
	s15 =	ssub.f32 $1.500000000e+00, s4  }
0x91: {  	[tilespmem:$0x1FDD0] =	vst v4;
	v38 =	vld [tilespmem:s26+$0x560];
	v56 =	vmul.f32 v42, v42;
	v33 =	vadd.f32 v54, v53;
	v55 =	vmul.f32 v61, v61;
	s20 =	ssub.f32 $1.500000000e+00, s17;
	s21 =	smul.f32 s16, s30  }
0x92: {  	[tilespmem:$0x1FF90] =	vst v42;
	v42 =	vld [tilespmem:s26+$0x540];
	v43 =	vadd.f32 v44, v43;
	v4 =	vadd.f32 v60, v59;
	s30 =	smul.f32 s15, s18  }
0x93: {  	[tilespmem:$0x1FF80] =	vst v61;
	v61 =	vld [tilespmem:s26+$0x500];
	v3 =	vadd.f32 v56, v55;
	(v2sf) =	vpush v51, $0xF;
	s19 =	spop (v2sf);
	s14 =	smul.f32 s20, s22  }
0x94: {  	[tilespmem:$0x1FDA0] =	vst v5;
	v44 =	vld [tilespmem:s26+$0x550];
	s10 =	smax.f32 s19, $1.000000000e-30;
	s22 =	ssub.f32 $1.500000000e+00, s21  }
0x95: {  	[tilespmem:$0x1FE50] =	vst v6;
	v6 =	vld [tilespmem:s26+$0x580];
	v5 =	vadd.f32 v43, v4;
	v33 =	vadd.f32 v3, v33;
	s15 =	smul.f32 $5.000000000e-01, s10  }
0x96: {  	v41 =	vld [tilespmem:s26+$0x530];
	v59 =	vmul.f32 v36, v36;
	v56 =	vmul.f32 v38, v38;
	s16 =	smul.f32 s16, s22  }
0x97: {  	[tilespmem:$0x1FFC0] =	vst v49;
	v32 =	vld [tilespmem:s26+$0x5B0];
	v43 =	vadd.f32 v5, v33;
	s13 =	smul.f32 s14, s13  }
0x98: {  	[tilespmem:$0x1FFD0] =	vst v50;
	v50 =	vmul.f32 v35, v35;
	v56 =	vadd.f32 v59, v56;
	v59 =	vld [tilespmem:s26+$0x640];
	v49 =	vmul.f32 v61, v61;
	s20 =	smul.f32 s16, s11  }
0x99: {  	p0 =	sgt.f32 s28, $1.000000000e+00;
	v54 =	vmul.f32 v42, v42;
	[tilespmem:$0x1FFB0] =	vst v45;
	v55 =	vmul.f32 v44, v44;
	v33 =	vld [tilespmem:s26+$0x5C0];
	s21 =	sshrl.u32 s10, $0x1;
	v45, _, _ =	vpop (xrf2);
	(xrf2) =	vadd.scan.msk.f32 $0xffff, v43;
	s4 =	smul.f32 s13, s14  }
0x9a: {  	v50 =	vadd.f32 v50, v49;
	v49 =	vld [tilespmem:s26+$0x5D0];
	s18 =	ssub.s32 $0x5F3759DF, s21;
	(v2sf) =	vpush v45, $0xF;
	s19 =	smul.f32 s20, s16  }
0x9b: {  	s29 =	simm.s32 @!p0 $0x3F800000;
	v53 =	vmul.f32 v41, v41;
	p0 =	sgt.f32 s12, $1.000000000e+00;
	v51 =	vmul.f32 v37, v37;
	v54 =	vadd.f32 v55, v54;
	v55 =	vld [tilespmem:s26+$0x5E0];
	s20 =	smul.f32 s18, s15  }
0x9c: {  	v43 =	vld [tilespmem:s26+$0x590];
	s13 =	smul.f32 s30, s9;
	s22 =	ssub.f32 $1.500000000e+00, s19  }
0x9d: {  	v51 =	vadd.f32 v53, v51;
	v45 =	vld [tilespmem:s26+$0x5A0];
	s17 =	ssub.f32 $1.500000000e+00, s4;
	s4 =	smul.f32 s18, s20  }
0x9e: {  	v53 =	vld [tilespmem:s26+$0x5F0];
	s20 =	smul.f32 s22, s16  }
0x9f: {  	v28 =	vmul.f32 s29, v28;
	s31 =	simm.s32 @!p0 $0x3F800000;
	v51 =	vadd.f32 v51, v50;
	v54 =	vadd.f32 v56, v54;
	v56 =	vld [tilespmem:s26+$0x600];
	s9 =	smul.f32 s17, s14;
	s21 =	ssub.f32 $1.500000000e+00, s4  }
0xa0: {  	[tilespmem:$0x1FFE0] =	vst v61;
	v61 =	vmul.f32 v6, v6;
	v12 =	vmul.f32 s31, v12;
	v50 =	vld [tilespmem:s26+$0x610];
	s11 =	smul.f32 s20, s11  }
0xa1: {  	[tilespmem:$0x1FEE0] =	vst v9;
	v4 =	vmul.f32 v32, v32;
	v9 =	vadd.f32 v54, v51;
	v51 =	vld [tilespmem:s26+$0x620];
	v10 =	vmul.f32 v43, v43;
	s17 =	smul.f32 s18, s21  }
0xa2: {  	[tilespmem:$0x1FFF0] =	vst v6;
	v54 =	vld [tilespmem:s26+$0x630];
	v3 =	vmul.f32 v33, v33;
	v5 =	vmul.f32 v45, v45;
	s22 =	spop (v2sf);
	s18 =	smul.f32 s11, s20  }
0xa3: {  	v2 =	vmul.f32 v49, v49;
	v6 =	vadd.f32 v10, v61;
	v10 =	vmul.f32 v53, v53;
	v61 =	vld [tilespmem:s26+$0x660];
	v60, _, _ =	vpop (xrf2);
	(xrf2) =	vadd.scan.msk.f32 $0xffff, v9;
	s14 =	smul.f32 s17, s15;
	s11 =	smax.f32 s22, $1.000000000e-30  }
0xa4: {  	v4 =	vadd.f32 v4, v5;
	v5 =	vmul.f32 s29, v62;
	v62 =	vld [tilespmem:s26+$0x670];
	v9 =	vmul.f32 v55, v55;
	s16 =	smul.f32 $5.000000000e-01, s11  }
0xa5: {  	v2 =	vadd.f32 v2, v3;
	v3 =	vmul.f32 v59, v59;
	(v2sf) =	vpush v60, $0xF;
	v60 =	vld [tilespmem:s26+$0x650];
	s4 =	sshrl.u32 s11, $0x1;
	s21 =	smul.f32 s14, s17  }
0xa6: {  	[tilespmem:$0x1FD80] =	vst v0;
	v4 =	vadd.f32 v4, v6;
	v6 =	vmul.f32 v56, v56;
	v0 =	vadd.f32 v10, v9;
	s19 =	ssub.s32 $0x5F3759DF, s4;
	s14 =	smul.f32 s9, s0;
	s4 =	ssub.f32 $1.500000000e+00, s18  }
0xa7: {  	p0 =	sgt.f32 s13, $1.000000000e+00;
	v9 =	vmul.f32 s29, v8;
	v10 =	vmul.f32 s29, v7;
	s22 =	smul.f32 s19, s16  }
0xa8: {  	[tilespmem:$0x1FDE0] =	vst v1;
	v7 =	vmul.f32 v50, v50;
	v8 =	vmul.f32 v54, v54;
	v0 =	vadd.f32 v0, v2;
	s21 =	ssub.f32 $1.500000000e+00, s21;
	s0 =	smul.f32 s4, s20  }
0xa9: {  	[tilespmem:s26+$0x4080] =	vst v5;
	v5 =	vmul.f32 v62, v62;
	v2 =	vmul.f32 v51, v51;
	s28 =	spop (v2sf);
	s22 =	smul.f32 s19, s22  }
0xaa: {  	[tilespmem:s26+$0x40D0] =	vst v28;
	v1 =	vmul.f32 v60, v60;
	v0 =	vadd.f32 v0, v4;
	v4 =	vmul.f32 v61, v61;
	s28 =	smax.f32 s28, $1.000000000e-30;
	s18 =	smul.f32 s21, s17  }
0xab: {  	v28 =	vmul.f32 s31, v52;
	[tilespmem:s26+$0x4120] =	vst v12;
	s30 =	simm.s32 @!p0 $0x3F800000;
	v6 =	vadd.f32 v7, v6;
	v2 =	vadd.f32 v8, v2;
	s17 =	smul.f32 $5.000000000e-01, s28;
	s22 =	ssub.f32 $1.500000000e+00, s22  }
0xac: {  	v52 =	vmul.f32 s30, v17;
	[tilespmem:s26+$0x40A0] =	vst v10;
	v1 =	vadd.f32 v1, v3;
	v10 =	vadd.f32 v5, v4;
	s15 =	smul.f32 s18, s15  }
0xad: {  	[tilespmem:s26+$0x4090] =	vst v9;
	v9 =	vmul.f32 s29, v18;
	v18 =	vmul.f32 s29, v20;
	v20, _, _ =	vpop (xrf2);
	(xrf2) =	vadd.scan.msk.f32 $0xffff, v0;
	s19 =	smul.f32 s19, s22  }
0xae: {  	[tilespmem:s26+$0x4150] =	vst v28;
	v2 =	vadd.f32 v2, v6;
	v1 =	vadd.f32 v10, v1;
	s20 =	smul.f32 s15, s18  }
0xaf: {  	[tilespmem:s26+$0x41A0] =	vst v52;
	v3 =	vld [tilespmem:s26+$0x6B0];
	s15 =	sshrl.u32 s28, $0x1;
	s4 =	smul.f32 s19, s16  }
0xb0: {  	v7 =	vmul.f32 s29, v39;
	[tilespmem:s26+$0x40B0] =	vst v9;
	v0 =	vld [tilespmem:s26+$0x690];
	v2 =	vadd.f32 v1, v2;
	s22 =	ssub.s32 $0x5F3759DF, s15;
	s15 =	smul.f32 s0, s2  }
0xb1: {  	v39 =	vmul.f32 s31, v58;
	[tilespmem:s26+$0x40C0] =	vst v18;
	v8 =	vmul.f32 s29, v47;
	v1 =	vld [tilespmem:s26+$0x680];
	s20 =	ssub.f32 $1.500000000e+00, s20;
	s21 =	smul.f32 s4, s19  }
0xb2: {  	[tilespmem:s26+$0x40E0] =	vst v7;
	v9 =	vmul.f32 s31, v46;
	v18 =	vmul.f32 s31, v15;
	(xrf2) =	vadd.scan.msk.f32 $0xffff, v2;
	v2 =	vld [tilespmem:s26+$0x6A0];
	s4 =	smul.f32 s22, s17  }
0xb3: {  	v46 =	vmul.f32 s30, v13;
	v47 =	vmul.f32 s30, v11;
	[tilespmem:s26+$0x4160] =	vst v39;
	v4 =	vld [tilespmem:s26+$0x6C0];
	s2 =	smul.f32 s20, s18;
	s21 =	ssub.f32 $1.500000000e+00, s21  }
0xb4: {  	[tilespmem:s26+$0x40F0] =	vst v8;
	v5 =	vld [tilespmem:s26+$0x6D0];
	v10 =	vmul.f32 s31, v40;
	v40 =	vmul.f32 s31, v57;
	s4 =	smul.f32 s22, s4  }
0xb5: {  	v7 =	vld [tilespmem:s26+$0x6F0];
	[tilespmem:s26+$0x4100] =	vst v9;
	v57 =	vmul.f32 s30, v14;
	(v2sf) =	vpush v20, $0xF;
	v20 =	vmul.f32 s31, v48;
	s12 =	smul.f32 s21, s19  }
0xb6: {  	[tilespmem:s26+$0x4130] =	vst v18;
	v6 =	vld [tilespmem:s26+$0x6E0];
	v28 =	vmul.f32 v0, v0;
	v58 =	vmul.f32 v1, v1;
	s13 =	smul.f32 s2, s10;
	s4 =	ssub.f32 $1.500000000e+00, s4  }
0xb7: {  	v12 =	vld [tilespmem:s26+$0x740];
	[tilespmem:s26+$0x4170] =	vst v40;
	v40 =	vmul.f32 v3, v3;
	v39 =	vmul.f32 v2, v2;
	v48, _, _ =	vpop (xrf2);
	s16 =	smul.f32 s12, s16  }
0xb8: {  	p0 =	sgt.f32 s14, $1.000000000e+00;
	v11 =	vld [tilespmem:s26+$0x730];
	[tilespmem:s26+$0x4190] =	vst v47;
	v47 =	vmul.f32 v4, v4;
	v58 =	vadd.f32 v28, v58;
	s4 =	smul.f32 s22, s4;
	(v2sf) =	vpush v48, $0xF  }
0xb9: {  	[tilespmem:s26+$0x4180] =	vst v46;
	v8 =	vld [tilespmem:s26+$0x700];
	s19 =	spop (v2sf);
	v48 =	vmul.f32 v5, v5;
	v28 =	vadd.f32 v40, v39;
	v39 =	vmul.f32 s30, v21;
	s18 =	smul.f32 s16, s12  }
0xba: {  	v13 =	vmul.f32 s30, v19;
	v9 =	vld [tilespmem:s26+$0x710];
	v14 =	vmul.f32 s30, v16;
	[tilespmem:s26+$0x41B0] =	vst v57;
	s29 =	smax.f32 s19, $1.000000000e-30;
	s20 =	smul.f32 s4, s17  }
0xbb: {  	s9 =	simm.s32 @!p0 $0x3F800000;
	v57 =	vmul.f32 v7, v7;
	v52 =	vmul.f32 v6, v6;
	s21 =	sshrl.u32 s29, $0x1;
	s16 =	smul.f32 $5.000000000e-01, s29;
	v40 =	vadd.f32 v48, v47;
	[tilespmem:s26+$0x41E0] =	vst v39;
	v39 =	vld [tilespmem:$0x1FD80]  }
0xbc: {  	[tilespmem:s26+$0x4110] =	vst v10;
	v10 =	vld [tilespmem:s26+$0x720];
	v47 =	vmul.f32 s30, v63;
	v15 =	vadd.f32 v28, v58;
	v48 =	vmul.f32 s9, v22;
	v46, _, _ =	vpop (xrf2);
	s19 =	smul.f32 s20, s4;
	s20 =	ssub.s32 $0x5F3759DF, s21;
	s31 =	ssub.f32 $1.500000000e+00, s18  }
0xbd: {  	[tilespmem:s26+$0x41C0] =	vst v13;
	v13 =	vld [tilespmem:s26+$0x750];
	v58 =	vmul.f32 s9, v26;
	(v2sf) =	vpush v46, $0xF;
	v46 =	vadd.f32 v57, v52;
	s21 =	smul.f32 s20, s16  }
0xbe: {  	v18 =	vld [tilespmem:s26+$0x7A0];
	[tilespmem:s26+$0x41D0] =	vst v14;
	v63 =	vmul.f32 s9, v27;
	v28 =	vmul.f32 s9, v30;
	s22 =	ssub.f32 $1.500000000e+00, s19;
	s10 =	smul.f32 s31, s12  }
0xbf: {  	v14 =	vld [tilespmem:s26+$0x760];
	v30 =	vmul.f32 s9, v29;
	[tilespmem:s26+$0x41F0] =	vst v47;
	v52 =	vmul.f32 s9, v25;
	v17 =	vadd.f32 v46, v40;
	s21 =	smul.f32 s20, s21  }
0xc0: {  	p0 =	sgt.f32 s15, $1.000000000e+00;
	v57 =	vmul.f32 s9, v24;
	[tilespmem:s26+$0x4200] =	vst v48;
	v19 =	vmul.f32 s9, v39;
	v39 =	vld [tilespmem:$0x1FD90];
	s18 =	smul.f32 s22, s4  }
0xc1: {  	[tilespmem:s26+$0x4230] =	vst v58;
	v47 =	vmul.f32 v10, v10;
	v48 =	vmul.f32 v11, v11;
	s15 =	smul.f32 s10, s11;
	v17 =	vadd.f32 v17, v15;
	v15 =	vld [tilespmem:s26+$0x770];
	s22 =	ssub.f32 $1.500000000e+00, s21  }
0xc2: {  	v16 =	vld [tilespmem:s26+$0x780];
	[tilespmem:s26+$0x4210] =	vst v52;
	v40 =	vmul.f32 v8, v8;
	v46 =	vmul.f32 v9, v9;
	s31 =	smul.f32 s18, s17  }
0xc3: {  	s0 =	simm.s32 @!p0 $0x3F800000;
	v21 =	vld [tilespmem:s26+$0x7D0];
	[tilespmem:s26+$0x4220] =	vst v57;
	v52 =	vmul.f32 v12, v12;
	v57 =	vmul.f32 v13, v13;
	s4 =	smul.f32 s20, s22  }
0xc4: {  	v22 =	vmul.f32 s0, v23;
	[tilespmem:s26+$0x4260] =	vst v30;
	v30 =	vadd.f32 v48, v47;
	v48 =	vld [tilespmem:$0x1FDA0];
	s17 =	spop (v2sf);
	s14 =	smul.f32 s31, s18  }
0xc5: {  	[tilespmem:s26+$0x4240] =	vst v63;
	v23 =	vadd.f32 v46, v40;
	v46 =	vadd.f32 v57, v52;
	v57 =	vld [tilespmem:$0x1FDB0];
	s31 =	smax.f32 s17, $1.000000000e-30;
	v40 =	vmul.f32 s0, v39;
	s19 =	smul.f32 s4, s16  }
0xc6: {  	v58 =	vmul.f32 v14, v14;
	[tilespmem:s26+$0x4270] =	vst v19;
	v19 =	vld [tilespmem:s26+$0x7B0];
	s20 =	sshrl.u32 s31, $0x1;
	s12 =	smul.f32 $5.000000000e-01, s31;
	v63 =	vmul.f32 v15, v15  }
0xc7: {  	s14 =	ssub.f32 $1.500000000e+00, s14;
	[tilespmem:s26+$0x4290] =	vst v40;
	v40 =	vld [tilespmem:$0x1FDD0];
	s17 =	smul.f32 s19, s4;
	s19 =	ssub.s32 $0x5F3759DF, s20  }
0xc8: {  	(xrf2) =	vadd.scan.msk.f32 $0xffff, v17;
	v24 =	vadd.f32 v30, v23;
	v30 =	vld [tilespmem:$0x1FDC0];
	v47 =	vadd.f32 v63, v58;
	s21 =	smul.f32 s19, s12  }
0xc9: {  	v17 =	vld [tilespmem:s26+$0x790];
	v52 =	vmul.f32 s0, v48;
	s11 =	smul.f32 s14, s18;
	s22 =	ssub.f32 $1.500000000e+00, s17  }
0xca: {  	v63 =	vadd.f32 v47, v46;
	v47 =	vld [tilespmem:$0x1FDE0];
	s30 =	smul.f32 s19, s21  }
0xcb: {  	[tilespmem:s26+$0x42A0] =	vst v52;
	v52 =	vld [tilespmem:$0x1FDF0];
	s4 =	smul.f32 s22, s4  }
0xcc: {  	[tilespmem:s26+$0x4140] =	vst v20;
	v20 =	vld [tilespmem:s26+$0x7C0];
	v58 =	vmul.f32 s0, v57;
	s28 =	smul.f32 s11, s28;
	v46 =	vmul.f32 s0, v40;
	s14 =	ssub.f32 $1.500000000e+00, s30  }
0xcd: {  	[tilespmem:s26+$0x4280] =	vst v22;
	v22 =	vld [tilespmem:s26+$0x7E0];
	v39 =	vmul.f32 s0, v30;
	v30 =	vmul.f32 v16, v16;
	s17 =	smul.f32 s4, s16  }
0xce: {  	p0 =	sgt.f32 s13, $1.000000000e+00;
	v23 =	vld [tilespmem:s26+$0x7F0];
	v24 =	vadd.f32 v63, v24;
	v63 =	vmul.f32 v17, v17;
	[tilespmem:s26+$0x42D0] =	vst v46;
	v46 =	vmul.f32 v18, v18;
	s16 =	smul.f32 s19, s14  }
0xcf: {  	s19 =	spop (v2sf);
	v48 =	vmul.f32 s0, v47;
	v47 =	vmul.f32 v19, v19;
	s18 =	smul.f32 s17, s4  }
0xd0: {  	v27 =	vld [tilespmem:s26+$0x830];
	[tilespmem:s26+$0x42B0] =	vst v58;
	v57 =	vmul.f32 s0, v52;
	v52 =	vmul.f32 v21, v21;
	s9 =	smax.f32 s19, $1.000000000e-30;
	s20 =	smul.f32 s16, s12  }
0xd1: {  	s2 =	simm.s32 @!p0 $0x3F800000;
	v30 =	vadd.f32 v63, v30;
	s21 =	sshrl.u32 s9, $0x1;
	s14 =	smul.f32 $5.000000000e-01, s9;
	[tilespmem:s26+$0x42E0] =	vst v48;
	v48 =	vmul.f32 v20, v20;
	v63 =	vadd.f32 v47, v46;
	v46 =	vld [tilespmem:$0x1FE00]  }
0xd2: {  	v26 =	vmul.f32 s2, v31;
	v31 =	vld [tilespmem:s26+$0x870];
	v58, _, _ =	vpop (xrf2);
	[tilespmem:s26+$0x42F0] =	vst v57;
	v57 =	vmul.f32 v22, v22;
	s17 =	ssub.f32 $1.500000000e+00, s18;
	s19 =	ssub.s32 $0x5F3759DF, s21;
	s18 =	smul.f32 s20, s16  }
0xd3: {  	[tilespmem:s26+$0x4250] =	vst v28;
	s22 =	smul.f32 s19, s14;
	s20 =	spop (v2sf);
	(v2sf) =	vpush v58, $0xF;
	v58 =	vmul.f32 v23, v23;
	v28 =	vadd.f32 v52, v48;
	v48 =	vld [tilespmem:$0x1FE10]  }
0xd4: {  	[tilespmem:s26+$0x4310] =	vst v26;
	v26 =	vld [tilespmem:s26+$0x820];
	s30 =	smul.f32 s17, s4;
	s0 =	smax.f32 s20, $1.000000000e-30  }
0xd5: {  	v25 =	vmul.f32 s2, v34;
	s17 =	ssub.f32 $1.500000000e+00, s18;
	s18 =	smul.f32 s19, s22;
	v29 =	vadd.f32 v58, v57;
	v57 =	vld [tilespmem:$0x1FE20]  }
0xd6: {  	s13 =	smul.f32 $5.000000000e-01, s0;
	v47 =	vmul.f32 s2, v46;
	v46 =	vld [tilespmem:$0x1FE30]  }
0xd7: {  	[tilespmem:s26+$0x4300] =	vst v25;
	v25 =	vld [tilespmem:s26+$0x810];
	(xrf2) =	vadd.scan.msk.f32 $0xffff, v24;
	s4 =	sshrl.u32 s0, $0x1;
	s29 =	smul.f32 s30, s29  }
0xd8: {  	s4 =	ssub.s32 $0x5F3759DF, s4;
	s16 =	smul.f32 s17, s16;
	s21 =	ssub.f32 $1.500000000e+00, s18;
	v52 =	vmul.f32 s2, v48;
	v48 =	vld [tilespmem:$0x1FE40]  }
0xd9: {  	v24 =	vld [tilespmem:s26+$0x800];
	s22 =	smul.f32 s4, s13  }
0xda: {  	v30 =	vadd.f32 v63, v30;
	v63 =	vadd.f32 v29, v28;
	v28 =	vld [tilespmem:s26+$0x840];
	s17 =	smul.f32 s19, s21  }
0xdb: {  	[tilespmem:s26+$0x4320] =	vst v47;
	s18 =	smul.f32 s4, s22;
	v58 =	vmul.f32 s2, v57;
	v57 =	vld [tilespmem:$0x1FE50];
	v47 =	vmul.f32 s2, v46  }
0xdc: {  	[tilespmem:s26+$0x4330] =	vst v52;
	s20 =	smul.f32 s17, s14;
	v46 =	vld [tilespmem:$0x1FE60]  }
0xdd: {  	s12 =	smul.f32 s16, s12;
	v63 =	vadd.f32 v63, v30;
	s18 =	ssub.f32 $1.500000000e+00, s18;
	v52 =	vmul.f32 s2, v48;
	[tilespmem:s26+$0x4350] =	vst v47;
	v47 =	vld [tilespmem:$0x1FE70]  }
0xde: {  	s21 =	smul.f32 s20, s17;
	v48 =	vld [tilespmem:$0x1FE80]  }
0xdf: {  	p0 =	sgt.f32 s15, $1.000000000e+00;
	s4 =	smul.f32 s4, s18;
	[tilespmem:s26+$0x4360] =	vst v52;
	v52 =	vld [tilespmem:$0x1FE90]  }
0xe0: {  	s12 =	smul.f32 s12, s16;
	[tilespmem:s26+$0x4340] =	vst v58;
	v58 =	vmul.f32 s2, v57;
	s2 =	ssub.f32 $1.500000000e+00, s21;
	v57 =	vld [tilespmem:$0x1FEA0]  }
0xe1: {  	s10 =	simm.s32 @!p0 $0x3F800000;
	v29 =	vld [tilespmem:s26+$0x850];
	(xrf2) =	vadd.scan.msk.f32 $0xffff, v63;
	v63, _, _ =	vpop (xrf2);
	s18 =	smul.f32 s4, s13  }
0xe2: {  	s22 =	ssub.f32 $1.500000000e+00, s12;
	(v2sf) =	vpush v63, $0xF;
	v63 =	vmul.f32 v31, v31;
	v46 =	vmul.f32 s10, v46;
	[tilespmem:s26+$0x4370] =	vst v58;
	v58 =	vld [tilespmem:$0x1FEB0];
	s15 =	smul.f32 s2, s17  }
0xe3: {  	[tilespmem:s26+$0x42C0] =	vst v39;
	p0 =	sgt.f32 s28, $1.000000000e+00;
	v30 =	vld [tilespmem:s26+$0x860];
	s28 =	smul.f32 s18, s4;
	v47 =	vmul.f32 s10, v47;
	v39 =	vmul.f32 s10, v48  }
0xe4: {  	s12 =	smul.f32 s22, s16;
	[tilespmem:s26+$0x4380] =	vst v46;
	v46 =	vmul.f32 v24, v24;
	v48 =	vmul.f32 s10, v52  }
0xe5: {  	s16 =	ssub.f32 $1.500000000e+00, s28;
	s17 =	smul.f32 s15, s14;
	v34 =	vmul.f32 s10, v57;
	v52 =	vmul.f32 v25, v25;
	[tilespmem:s26+$0x4390] =	vst v47  }
0xe6: {  	s28 =	smul.f32 s12, s31;
	v47 =	vmul.f32 v26, v26;
	v57 =	vmul.f32 v27, v27;
	[tilespmem:s26+$0x43A0] =	vst v39  }
0xe7: {  	v39 =	vmul.f32 v28, v28;
	s4 =	smul.f32 s16, s4;
	v40 =	vmul.f32 s10, v58;
	[tilespmem:s26+$0x43B0] =	vst v48  }
0xe8: {  	s11 =	simm.s32 @!p0 $0x3F800000;
	p0 =	sgt.f32 s29, $1.000000000e+00;
	s16 =	smul.f32 s17, s15;
	v58 =	vmul.f32 v29, v29;
	v48 =	vmul.f32 v30, v30;
	[tilespmem:s26+$0x43C0] =	vst v34;
	v34 =	vadd.f32 v52, v46;
	v52 =	vld [tilespmem:$0x1FEC0]  }
0xe9: {  	v46 =	vadd.f32 v57, v47;
	s13 =	smul.f32 s4, s13  }
0xea: {  	s30 =	simm.s32 @!p0 $0x3F800000;
	p0 =	sgt.f32 s28, $1.000000000e+00;
	s16 =	ssub.f32 $1.500000000e+00, s16;
	v39 =	vadd.f32 v58, v39;
	v57 =	vadd.f32 v63, v48;
	v58 =	vld [tilespmem:$0x1FED0]  }
0xeb: {  	v63 =	vld [tilespmem:$0x1FEE0];
	s22 =	smul.f32 s13, s4  }
0xec: {  	s12 =	simm.s32 @!p0 $0x3F800000;
	s13 =	smul.f32 s16, s15;
	v39 =	vadd.f32 v57, v39;
	v57 =	vld [tilespmem:$0x1FF00]  }
0xed: {  	s19 =	spop (v2sf);
	v37 =	vmul.f32 s12, v37;
	v47 =	vmul.f32 s10, v52;
	v52 =	vld [tilespmem:$0x1FEF0]  }
0xee: {  	s2 =	smax.f32 s19, $1.000000000e-30;
	[tilespmem:s26+$0x43D0] =	vst v40;
	s9 =	smul.f32 s13, s9  }
0xef: {  	s20 =	sshrl.u32 s2, $0x1;
	s14 =	smul.f32 $5.000000000e-01, s2;
	[tilespmem:s26+$0x4520] =	vst v37;
	v48 =	vmul.f32 s10, v58  }
0xf0: {  	v34 =	vadd.f32 v46, v34;
	[tilespmem:s26+$0x43E0] =	vst v47;
	v47 =	vmul.f32 s11, v63;
	s10 =	ssub.s32 $0x5F3759DF, s20;
	p0 =	sgt.f32 s9, $1.000000000e+00  }
0xf1: {  	v58 =	vld [tilespmem:$0x1FF10];
	s21 =	smul.f32 s10, s14;
	[tilespmem:s26+$0x43F0] =	vst v48;
	v46 =	vmul.f32 s11, v57  }
0xf2: {  	v34 =	vadd.f32 v39, v34;
	[tilespmem:s26+$0x4400] =	vst v47;
	v47 =	vld [tilespmem:$0x1FF30];
	s13 =	simm.s32 @!p0 $0x3F800000;
	v40 =	vmul.f32 s11, v52  }
0xf3: {  	v63, _, _ =	vpop (xrf2);
	v48 =	vld [tilespmem:$0x1FF40];
	s17 =	smul.f32 s10, s21;
	v32 =	vmul.f32 s13, v32;
	[tilespmem:s26+$0x4420] =	vst v46  }
0xf4: {  	(v2sf) =	vpush v63, $0xF;
	(xrf2) =	vadd.scan.msk.f32 $0xffff, v34;
	v52 =	vld [tilespmem:$0x1FF50];
	v33 =	vmul.f32 s13, v33;
	[tilespmem:s26+$0x4410] =	vst v40  }
0xf5: {  	v49 =	vmul.f32 s13, v49;
	v46 =	vld [tilespmem:$0x1FF20];
	s17 =	ssub.f32 $1.500000000e+00, s17;
	[tilespmem:s26+$0x45B0] =	vst v32  }
0xf6: {  	s18 =	spop (v2sf);
	v53 =	vmul.f32 s13, v53;
	[tilespmem:s26+$0x45C0] =	vst v33  }
0xf7: {  	v57 =	vld [tilespmem:$0x1FF60];
	v39 =	vmul.f32 s11, v58;
	[tilespmem:s26+$0x45D0] =	vst v49;
	s31 =	smul.f32 s10, s17;
	s10 =	smax.f32 s18, $1.000000000e-30  }
0xf8: {  	s29 =	ssub.f32 $1.500000000e+00, s22;
	v58 =	vld [tilespmem:$0x1FF70];
	[tilespmem:s26+$0x45F0] =	vst v53;
	v34 =	vmul.f32 s11, v47;
	s15 =	smul.f32 $5.000000000e-01, s10  }
0xf9: {  	v63 =	vld [tilespmem:$0x1FF80];
	[tilespmem:s26+$0x4430] =	vst v39;
	v39 =	vmul.f32 s11, v48;
	s17 =	smul.f32 s31, s14  }
0xfa: {  	v40 =	vmul.f32 s11, v46;
	[tilespmem:s26+$0x4450] =	vst v34;
	v34 =	vmul.f32 s11, v52;
	s11 =	smul.f32 s29, s4;
	s4 =	sshrl.u32 s10, $0x1  }
0xfb: {  	[tilespmem:s26+$0x4460] =	vst v39;
	v46 =	vld [tilespmem:$0x1FFA0];
	s4 =	ssub.s32 $0x5F3759DF, s4;
	s17 =	smul.f32 s17, s31  }
0xfc: {  	v39 =	vmul.f32 s30, v57;
	[tilespmem:s26+$0x4440] =	vst v40;
	v40 =	vld [tilespmem:$0x1FF90];
	s19 =	smul.f32 s4, s15  }
0xfd: {  	v48 =	vld [tilespmem:$0x1FFC0];
	[tilespmem:s26+$0x4470] =	vst v34;
	v34 =	vmul.f32 s30, v58;
	s17 =	ssub.f32 $1.500000000e+00, s17  }
0xfe: {  	[tilespmem:s26+$0x4480] =	vst v39;
	v39 =	vmul.f32 s30, v63;
	v57, _, _ =	vpop (xrf2);
	s18 =	smul.f32 s4, s19  }
0xff: {  	v47 =	vld [tilespmem:$0x1FFB0];
	v63 =	vmul.f32 s12, v35;
	(v2sf) =	vpush v57, $0xF;
	[tilespmem:s26+$0x4490] =	vst v34;
	s16 =	smul.f32 s17, s31  }
0x100: {  	v58 =	vld [tilespmem:$0x1FFE0];
	[tilespmem:s26+$0x44A0] =	vst v39;
	v39 =	vmul.f32 s30, v46;
	s17 =	smul.f32 s11, s0;
	s20 =	ssub.f32 $1.500000000e+00, s18  }
0x101: {  	[tilespmem:s26+$0x4510] =	vst v63;
	v34 =	vmul.f32 s30, v40;
	s14 =	smul.f32 s16, s14  }
0x102: {  	v52 =	vld [tilespmem:$0x1FFD0];
	[tilespmem:s26+$0x44C0] =	vst v39;
	v39 =	vmul.f32 s30, v48;
	s4 =	smul.f32 s4, s20  }
0x103: {  	s21 =	spop (v2sf);
	v40 =	vmul.f32 s12, v42;
	[tilespmem:s26+$0x44B0] =	vst v34;
	s22 =	smul.f32 s14, s16  }
0x104: {  	v46 =	vld [tilespmem:$0x1FFF0];
	s0 =	smax.f32 s21, $1.000000000e-30;
	v34 =	vmul.f32 s30, v47;
	[tilespmem:s26+$0x44E0] =	vst v39;
	s28 =	smul.f32 s4, s15  }
0x105: {  	v42 =	vmul.f32 s12, v38;
	v39 =	vmul.f32 s12, v58;
	[tilespmem:s26+$0x4540] =	vst v40;
	s18 =	sshrl.u32 s0, $0x1;
	s14 =	smul.f32 $5.000000000e-01, s0  }
0x106: {  	v48 =	vmul.f32 s13, v45;
	v47 =	vmul.f32 s13, v43;
	s18 =	ssub.s32 $0x5F3759DF, s18;
	[tilespmem:s26+$0x44D0] =	vst v34;
	s9 =	ssub.f32 $1.500000000e+00, s22;
	s29 =	smul.f32 s28, s4  }
0x107: {  	v34 =	vmul.f32 s30, v52;
	[tilespmem:s26+$0x4500] =	vst v39;
	v39 =	vmul.f32 s12, v41;
	s30 =	smul.f32 s18, s14  }
0x108: {  	[tilespmem:s26+$0x4560] =	vst v42;
	v41 =	vmul.f32 s12, v44;
	v44 =	vmul.f32 s12, v36;
	s9 =	smul.f32 s9, s16;
	s12 =	ssub.f32 $1.500000000e+00, s29  }
0x109: {  	[tilespmem:s26+$0x45A0] =	vst v48;
	v35 =	vmul.f32 s13, v46;
	s31 =	smul.f32 s18, s30  }
0x10a: {  	[tilespmem:s26+$0x4590] =	vst v47;
	s4 =	smul.f32 s12, s4  }
0x10b: {  	[tilespmem:s26+$0x4580] =	vst v35;
	s12 =	smul.f32 s9, s2;
	s19 =	ssub.f32 $1.500000000e+00, s31  }
0x10c: {  	p0 =	sgt.f32 s17, $1.000000000e+00;
	[tilespmem:s26+$0x44F0] =	vst v34;
	s15 =	smul.f32 s4, s15  }
0x10d: {  	[tilespmem:s26+$0x4530] =	vst v39;
	s16 =	smul.f32 s18, s19  }
0x10e: {  	s11 =	simm.s32 @!p0 $0x3F800000;
	v52 =	vmul.f32 s13, v55;
	[tilespmem:s26+$0x4550] =	vst v41;
	s21 =	spop (v2sf);
	s20 =	smul.f32 s15, s4  }
0x10f: {  	v55 =	vmul.f32 s11, v56;
	[tilespmem:s26+$0x4570] =	vst v44;
	s2 =	smax.f32 s21, $1.000000000e-30;
	s22 =	smul.f32 s16, s14  }
0x110: {  	v56 =	vmul.f32 s11, v50;
	[tilespmem:s26+$0x45E0] =	vst v52;
	s28 =	sshrl.u32 s2, $0x1;
	s29 =	smul.f32 $5.000000000e-01, s2  }
0x111: {  	v57 =	vmul.f32 s11, v51;
	[tilespmem:s26+$0x4600] =	vst v55;
	s17 =	ssub.s32 $0x5F3759DF, s28;
	s15 =	smul.f32 s22, s16  }
0x112: {  	v58 =	vmul.f32 s11, v54;
	[tilespmem:s26+$0x4610] =	vst v56;
	s30 =	smul.f32 s17, s29  }
0x113: {  	v59 =	vmul.f32 s11, v59;
	[tilespmem:s26+$0x4620] =	vst v57;
	p0 =	sgt.f32 s12, $1.000000000e+00;
	s13 =	ssub.f32 $1.500000000e+00, s20  }
0x114: {  	v60 =	vmul.f32 s11, v60;
	[tilespmem:s26+$0x4630] =	vst v58;
	s31 =	ssub.f32 $1.500000000e+00, s15;
	s15 =	smul.f32 s17, s30  }
0x115: {  	v61 =	vmul.f32 s11, v61;
	[tilespmem:s26+$0x4640] =	vst v59;
	s4 =	smul.f32 s13, s4  }
0x116: {  	v63 =	vmul.f32 s11, v62;
	[tilespmem:s26+$0x4650] =	vst v60;
	s9 =	simm.s32 @!p0 $0x3F800000;
	s13 =	smul.f32 s31, s16;
	s19 =	ssub.f32 $1.500000000e+00, s15  }
0x117: {  	[tilespmem:s26+$0x4660] =	vst v61;
	v1 =	vmul.f32 s9, v1;
	s10 =	smul.f32 s4, s10  }
0x118: {  	[tilespmem:s26+$0x4670] =	vst v63;
	v0 =	vmul.f32 s9, v0;
	s11 =	smul.f32 s17, s19  }
0x119: {  	v34 =	vmul.f32 s9, v2;
	[tilespmem:s26+$0x4680] =	vst v1;
	s20 =	smul.f32 s13, s14  }
0x11a: {  	v35 =	vmul.f32 s9, v3;
	[tilespmem:s26+$0x4690] =	vst v0;
	s21 =	smul.f32 s11, s29  }
0x11b: {  	v36 =	vmul.f32 s9, v4;
	[tilespmem:s26+$0x46A0] =	vst v34;
	s12 =	smul.f32 s20, s13  }
0x11c: {  	v37 =	vmul.f32 s9, v5;
	[tilespmem:s26+$0x46B0] =	vst v35;
	p0 =	sgt.f32 s10, $1.000000000e+00;
	s22 =	smul.f32 s21, s11  }
0x11d: {  	v38 =	vmul.f32 s9, v6;
	[tilespmem:s26+$0x46C0] =	vst v36;
	s12 =	ssub.f32 $1.500000000e+00, s12  }
0x11e: {  	v39 =	vmul.f32 s9, v7;
	[tilespmem:s26+$0x46D0] =	vst v37;
	s4 =	simm.s32 @!p0 $0x3F800000;
	s28 =	ssub.f32 $1.500000000e+00, s22  }
0x11f: {  	[tilespmem:s26+$0x46E0] =	vst v38;
	v40 =	vmul.f32 s4, v8;
	s10 =	smul.f32 s12, s13  }
0x120: {  	[tilespmem:s26+$0x46F0] =	vst v39;
	v41 =	vmul.f32 s4, v9;
	s9 =	smul.f32 s28, s11  }
0x121: {  	v42 =	vmul.f32 s4, v10;
	[tilespmem:s26+$0x4700] =	vst v40;
	s0 =	smul.f32 s10, s0  }
0x122: {  	v43 =	vmul.f32 s4, v11;
	[tilespmem:s26+$0x4710] =	vst v41;
	s11 =	smul.f32 s9, s29  }
0x123: {  	v44 =	vmul.f32 s4, v12;
	[tilespmem:s26+$0x4720] =	vst v42  }
0x124: {  	v45 =	vmul.f32 s4, v13;
	[tilespmem:s26+$0x4730] =	vst v43;
	p0 =	sgt.f32 s0, $1.000000000e+00;
	s29 =	smul.f32 s11, s9  }
0x125: {  	v46 =	vmul.f32 s4, v14;
	[tilespmem:s26+$0x4740] =	vst v44  }
0x126: {  	v47 =	vmul.f32 s4, v15;
	[tilespmem:s26+$0x4750] =	vst v45;
	s10 =	simm.s32 @!p0 $0x3F800000;
	s0 =	ssub.f32 $1.500000000e+00, s29  }
0x127: {  	[tilespmem:s26+$0x4760] =	vst v46;
	v48 =	vmul.f32 s10, v16  }
0x128: {  	[tilespmem:s26+$0x4770] =	vst v47;
	v49 =	vmul.f32 s10, v17;
	s0 =	smul.f32 s0, s9  }
0x129: {  	v50 =	vmul.f32 s10, v18;
	[tilespmem:s26+$0x4780] =	vst v48  }
0x12a: {  	v51 =	vmul.f32 s10, v19;
	[tilespmem:s26+$0x4790] =	vst v49;
	s2 =	smul.f32 s0, s2  }
0x12b: {  	v52 =	vmul.f32 s10, v20;
	[tilespmem:s26+$0x47A0] =	vst v50  }
0x12c: {  	v53 =	vmul.f32 s10, v21;
	[tilespmem:s26+$0x47B0] =	vst v51;
	p0 =	sgt.f32 s2, $1.000000000e+00  }
0x12d: {  	v54 =	vmul.f32 s10, v22;
	[tilespmem:s26+$0x47C0] =	vst v52  }
0x12e: {  	v55 =	vmul.f32 s10, v23;
	[tilespmem:s26+$0x47D0] =	vst v53;
	s0 =	simm.s32 @!p0 $0x3F800000  }
0x12f: {  	[tilespmem:s26+$0x47E0] =	vst v54;
	v56 =	vmul.f32 s0, v24  }
0x130: {  	[tilespmem:s26+$0x47F0] =	vst v55;
	v57 =	vmul.f32 s0, v25  }
0x131: {  	v58 =	vmul.f32 s0, v26;
	[tilespmem:s26+$0x4800] =	vst v56  }
0x132: {  	v59 =	vmul.f32 s0, v27;
	[tilespmem:s26+$0x4810] =	vst v57  }
0x133: {  	s30 =	sshll.u32 s25, $0x8;
	s25 =	sadd.s32 $0x1, s25;
	v60 =	vmul.f32 s0, v28;
	[tilespmem:s26+$0x4820] =	vst v58  }
0x134: {  	p0 =	sne.s32 s25, $0x8;
	v61 =	vmul.f32 s0, v29;
	[tilespmem:s26+$0x4830] =	vst v59  }
.Ltmp0:
0x135: {  	v62 =	vmul.f32 s0, v30;
	[tilespmem:s26+$0x4840] =	vst v60;
	(pc) =	sbr.rel @p0 .LBB2_2-.Ltmp0, $4  }
0x136: {  	v63 =	vmul.f32 s0, v31;
	[tilespmem:s26+$0x4850] =	vst v61  }
0x137: {  	[tilespmem:s26+$0x4860] =	vst v62  }
0x138: {  	s31 =	sadd.s32 $0x4080, s26;
	s0 =	sadd.s32 s30, s5;
	[tilespmem:s26+$0x4870] =	vst v63  }
0x139: {  	[hbm4b:s0+s3] =	stream.linear.scatter [tilespmem:s31], [sflag:$0x9], $0x800, $0x38;
	[tilespmem:$0x8080] =	vst v63  }
0x13a: {  	s24 =	sadd.s32 $0x1, s24  }
0x13b: {  	p0 =	sne.s32 s24, s6  }
.Ltmp1:
0x13c: {  	_ = 	snop;
	(pc) =	sbr.rel @p0 .LBB2_1-.Ltmp1, $4  }
0x13d: {  	_ = 	snop  }
0x13e: {  	_ =	swait.ge [sflag:s23], $0x4000  }
0x13f: {  	[sflag:s23] =	ssyncset.done $0x0  }
0x140: {  	[sflag:s23] =	ssyncadd.s32 $0xFFFFC000  }
0x141: {  	_ =	sfence.sel $0x180000  }
0x142: {  	[bflag:$0x0] =	sbarrier.arrive $0xFFFF  }
0x143: {  	_ =	strace $0x90000047  }
0x144: {  	s0 =	stileid.u32;
	[bflag:$0x2] =	sbarrier.arrive $0xFFFF  }
0x145: {  	p0 =	sne.s32 s0, $0x0;
	s0 =	rddreg [dreg:$0x3]  }
0x146: {  	s0 =	sadd.s32 @!p0 $0x100000, s0  }
0x147: {  	[sflag:s0] =	ssyncadd.tile.s32 @!p0 $0x1;
	_ =	shalt  }
.Lfunc_end2:
_tile_overlayer_lowered:
.L_overlay_start_2:
0x148: {  	(tag) =	ssettag $0x2  }
0x149: {  	s0 =	rddreg [dreg:$0x0];
	s2 =	stileid.u32  }
0x14a: {  	s1 =	rddreg [dreg:$0x1];
	p0 =	sne.s32 s2, $0x0  }
0x14b: {  	s3 =	rddreg [dreg:$0x2];
	[bflag:$0x3] =	sbarrier.arrive $0xFFFF;
	s2 =	simm.s32 @!p0 $0x1C0A  }
0x14c: {  	[timem:s3], [sflag:s2] =	dma.local @!p0 [hbm:s0], s1  }
0x14d: {  	s0 =	simm.s32 @!p0 $0xA  }
0x14e: {  	_ =	swait.ge @!p0 [sflag:s0], s1  }
0x14f: {  	s1 =	ssub.s32 @!p0 $0x0, s1;
	[sflag:s0] =	ssyncset.done @!p0 $0x0  }
0x150: {  	[sflag:s0] =	ssyncadd.s32 @!p0 s1  }
0x151: {  	[bflag:$0x3] =	sbarrier.arrive $0xFFFF  }
0x152: {  	_ =	shalt  }

</sc_bundles>
